<compile_context>
chip_gen: v7x
topology: tpu7x:2x2x1
jax: 0.10.2.dev20260603
libtpu: 0.0.44.dev20260713+nightly
codegen_flags: <defaults>
</compile_context>

<pallas_src>
import functools

import jax
import jax.numpy as jnp
from jax import lax
from jax.experimental import pallas as pl
from jax.experimental.pallas import tpu as pltpu
from jax.experimental.pallas import tpu_sc as plsc

N = 10000
DF = 128
DE = 16
DM = 128
L = 3

NC, NS, LANES = 2, 16, 16
GRP = 128
G = 80
HG = 40
EPT = G * GRP
E_PAD = NC * NS * EPT
N_PAD = 10240
RPZ = N_PAD // NS
RPO = N // NS


def _sc_body(h_hbm, srcs_hbm, dsts_hbm, e_hbm, out0_hbm, out1_hbm,
             src_v, dst_v, ebuf0, ebuf1, agg_sh, gsem0, gsem1):
    c = lax.axis_index("c")
    s = lax.axis_index("s")
    t = c * NS + s
    bufs = (ebuf0, ebuf1)
    sems = (gsem0, gsem1)

    zv = jnp.zeros((LANES,), jnp.float32)

    def zrow(r, _):
        for j in range(DM // LANES):
            ebuf0[r, pl.ds(j * LANES, LANES)] = zv
        return 0

    lax.fori_loop(0, GRP, zrow, 0)

    def zcopy(k, _):
        pltpu.sync_copy(ebuf0, agg_sh.at[pl.ds(s * RPZ + k * GRP, GRP)])
        return 0

    lax.fori_loop(0, RPZ // GRP, zcopy, 0)
    plsc.subcore_barrier()

    ebase = t * EPT

    def fetch(ph, g, b):
        pltpu.sync_copy(e_hbm.at[pl.ds(ebase + (ph * HG + g) * GRP, GRP)],
                        bufs[b])
        pltpu.async_copy(h_hbm.at[src_v.at[g]], bufs[b], sems[b], add=True)

    def phase(ph, _):
        pltpu.sync_copy(srcs_hbm.at[t, pl.ds(ph * HG, HG)], src_v)
        pltpu.sync_copy(dsts_hbm.at[t, pl.ds(ph * HG, HG)], dst_v)

        for b in range(2):
            fetch(ph, b, b)

        def pair(q, _):
            for b in range(2):
                g = q * 2 + b
                pltpu.make_async_copy(h_hbm.at[src_v.at[g]], bufs[b],
                                      sems[b]).wait()

                def crow(r, _):
                    for j in range(DM // LANES):
                        sl = pl.ds(j * LANES, LANES)
                        bufs[b][r, sl] = jnp.maximum(bufs[b][r, sl], 0.0)
                    return 0

                lax.fori_loop(0, GRP, crow, 0)
                pltpu.sync_copy(bufs[b], agg_sh.at[dst_v.at[g]], add=True)

                @pl.when(g + 2 < HG)
                def _():
                    fetch(ph, g + 2, b)
            return 0

        lax.fori_loop(0, HG // 2, pair, 0)
        return 0

    lax.fori_loop(0, G // HG, phase, 0)
    plsc.subcore_barrier()

    @pl.when(c == 0)
    def _():
        pltpu.sync_copy(agg_sh.at[pl.ds(s * RPZ, RPZ)],
                        out0_hbm.at[pl.ds(s * RPZ, RPZ)])

    @pl.when(c == 1)
    def _():
        pltpu.sync_copy(agg_sh.at[pl.ds(s * RPZ, RPZ)],
                        out1_hbm.at[pl.ds(s * RPZ, RPZ)])


@functools.cache
def _make_sc_agg():
    return pl.kernel(
        _sc_body,
        out_type=[jax.ShapeDtypeStruct((N_PAD, DM), jnp.float32),
                  jax.ShapeDtypeStruct((N_PAD, DM), jnp.float32)],
        mesh=plsc.VectorSubcoreMesh(core_axis_name="c", subcore_axis_name="s",
                                    num_cores=NC, num_subcores=NS),
        scratch_types=[
            pltpu.VMEM((HG, GRP), jnp.int32),
            pltpu.VMEM((HG, GRP), jnp.int32),
            pltpu.VMEM((GRP, DM), jnp.float32),
            pltpu.VMEM((GRP, DM), jnp.float32),
            pltpu.VMEM_SHARED((N_PAD, DM), jnp.float32),
            pltpu.SemaphoreType.DMA,
            pltpu.SemaphoreType.DMA,
        ],
    )


def _sc_agg(h, src, dst, e):
    return _make_sc_agg()(h, src, dst, e)


def _bdot(a, b):
    return jnp.dot(a.astype(jnp.bfloat16), b.astype(jnp.bfloat16),
                   preferred_element_type=jnp.float32)


def _matmul_bias_body(a_ref, w_ref, b_ref, o_ref):
    o_ref[...] = _bdot(a_ref[...], w_ref[...]) + b_ref[...]


def _feat_embed(x, w, b2d):
    rb = 1000
    return pl.pallas_call(
        _matmul_bias_body,
        grid=(N // rb,),
        in_specs=[pl.BlockSpec((rb, DF), lambda i: (i, 0)),
                  pl.BlockSpec((DF, DM), lambda i: (0, 0)),
                  pl.BlockSpec((1, DM), lambda i: (0, 0))],
        out_specs=pl.BlockSpec((rb, DM), lambda i: (i, 0)),
        out_shape=jax.ShapeDtypeStruct((N, DM), jnp.float32),
    )(x, w, b2d)


def _edge_encode(a_pad, w, b2d):
    rb = 4096
    return pl.pallas_call(
        _matmul_bias_body,
        grid=(E_PAD // rb,),
        in_specs=[pl.BlockSpec((rb, DE), lambda i: (i, 0)),
                  pl.BlockSpec((DE, DM), lambda i: (0, 0)),
                  pl.BlockSpec((1, DM), lambda i: (0, 0))],
        out_specs=pl.BlockSpec((rb, DM), lambda i: (i, 0)),
        out_shape=jax.ShapeDtypeStruct((E_PAD, DM), jnp.float32),
    )(a_pad, w, b2d)


def _mlp_body(h_ref, p0_ref, p1_ref, w1_ref, b1_ref, w2_ref, b2_ref, eps_ref,
              z2_ref, s_ref):
    z = (1.0 + eps_ref[0, 0]) * h_ref[...] + p0_ref[...] + p1_ref[...]
    z1 = jnp.maximum(_bdot(z, w1_ref[...]) + b1_ref[...], 0.0)
    z2 = _bdot(z1, w2_ref[...]) + b2_ref[...]
    z2_ref[...] = z2
    s_ref[...] = jnp.sum(z2, axis=0).reshape(1, 1, DM)


def _gin_mlp(h, p0, p1, w1, b1_2d, w2, b2_2d, eps_2d):
    rb = 1000
    nb = N // rb
    return pl.pallas_call(
        _mlp_body,
        grid=(nb,),
        in_specs=[pl.BlockSpec((rb, DM), lambda i: (i, 0)),
                  pl.BlockSpec((rb, DM), lambda i: (i, 0)),
                  pl.BlockSpec((rb, DM), lambda i: (i, 0)),
                  pl.BlockSpec((DM, 2 * DM), lambda i: (0, 0)),
                  pl.BlockSpec((1, 2 * DM), lambda i: (0, 0)),
                  pl.BlockSpec((2 * DM, DM), lambda i: (0, 0)),
                  pl.BlockSpec((1, DM), lambda i: (0, 0)),
                  pl.BlockSpec((1, 1), lambda i: (0, 0))],
        out_specs=[pl.BlockSpec((rb, DM), lambda i: (i, 0)),
                   pl.BlockSpec((1, 1, DM), lambda i: (i, 0, 0))],
        out_shape=[jax.ShapeDtypeStruct((N, DM), jnp.float32),
                   jax.ShapeDtypeStruct((nb, 1, DM), jnp.float32)],
    )(h, p0, p1, w1, b1_2d, w2, b2_2d, eps_2d)


def _bn_stats_body(z2_ref, s_ref, q_ref):
    mu = jnp.sum(s_ref[...], axis=0) * (1.0 / N)
    d = z2_ref[...] - mu
    q_ref[...] = jnp.sum(d * d, axis=0).reshape(1, 1, DM)


def _bn_stats(z2, psum):
    rb = 1000
    nb = N // rb
    return pl.pallas_call(
        _bn_stats_body,
        grid=(nb,),
        in_specs=[pl.BlockSpec((rb, DM), lambda i: (i, 0)),
                  pl.BlockSpec((nb, 1, DM), lambda i: (0, 0, 0))],
        out_specs=pl.BlockSpec((1, 1, DM), lambda i: (i, 0, 0)),
        out_shape=jax.ShapeDtypeStruct((nb, 1, DM), jnp.float32),
    )(z2, psum)


def _bn_body(z2_ref, s_ref, q_ref, g_ref, b_ref, o_ref):
    mu = jnp.sum(s_ref[...], axis=0) * (1.0 / N)
    var = jnp.sum(q_ref[...], axis=0) * (1.0 / N)
    den = jnp.sqrt(var + 1e-5)
    o_ref[...] = jnp.maximum((z2_ref[...] - mu) / den * g_ref[...] + b_ref[...],
                             0.0)


def _bn_relu(z2, psum, psq, g2d, b2d):
    rb = 1000
    nb = N // rb
    return pl.pallas_call(
        _bn_body,
        grid=(nb,),
        in_specs=[pl.BlockSpec((rb, DM), lambda i: (i, 0)),
                  pl.BlockSpec((nb, 1, DM), lambda i: (0, 0, 0)),
                  pl.BlockSpec((nb, 1, DM), lambda i: (0, 0, 0)),
                  pl.BlockSpec((1, DM), lambda i: (0, 0)),
                  pl.BlockSpec((1, DM), lambda i: (0, 0))],
        out_specs=pl.BlockSpec((rb, DM), lambda i: (i, 0)),
        out_shape=jax.ShapeDtypeStruct((N, DM), jnp.float32),
    )(z2, psum, psq, g2d, b2d)


def kernel(x, edge_index, edge_attr, W_feat, b_feat, W_edge, b_edge,
           W1, b1, W2, b2, gamma, beta, eps_gin):
    pad = E_PAD - edge_index.shape[1]
    src = jnp.pad(edge_index[0], (0, pad)).reshape(NC * NS, G, GRP)
    dst = jnp.pad(edge_index[1], (0, pad),
                  constant_values=N).reshape(NC * NS, G, GRP)
    a_pad = jnp.pad(edge_attr, ((0, pad), (0, 0)))

    h = _feat_embed(x, W_feat, b_feat.reshape(1, DM))
    es = [_edge_encode(a_pad, W_edge[l], b_edge[l].reshape(1, DM))
          for l in range(L)]
    for l in range(L):
        p0, p1 = _sc_agg(h, src, dst, es[l])
        z2, psum = _gin_mlp(h, p0, p1, W1[l], b1[l].reshape(1, 2 * DM),
                            W2[l], b2[l].reshape(1, DM),
                            eps_gin[l].reshape(1, 1))
        psq = _bn_stats(z2, psum)
        h = _bn_relu(z2, psum, psq, gamma[l].reshape(1, DM),
                     beta[l].reshape(1, DM))
    return h

# --- scband reference (transcript-rebuilt; emitter-appended) ---
"""Pipeline reference for scband-gnn-71433896067083 (READ-ONLY COPY).

The authoritative reference and input builder live on the scoring server;
editing this copy changes nothing except your own understanding.
"""

import jax, jax.numpy as jnp
import numpy as np

N = 10000
E = 320000
DF = 128
DE = 16
DM = 128
L = 3


def setup_inputs(seed: int = 0) -> dict:
    key = jax.random.key(seed)
    ks = jax.random.split(key, 16)
    inp = {}
    inp["x"] = jax.random.normal(ks[0], (N, DF), dtype=jnp.float32)
    inp["edge_index"] = jax.random.randint(ks[1], (2, E), 0, N, dtype=jnp.int32)
    inp["edge_attr"] = jax.random.normal(ks[2], (E, DE), dtype=jnp.float32)
    # learned parameters
    inp["W_feat"] = jax.random.normal(ks[3], (DF, DM), dtype=jnp.float32) * 0.05
    inp["b_feat"] = jnp.zeros((DM,), dtype=jnp.float32)
    inp["W_edge"] = jax.random.normal(ks[4], (L, DE, DM), dtype=jnp.float32) * 0.05
    inp["b_edge"] = jnp.zeros((L, DM), dtype=jnp.float32)
    inp["W1"] = jax.random.normal(ks[5], (L, DM, 2 * DM), dtype=jnp.float32) * 0.05
    inp["b1"] = jnp.zeros((L, 2 * DM), dtype=jnp.float32)
    inp["W2"] = jax.random.normal(ks[6], (L, 2 * DM, DM), dtype=jnp.float32) * 0.05
    inp["b2"] = jnp.zeros((L, DM), dtype=jnp.float32)
    inp["gamma"] = jnp.ones((L, DM), dtype=jnp.float32)
    inp["beta"] = jnp.zeros((L, DM), dtype=jnp.float32)
    inp["eps_gin"] = jnp.zeros((L,), dtype=jnp.float32)
    return inp


def reference(x, edge_index, edge_attr, W_feat, b_feat, W_edge, b_edge, W1, b1, W2, b2, gamma, beta, eps_gin):
    src = edge_index[0]
    dst = edge_index[1]
    # feat_embedding
    h = x @ W_feat + b_feat
    for l in range(L):
        # GINConv: encode edge attrs, message = relu(x_j + e), scatter-add to dst
        e = edge_attr @ W_edge[l] + b_edge[l]
        msg = jax.nn.relu(jnp.take(h, src, axis=0) + e)
        agg = jax.ops.segment_sum(msg, dst, num_segments=N)
        z = (1.0 + eps_gin[l]) * h + agg
        # GIN MLP
        z = jax.nn.relu(z @ W1[l] + b1[l]) @ W2[l] + b2[l]
        # BatchNorm1d (training-mode batch statistics)
        mu = jnp.mean(z, axis=0)
        var = jnp.var(z, axis=0)
        z = (z - mu) / jnp.sqrt(var + 1e-5) * gamma[l] + beta[l]
        # relu; dropout p=0 is identity
        h = jax.nn.relu(z)
    # node_embedding_output == 'last'
    return h

if __name__ == "__main__":
    import jax
    _d = setup_inputs()
    print(jax.jit(kernel)(*tuple(_d.values())))

</pallas_src>

<mosaic_0001>
#map = affine_map<(d0, d1) -> (0, 0)>
#map1 = affine_map<(d0, d1) -> (0, 0, 0)>
module attributes {stable_mosaic.version = 14 : i64} {
  func.func @_sc_body(%arg0: i32, %arg1: i32, %arg2: memref<10000x128xf32, #tpu.memory_space<hbm>>, %arg3: memref<32x80x128xi32, #tpu.memory_space<hbm>>, %arg4: memref<32x80x128xi32, #tpu.memory_space<hbm>>, %arg5: memref<327680x128xf32, #tpu.memory_space<hbm>>, %arg6: memref<10240x128xf32, #tpu.memory_space<hbm>>, %arg7: memref<10240x128xf32, #tpu.memory_space<hbm>>, %arg8: memref<40x128xi32, #tpu.memory_space<vmem>>, %arg9: memref<40x128xi32, #tpu.memory_space<vmem>>, %arg10: memref<128x128xf32, #tpu.memory_space<vmem>>, %arg11: memref<128x128xf32, #tpu.memory_space<vmem>>, %arg12: memref<10240x128xf32, #tpu.memory_space<vmem_shared>>, %arg13: memref<!tpu.dma_semaphore, #tpu.memory_space<semaphore_mem>>, %arg14: memref<!tpu.dma_semaphore, #tpu.memory_space<semaphore_mem>>) attributes {dimension_semantics = [#tpu.dimension_semantics<core_parallel>, #tpu.dimension_semantics<subcore_parallel>], iteration_bounds = array<i64: 2, 16>, scalar_prefetch = 0 : i64, scratch_operands = 7 : i64, tpu.core_type = #tpu.core_type<sc_vector_subcore>, window_params = [{transform_indices = #map}, {transform_indices = #map1}, {transform_indices = #map1}, {transform_indices = #map}, {transform_indices = #map}, {transform_indices = #map}]} {
    %mul3A = arith.constant 16 : i32
    %mul3A_0 = arith.muli %arg0, %mul3A : i32
    %add3A = arith.addi %mul3A_0, %arg1 : i32
    %broadcast_in_dim3A = arith.constant 0.000000e+00 : f32
    %broadcast_in_dim3A_1 = vector.broadcast %broadcast_in_dim3A : f32 to vector<16xf32>
    %scan3A = arith.constant 0 : i32
    %scan3A_2 = arith.constant 0 : i32
    %scan3A_3 = arith.constant 128 : i32
    %scan3A_4 = arith.addi %scan3A_2, %scan3A_3 : i32
    %scan3A_5 = arith.constant 1 : i32
    %scan3A_6 = scf.for %scan3A_32 = %scan3A_2 to %scan3A_4 step %scan3A_5 iter_args(%scan3A_33 = %scan3A) -> (i32)  : i32 {
      %swap3A = arith.index_cast %scan3A_32 : i32 to index
      %swap3A_34 = arith.constant 0 : index
      %swap3A_35 = tpu.vector_load %arg10[%swap3A, %swap3A_34] {strides = array<i32>} : memref<128x128xf32, #tpu.memory_space<vmem>>, vector<1x16xf32>,
      %swap3A_36 = vector.shape_cast %swap3A_35 : vector<1x16xf32> to vector<16xf32>
      %swap3A_37 = vector.shape_cast %broadcast_in_dim3A_1 : vector<16xf32> to vector<1x16xf32>
      tpu.vector_store %arg10[%swap3A, %swap3A_34], %swap3A_37 {strides = array<i32>} : memref<128x128xf32, #tpu.memory_space<vmem>>, vector<1x16xf32>,
      %swap3A_38 = arith.index_cast %scan3A_32 : i32 to index
      %swap3A_39 = arith.constant 16 : index
      %swap3A_40 = tpu.vector_load %arg10[%swap3A_38, %swap3A_39] {strides = array<i32>} : memref<128x128xf32, #tpu.memory_space<vmem>>, vector<1x16xf32>,
      %swap3A_41 = vector.shape_cast %swap3A_40 : vector<1x16xf32> to vector<16xf32>
      %swap3A_42 = vector.shape_cast %broadcast_in_dim3A_1 : vector<16xf32> to vector<1x16xf32>
      tpu.vector_store %arg10[%swap3A_38, %swap3A_39], %swap3A_42 {strides = array<i32>} : memref<128x128xf32, #tpu.memory_space<vmem>>, vector<1x16xf32>,
      %swap3A_43 = arith.index_cast %scan3A_32 : i32 to index
      %swap3A_44 = arith.constant 32 : index
      %swap3A_45 = tpu.vector_load %arg10[%swap3A_43, %swap3A_44] {strides = array<i32>} : memref<128x128xf32, #tpu.memory_space<vmem>>, vector<1x16xf32>,
      %swap3A_46 = vector.shape_cast %swap3A_45 : vector<1x16xf32> to vector<16xf32>
      %swap3A_47 = vector.shape_cast %broadcast_in_dim3A_1 : vector<16xf32> to vector<1x16xf32>
      tpu.vector_store %arg10[%swap3A_43, %swap3A_44], %swap3A_47 {strides = array<i32>} : memref<128x128xf32, #tpu.memory_space<vmem>>, vector<1x16xf32>,
      %swap3A_48 = arith.index_cast %scan3A_32 : i32 to index
      %swap3A_49 = arith.constant 48 : index
      %swap3A_50 = tpu.vector_load %arg10[%swap3A_48, %swap3A_49] {strides = array<i32>} : memref<128x128xf32, #tpu.memory_space<vmem>>, vector<1x16xf32>,
      %swap3A_51 = vector.shape_cast %swap3A_50 : vector<1x16xf32> to vector<16xf32>
      %swap3A_52 = vector.shape_cast %broadcast_in_dim3A_1 : vector<16xf32> to vector<1x16xf32>
      tpu.vector_store %arg10[%swap3A_48, %swap3A_49], %swap3A_52 {strides = array<i32>} : memref<128x128xf32, #tpu.memory_space<vmem>>, vector<1x16xf32>,
      %swap3A_53 = arith.index_cast %scan3A_32 : i32 to index
      %swap3A_54 = arith.constant 64 : index
      %swap3A_55 = tpu.vector_load %arg10[%swap3A_53, %swap3A_54] {strides = array<i32>} : memref<128x128xf32, #tpu.memory_space<vmem>>, vector<1x16xf32>,
      %swap3A_56 = vector.shape_cast %swap3A_55 : vector<1x16xf32> to vector<16xf32>
      %swap3A_57 = vector.shape_cast %broadcast_in_dim3A_1 : vector<16xf32> to vector<1x16xf32>
      tpu.vector_store %arg10[%swap3A_53, %swap3A_54], %swap3A_57 {strides = array<i32>} : memref<128x128xf32, #tpu.memory_space<vmem>>, vector<1x16xf32>,
      %swap3A_58 = arith.index_cast %scan3A_32 : i32 to index
      %swap3A_59 = arith.constant 80 : index
      %swap3A_60 = tpu.vector_load %arg10[%swap3A_58, %swap3A_59] {strides = array<i32>} : memref<128x128xf32, #tpu.memory_space<vmem>>, vector<1x16xf32>,
      %swap3A_61 = vector.shape_cast %swap3A_60 : vector<1x16xf32> to vector<16xf32>
      %swap3A_62 = vector.shape_cast %broadcast_in_dim3A_1 : vector<16xf32> to vector<1x16xf32>
      tpu.vector_store %arg10[%swap3A_58, %swap3A_59], %swap3A_62 {strides = array<i32>} : memref<128x128xf32, #tpu.memory_space<vmem>>, vector<1x16xf32>,
      %swap3A_63 = arith.index_cast %scan3A_32 : i32 to index
      %swap3A_64 = arith.constant 96 : index
      %swap3A_65 = tpu.vector_load %arg10[%swap3A_63, %swap3A_64] {strides = array<i32>} : memref<128x128xf32, #tpu.memory_space<vmem>>, vector<1x16xf32>,
      %swap3A_66 = vector.shape_cast %swap3A_65 : vector<1x16xf32> to vector<16xf32>
      %swap3A_67 = vector.shape_cast %broadcast_in_dim3A_1 : vector<16xf32> to vector<1x16xf32>
      tpu.vector_store %arg10[%swap3A_63, %swap3A_64], %swap3A_67 {strides = array<i32>} : memref<128x128xf32, #tpu.memory_space<vmem>>, vector<1x16xf32>,
      %swap3A_68 = arith.index_cast %scan3A_32 : i32 to index
      %swap3A_69 = arith.constant 112 : index
      %swap3A_70 = tpu.vector_load %arg10[%swap3A_68, %swap3A_69] {strides = array<i32>} : memref<128x128xf32, #tpu.memory_space<vmem>>, vector<1x16xf32>,
      %swap3A_71 = vector.shape_cast %swap3A_70 : vector<1x16xf32> to vector<16xf32>
      %swap3A_72 = vector.shape_cast %broadcast_in_dim3A_1 : vector<16xf32> to vector<1x16xf32>
      tpu.vector_store %arg10[%swap3A_68, %swap3A_69], %swap3A_72 {strides = array<i32>} : memref<128x128xf32, #tpu.memory_space<vmem>>, vector<1x16xf32>,
      %scan3A_73 = arith.constant 0 : i32
      scf.yield %scan3A_73 : i32
    }
    %scan3A_7 = arith.constant 128 : i32
    %scan3A_8 = arith.constant 0 : i32
    %scan3A_9 = arith.constant 0 : i32
    %scan3A_10 = arith.constant 5 : i32
    %scan3A_11 = arith.addi %scan3A_9, %scan3A_10 : i32
    %scan3A_12 = arith.constant 1 : i32
    %scan3A_13 = scf.for %scan3A_32 = %scan3A_9 to %scan3A_11 step %scan3A_12 iter_args(%scan3A_33 = %scan3A_8) -> (i32)  : i32 {
      %mul3A_34 = arith.constant 640 : i32
      %mul3A_35 = arith.muli %arg1, %mul3A_34 : i32
      %mul3A_36 = arith.constant 128 : i32
      %mul3A_37 = arith.muli %scan3A_32, %mul3A_36 : i32
      %add3A_38 = arith.addi %mul3A_35, %mul3A_37 : i32
      "tpu.region"() ({
        %run_scoped3A = tpu.sem_alloc : memref<!tpu.dma_semaphore, #tpu.memory_space<semaphore_mem>>
        %dma_start3A = arith.constant 0 : i32
        %dma_start3A_40 = tpu.memref_slice %arg12[%add3A_38, %dma_start3A] : memref<10240x128xf32, #tpu.memory_space<vmem_shared>> -> memref<128x128xf32, #tpu.memory_space<vmem_shared>>
        %dma_start3A_41 = arith.constant 0 : i32
        %dma_start3A_42 = tpu.memref_slice %arg12[%add3A_38, %dma_start3A_41] : memref<10240x128xf32, #tpu.memory_space<vmem_shared>> -> memref<128x128xf32, #tpu.memory_space<vmem_shared>>
        tpu.enqueue_dma source(%arg10 : memref<128x128xf32, #tpu.memory_space<vmem>>) target(%dma_start3A_42 : memref<128x128xf32, #tpu.memory_space<vmem_shared>>) target_semaphore(%run_scoped3A : memref<!tpu.dma_semaphore, #tpu.memory_space<semaphore_mem>>)
        %dma_wait3A = arith.constant 0 : i32
        %dma_wait3A_43 = tpu.memref_slice %arg12[%add3A_38, %dma_wait3A] : memref<10240x128xf32, #tpu.memory_space<vmem_shared>> -> memref<128x128xf32, #tpu.memory_space<vmem_shared>>
        %dma_wait3A_44 = arith.constant 0 : i32
        %dma_wait3A_45 = tpu.memref_slice %arg12[%add3A_38, %dma_wait3A_44] : memref<10240x128xf32, #tpu.memory_space<vmem_shared>> -> memref<128x128xf32, #tpu.memory_space<vmem_shared>>
        tpu.wait_dma2 semaphore(%run_scoped3A : memref<!tpu.dma_semaphore, #tpu.memory_space<semaphore_mem>>) src(%arg10 : memref<128x128xf32, #tpu.memory_space<vmem>>) dst(%dma_wait3A_45 : memref<128x128xf32, #tpu.memory_space<vmem_shared>>)
        tpu.yield
      }) : () -> ()
      %scan3A_39 = arith.constant 0 : i32
      scf.yield %scan3A_39 : i32
    }
    %scan3A_14 = arith.constant 5 : i32
    %barrier3A = arith.constant 0 : index
    tpu.barrier barrier_id(%barrier3A)
    %mul3A_15 = arith.constant 10240 : i32
    %mul3A_16 = arith.muli %add3A, %mul3A_15 : i32
    %scan3A_17 = arith.constant 0 : i32
    %scan3A_18 = arith.constant 0 : i32
    %scan3A_19 = arith.constant 2 : i32
    %scan3A_20 = arith.addi %scan3A_18, %scan3A_19 : i32
    %scan3A_21 = arith.constant 1 : i32
    %scan3A_22 = scf.for %scan3A_32 = %scan3A_18 to %scan3A_20 step %scan3A_21 iter_args(%scan3A_33 = %scan3A_17) -> (i32)  : i32 {
      %mul3A_34 = arith.constant 40 : i32
      %mul3A_35 = arith.muli %scan3A_32, %mul3A_34 : i32
      "tpu.region"() ({
        %run_scoped3A = tpu.sem_alloc : memref<!tpu.dma_semaphore, #tpu.memory_space<semaphore_mem>>
        %dma_start3A_73 = arith.constant 0 : i32
        %dma_start3A_74 = tpu.memref_slice %arg3[%add3A, %mul3A_35, %dma_start3A_73] : memref<32x80x128xi32, #tpu.memory_space<hbm>> -> memref<1x40x128xi32, #tpu.memory_space<hbm>>
        %dma_start3A_75 = tpu.memref_squeeze %dma_start3A_74 : memref<1x40x128xi32, #tpu.memory_space<hbm>> -> memref<40x128xi32, #tpu.memory_space<hbm>>
        %dma_start3A_76 = arith.constant 0 : i32
        %dma_start3A_77 = tpu.memref_slice %arg3[%add3A, %mul3A_35, %dma_start3A_76] : memref<32x80x128xi32, #tpu.memory_space<hbm>> -> memref<1x40x128xi32, #tpu.memory_space<hbm>>
        %dma_start3A_78 = tpu.memref_squeeze %dma_start3A_77 : memref<1x40x128xi32, #tpu.memory_space<hbm>> -> memref<40x128xi32, #tpu.memory_space<hbm>>
        tpu.enqueue_dma source(%dma_start3A_78 : memref<40x128xi32, #tpu.memory_space<hbm>>) target(%arg8 : memref<40x128xi32, #tpu.memory_space<vmem>>) target_semaphore(%run_scoped3A : memref<!tpu.dma_semaphore, #tpu.memory_space<semaphore_mem>>)
        %dma_wait3A = arith.constant 0 : i32
        %dma_wait3A_79 = tpu.memref_slice %arg3[%add3A, %mul3A_35, %dma_wait3A] : memref<32x80x128xi32, #tpu.memory_space<hbm>> -> memref<1x40x128xi32, #tpu.memory_space<hbm>>
        %dma_wait3A_80 = tpu.memref_squeeze %dma_wait3A_79 : memref<1x40x128xi32, #tpu.memory_space<hbm>> -> memref<40x128xi32, #tpu.memory_space<hbm>>
        %dma_wait3A_81 = arith.constant 0 : i32
        %dma_wait3A_82 = tpu.memref_slice %arg3[%add3A, %mul3A_35, %dma_wait3A_81] : memref<32x80x128xi32, #tpu.memory_space<hbm>> -> memref<1x40x128xi32, #tpu.memory_space<hbm>>
        %dma_wait3A_83 = tpu.memref_squeeze %dma_wait3A_82 : memref<1x40x128xi32, #tpu.memory_space<hbm>> -> memref<40x128xi32, #tpu.memory_space<hbm>>
        tpu.wait_dma2 semaphore(%run_scoped3A : memref<!tpu.dma_semaphore, #tpu.memory_space<semaphore_mem>>) src(%dma_wait3A_83 : memref<40x128xi32, #tpu.memory_space<hbm>>) dst(%arg8 : memref<40x128xi32, #tpu.memory_space<vmem>>)
        tpu.yield
      }) : () -> ()
      %mul3A_36 = arith.constant 40 : i32
      %mul3A_37 = arith.muli %scan3A_32, %mul3A_36 : i32
      "tpu.region"() ({
        %run_scoped3A = tpu.sem_alloc : memref<!tpu.dma_semaphore, #tpu.memory_space<semaphore_mem>>
        %dma_start3A_73 = arith.constant 0 : i32
        %dma_start3A_74 = tpu.memref_slice %arg4[%add3A, %mul3A_37, %dma_start3A_73] : memref<32x80x128xi32, #tpu.memory_space<hbm>> -> memref<1x40x128xi32, #tpu.memory_space<hbm>>
        %dma_start3A_75 = tpu.memref_squeeze %dma_start3A_74 : memref<1x40x128xi32, #tpu.memory_space<hbm>> -> memref<40x128xi32, #tpu.memory_space<hbm>>
        %dma_start3A_76 = arith.constant 0 : i32
        %dma_start3A_77 = tpu.memref_slice %arg4[%add3A, %mul3A_37, %dma_start3A_76] : memref<32x80x128xi32, #tpu.memory_space<hbm>> -> memref<1x40x128xi32, #tpu.memory_space<hbm>>
        %dma_start3A_78 = tpu.memref_squeeze %dma_start3A_77 : memref<1x40x128xi32, #tpu.memory_space<hbm>> -> memref<40x128xi32, #tpu.memory_space<hbm>>
        tpu.enqueue_dma source(%dma_start3A_78 : memref<40x128xi32, #tpu.memory_space<hbm>>) target(%arg9 : memref<40x128xi32, #tpu.memory_space<vmem>>) target_semaphore(%run_scoped3A : memref<!tpu.dma_semaphore, #tpu.memory_space<semaphore_mem>>)
        %dma_wait3A = arith.constant 0 : i32
        %dma_wait3A_79 = tpu.memref_slice %arg4[%add3A, %mul3A_37, %dma_wait3A] : memref<32x80x128xi32, #tpu.memory_space<hbm>> -> memref<1x40x128xi32, #tpu.memory_space<hbm>>
        %dma_wait3A_80 = tpu.memref_squeeze %dma_wait3A_79 : memref<1x40x128xi32, #tpu.memory_space<hbm>> -> memref<40x128xi32, #tpu.memory_space<hbm>>
        %dma_wait3A_81 = arith.constant 0 : i32
        %dma_wait3A_82 = tpu.memref_slice %arg4[%add3A, %mul3A_37, %dma_wait3A_81] : memref<32x80x128xi32, #tpu.memory_space<hbm>> -> memref<1x40x128xi32, #tpu.memory_space<hbm>>
        %dma_wait3A_83 = tpu.memref_squeeze %dma_wait3A_82 : memref<1x40x128xi32, #tpu.memory_space<hbm>> -> memref<40x128xi32, #tpu.memory_space<hbm>>
        tpu.wait_dma2 semaphore(%run_scoped3A : memref<!tpu.dma_semaphore, #tpu.memory_space<semaphore_mem>>) src(%dma_wait3A_83 : memref<40x128xi32, #tpu.memory_space<hbm>>) dst(%arg9 : memref<40x128xi32, #tpu.memory_space<vmem>>)
        tpu.yield
      }) : () -> ()
      %mul3A_38 = arith.constant 40 : i32
      %mul3A_39 = arith.muli %scan3A_32, %mul3A_38 : i32
      %add3A_40 = arith.constant 0 : i32
      %add3A_41 = arith.addi %mul3A_39, %add3A_40 : i32
      %mul3A_42 = arith.constant 128 : i32
      %mul3A_43 = arith.muli %add3A_41, %mul3A_42 : i32
      %add3A_44 = arith.addi %mul3A_16, %mul3A_43 : i32
      "tpu.region"() ({
        %run_scoped3A = tpu.sem_alloc : memref<!tpu.dma_semaphore, #tpu.memory_space<semaphore_mem>>
        %dma_start3A_73 = arith.constant 0 : i32
        %dma_start3A_74 = tpu.memref_slice %arg5[%add3A_44, %dma_start3A_73] : memref<327680x128xf32, #tpu.memory_space<hbm>> -> memref<128x128xf32, #tpu.memory_space<hbm>>
        %dma_start3A_75 = arith.constant 0 : i32
        %dma_start3A_76 = tpu.memref_slice %arg5[%add3A_44, %dma_start3A_75] : memref<327680x128xf32, #tpu.memory_space<hbm>> -> memref<128x128xf32, #tpu.memory_space<hbm>>
        tpu.enqueue_dma source(%dma_start3A_76 : memref<128x128xf32, #tpu.memory_space<hbm>>) target(%arg10 : memref<128x128xf32, #tpu.memory_space<vmem>>) target_semaphore(%run_scoped3A : memref<!tpu.dma_semaphore, #tpu.memory_space<semaphore_mem>>)
        %dma_wait3A = arith.constant 0 : i32
        %dma_wait3A_77 = tpu.memref_slice %arg5[%add3A_44, %dma_wait3A] : memref<327680x128xf32, #tpu.memory_space<hbm>> -> memref<128x128xf32, #tpu.memory_space<hbm>>
        %dma_wait3A_78 = arith.constant 0 : i32
        %dma_wait3A_79 = tpu.memref_slice %arg5[%add3A_44, %dma_wait3A_78] : memref<327680x128xf32, #tpu.memory_space<hbm>> -> memref<128x128xf32, #tpu.memory_space<hbm>>
        tpu.wait_dma2 semaphore(%run_scoped3A : memref<!tpu.dma_semaphore, #tpu.memory_space<semaphore_mem>>) src(%dma_wait3A_79 : memref<128x128xf32, #tpu.memory_space<hbm>>) dst(%arg10 : memref<128x128xf32, #tpu.memory_space<vmem>>)
        tpu.yield
      }) : () -> ()
      %dma_start3A = arith.constant 0 : i32
      %dma_start3A_45 = arith.constant 0 : i32
      %dma_start3A_46 = tpu.memref_slice %arg8[%dma_start3A, %dma_start3A_45] : memref<40x128xi32, #tpu.memory_space<vmem>> -> memref<1x128xi32, #tpu.memory_space<vmem>>
      %dma_start3A_47 = tpu.memref_squeeze %dma_start3A_46 : memref<1x128xi32, #tpu.memory_space<vmem>> -> memref<128xi32, #tpu.memory_space<vmem>>
      %dma_start3A_48 = arith.constant 0 : i32
      %dma_start3A_49 = arith.constant 0 : i32
      %dma_start3A_50 = tpu.memref_slice %arg2[%dma_start3A_48, %dma_start3A_49] : memref<10000x128xf32, #tpu.memory_space<hbm>> -> memref<10000x128xf32, #tpu.memory_space<hbm>>
      tpu.enqueue_indirect_dma source(%dma_start3A_50 : memref<10000x128xf32, #tpu.memory_space<hbm>>) target(%arg10 : memref<128x128xf32, #tpu.memory_space<vmem>>) offsets(%dma_start3A_47 : memref<128xi32, #tpu.memory_space<vmem>>) semaphore(%arg13 : memref<!tpu.dma_semaphore, #tpu.memory_space<semaphore_mem>>) {add = true}
      %mul3A_51 = arith.constant 40 : i32
      %mul3A_52 = arith.muli %scan3A_32, %mul3A_51 : i32
      %add3A_53 = arith.constant 1 : i32
      %add3A_54 = arith.addi %mul3A_52, %add3A_53 : i32
      %mul3A_55 = arith.constant 128 : i32
      %mul3A_56 = arith.muli %add3A_54, %mul3A_55 : i32
      %add3A_57 = arith.addi %mul3A_16, %mul3A_56 : i32
      "tpu.region"() ({
        %run_scoped3A = tpu.sem_alloc : memref<!tpu.dma_semaphore, #tpu.memory_space<semaphore_mem>>
        %dma_start3A_73 = arith.constant 0 : i32
        %dma_start3A_74 = tpu.memref_slice %arg5[%add3A_57, %dma_start3A_73] : memref<327680x128xf32, #tpu.memory_space<hbm>> -> memref<128x128xf32, #tpu.memory_space<hbm>>
        %dma_start3A_75 = arith.constant 0 : i32
        %dma_start3A_76 = tpu.memref_slice %arg5[%add3A_57, %dma_start3A_75] : memref<327680x128xf32, #tpu.memory_space<hbm>> -> memref<128x128xf32, #tpu.memory_space<hbm>>
        tpu.enqueue_dma source(%dma_start3A_76 : memref<128x128xf32, #tpu.memory_space<hbm>>) target(%arg11 : memref<128x128xf32, #tpu.memory_space<vmem>>) target_semaphore(%run_scoped3A : memref<!tpu.dma_semaphore, #tpu.memory_space<semaphore_mem>>)
        %dma_wait3A = arith.constant 0 : i32
        %dma_wait3A_77 = tpu.memref_slice %arg5[%add3A_57, %dma_wait3A] : memref<327680x128xf32, #tpu.memory_space<hbm>> -> memref<128x128xf32, #tpu.memory_space<hbm>>
        %dma_wait3A_78 = arith.constant 0 : i32
        %dma_wait3A_79 = tpu.memref_slice %arg5[%add3A_57, %dma_wait3A_78] : memref<327680x128xf32, #tpu.memory_space<hbm>> -> memref<128x128xf32, #tpu.memory_space<hbm>>
        tpu.wait_dma2 semaphore(%run_scoped3A : memref<!tpu.dma_semaphore, #tpu.memory_space<semaphore_mem>>) src(%dma_wait3A_79 : memref<128x128xf32, #tpu.memory_space<hbm>>) dst(%arg11 : memref<128x128xf32, #tpu.memory_space<vmem>>)
        tpu.yield
      }) : () -> ()
      %dma_start3A_58 = arith.constant 1 : i32
      %dma_start3A_59 = arith.constant 0 : i32
      %dma_start3A_60 = tpu.memref_slice %arg8[%dma_start3A_58, %dma_start3A_59] : memref<40x128xi32, #tpu.memory_space<vmem>> -> memref<1x128xi32, #tpu.memory_space<vmem>>
      %dma_start3A_61 = tpu.memref_squeeze %dma_start3A_60 : memref<1x128xi32, #tpu.memory_space<vmem>> -> memref<128xi32, #tpu.memory_space<vmem>>
      %dma_start3A_62 = arith.constant 0 : i32
      %dma_start3A_63 = arith.constant 0 : i32
      %dma_start3A_64 = tpu.memref_slice %arg2[%dma_start3A_62, %dma_start3A_63] : memref<10000x128xf32, #tpu.memory_space<hbm>> -> memref<10000x128xf32, #tpu.memory_space<hbm>>
      tpu.enqueue_indirect_dma source(%dma_start3A_64 : memref<10000x128xf32, #tpu.memory_space<hbm>>) target(%arg11 : memref<128x128xf32, #tpu.memory_space<vmem>>) offsets(%dma_start3A_61 : memref<128xi32, #tpu.memory_space<vmem>>) semaphore(%arg14 : memref<!tpu.dma_semaphore, #tpu.memory_space<semaphore_mem>>) {add = true}
      %scan3A_65 = arith.constant 0 : i32
      %scan3A_66 = arith.constant 0 : i32
      %scan3A_67 = arith.constant 20 : i32
      %scan3A_68 = arith.addi %scan3A_66, %scan3A_67 : i32
      %scan3A_69 = arith.constant 1 : i32
      %scan3A_70 = scf.for %scan3A_73 = %scan3A_66 to %scan3A_68 step %scan3A_69 iter_args(%scan3A_74 = %scan3A_65) -> (i32)  : i32 {
        %mul3A_75 = arith.constant 2 : i32
        %mul3A_76 = arith.muli %scan3A_73, %mul3A_75 : i32
        %add3A_77 = arith.constant 0 : i32
        %add3A_78 = arith.addi %mul3A_76, %add3A_77 : i32
        %dma_wait3A = arith.constant 0 : i32
        %dma_wait3A_79 = tpu.memref_slice %arg8[%add3A_78, %dma_wait3A] : memref<40x128xi32, #tpu.memory_space<vmem>> -> memref<1x128xi32, #tpu.memory_space<vmem>>
        %dma_wait3A_80 = tpu.memref_squeeze %dma_wait3A_79 : memref<1x128xi32, #tpu.memory_space<vmem>> -> memref<128xi32, #tpu.memory_space<vmem>>
        %dma_wait3A_81 = arith.constant 0 : i32
        %dma_wait3A_82 = arith.constant 0 : i32
        %dma_wait3A_83 = tpu.memref_slice %arg2[%dma_wait3A_81, %dma_wait3A_82] : memref<10000x128xf32, #tpu.memory_space<hbm>> -> memref<10000x128xf32, #tpu.memory_space<hbm>>
        tpu.wait_indirect_dma semaphore(%arg13 : memref<!tpu.dma_semaphore, #tpu.memory_space<semaphore_mem>>) src(%dma_wait3A_83 : memref<10000x128xf32, #tpu.memory_space<hbm>>) dst(%arg10 : memref<128x128xf32, #tpu.memory_space<vmem>>)
        %scan3A_84 = arith.constant 0 : i32
        %scan3A_85 = arith.constant 0 : i32
        %scan3A_86 = arith.constant 128 : i32
        %scan3A_87 = arith.addi %scan3A_85, %scan3A_86 : i32
        %scan3A_88 = arith.constant 1 : i32
        %scan3A_89 = scf.for %scan3A_122 = %scan3A_85 to %scan3A_87 step %scan3A_88 iter_args(%scan3A_123 = %scan3A_84) -> (i32)  : i32 {
          %get3A = arith.index_cast %scan3A_122 : i32 to index
          %get3A_124 = arith.constant 0 : index
          %get3A_125 = tpu.vector_load %arg10[%get3A, %get3A_124] {strides = array<i32>} : memref<128x128xf32, #tpu.memory_space<vmem>>, vector<1x16xf32>,
          %get3A_126 = vector.shape_cast %get3A_125 : vector<1x16xf32> to vector<16xf32>
          %max3A = arith.constant 0.000000e+00 : f32
          %max3A_127 = vector.broadcast %max3A : f32 to vector<16xf32>
          %max3A_128 = arith.maximumf %get3A_126, %max3A_127 : vector<16xf32>
          %swap3A = arith.index_cast %scan3A_122 : i32 to index
          %swap3A_129 = arith.constant 0 : index
          %swap3A_130 = tpu.vector_load %arg10[%swap3A, %swap3A_129] {strides = array<i32>} : memref<128x128xf32, #tpu.memory_space<vmem>>, vector<1x16xf32>,
          %swap3A_131 = vector.shape_cast %swap3A_130 : vector<1x16xf32> to vector<16xf32>
          %swap3A_132 = vector.shape_cast %max3A_128 : vector<16xf32> to vector<1x16xf32>
          tpu.vector_store %arg10[%swap3A, %swap3A_129], %swap3A_132 {strides = array<i32>} : memref<128x128xf32, #tpu.memory_space<vmem>>, vector<1x16xf32>,
          %get3A_133 = arith.index_cast %scan3A_122 : i32 to index
          %get3A_134 = arith.constant 16 : index
          %get3A_135 = tpu.vector_load %arg10[%get3A_133, %get3A_134] {strides = array<i32>} : memref<128x128xf32, #tpu.memory_space<vmem>>, vector<1x16xf32>,
          %get3A_136 = vector.shape_cast %get3A_135 : vector<1x16xf32> to vector<16xf32>
          %max3A_137 = arith.constant 0.000000e+00 : f32
          %max3A_138 = vector.broadcast %max3A_137 : f32 to vector<16xf32>
          %max3A_139 = arith.maximumf %get3A_136, %max3A_138 : vector<16xf32>
          %swap3A_140 = arith.index_cast %scan3A_122 : i32 to index
          %swap3A_141 = arith.constant 16 : index
          %swap3A_142 = tpu.vector_load %arg10[%swap3A_140, %swap3A_141] {strides = array<i32>} : memref<128x128xf32, #tpu.memory_space<vmem>>, vector<1x16xf32>,
          %swap3A_143 = vector.shape_cast %swap3A_142 : vector<1x16xf32> to vector<16xf32>
          %swap3A_144 = vector.shape_cast %max3A_139 : vector<16xf32> to vector<1x16xf32>
          tpu.vector_store %arg10[%swap3A_140, %swap3A_141], %swap3A_144 {strides = array<i32>} : memref<128x128xf32, #tpu.memory_space<vmem>>, vector<1x16xf32>,
          %get3A_145 = arith.index_cast %scan3A_122 : i32 to index
          %get3A_146 = arith.constant 32 : index
          %get3A_147 = tpu.vector_load %arg10[%get3A_145, %get3A_146] {strides = array<i32>} : memref<128x128xf32, #tpu.memory_space<vmem>>, vector<1x16xf32>,
          %get3A_148 = vector.shape_cast %get3A_147 : vector<1x16xf32> to vector<16xf32>
          %max3A_149 = arith.constant 0.000000e+00 : f32
          %max3A_150 = vector.broadcast %max3A_149 : f32 to vector<16xf32>
          %max3A_151 = arith.maximumf %get3A_148, %max3A_150 : vector<16xf32>
          %swap3A_152 = arith.index_cast %scan3A_122 : i32 to index
          %swap3A_153 = arith.constant 32 : index
          %swap3A_154 = tpu.vector_load %arg10[%swap3A_152, %swap3A_153] {strides = array<i32>} : memref<128x128xf32, #tpu.memory_space<vmem>>, vector<1x16xf32>,
          %swap3A_155 = vector.shape_cast %swap3A_154 : vector<1x16xf32> to vector<16xf32>
          %swap3A_156 = vector.shape_cast %max3A_151 : vector<16xf32> to vector<1x16xf32>
          tpu.vector_store %arg10[%swap3A_152, %swap3A_153], %swap3A_156 {strides = array<i32>} : memref<128x128xf32, #tpu.memory_space<vmem>>, vector<1x16xf32>,
          %get3A_157 = arith.index_cast %scan3A_122 : i32 to index
          %get3A_158 = arith.constant 48 : index
          %get3A_159 = tpu.vector_load %arg10[%get3A_157, %get3A_158] {strides = array<i32>} : memref<128x128xf32, #tpu.memory_space<vmem>>, vector<1x16xf32>,
          %get3A_160 = vector.shape_cast %get3A_159 : vector<1x16xf32> to vector<16xf32>
          %max3A_161 = arith.constant 0.000000e+00 : f32
          %max3A_162 = vector.broadcast %max3A_161 : f32 to vector<16xf32>
          %max3A_163 = arith.maximumf %get3A_160, %max3A_162 : vector<16xf32>
          %swap3A_164 = arith.index_cast %scan3A_122 : i32 to index
          %swap3A_165 = arith.constant 48 : index
          %swap3A_166 = tpu.vector_load %arg10[%swap3A_164, %swap3A_165] {strides = array<i32>} : memref<128x128xf32, #tpu.memory_space<vmem>>, vector<1x16xf32>,
          %swap3A_167 = vector.shape_cast %swap3A_166 : vector<1x16xf32> to vector<16xf32>
          %swap3A_168 = vector.shape_cast %max3A_163 : vector<16xf32> to vector<1x16xf32>
          tpu.vector_store %arg10[%swap3A_164, %swap3A_165], %swap3A_168 {strides = array<i32>} : memref<128x128xf32, #tpu.memory_space<vmem>>, vector<1x16xf32>,
          %get3A_169 = arith.index_cast %scan3A_122 : i32 to index
          %get3A_170 = arith.constant 64 : index
          %get3A_171 = tpu.vector_load %arg10[%get3A_169, %get3A_170] {strides = array<i32>} : memref<128x128xf32, #tpu.memory_space<vmem>>, vector<1x16xf32>,
          %get3A_172 = vector.shape_cast %get3A_171 : vector<1x16xf32> to vector<16xf32>
          %max3A_173 = arith.constant 0.000000e+00 : f32
          %max3A_174 = vector.broadcast %max3A_173 : f32 to vector<16xf32>
          %max3A_175 = arith.maximumf %get3A_172, %max3A_174 : vector<16xf32>
          %swap3A_176 = arith.index_cast %scan3A_122 : i32 to index
          %swap3A_177 = arith.constant 64 : index
          %swap3A_178 = tpu.vector_load %arg10[%swap3A_176, %swap3A_177] {strides = array<i32>} : memref<128x128xf32, #tpu.memory_space<vmem>>, vector<1x16xf32>,
          %swap3A_179 = vector.shape_cast %swap3A_178 : vector<1x16xf32> to vector<16xf32>
          %swap3A_180 = vector.shape_cast %max3A_175 : vector<16xf32> to vector<1x16xf32>
          tpu.vector_store %arg10[%swap3A_176, %swap3A_177], %swap3A_180 {strides = array<i32>} : memref<128x128xf32, #tpu.memory_space<vmem>>, vector<1x16xf32>,
          %get3A_181 = arith.index_cast %scan3A_122 : i32 to index
          %get3A_182 = arith.constant 80 : index
          %get3A_183 = tpu.vector_load %arg10[%get3A_181, %get3A_182] {strides = array<i32>} : memref<128x128xf32, #tpu.memory_space<vmem>>, vector<1x16xf32>,
          %get3A_184 = vector.shape_cast %get3A_183 : vector<1x16xf32> to vector<16xf32>
          %max3A_185 = arith.constant 0.000000e+00 : f32
          %max3A_186 = vector.broadcast %max3A_185 : f32 to vector<16xf32>
          %max3A_187 = arith.maximumf %get3A_184, %max3A_186 : vector<16xf32>
          %swap3A_188 = arith.index_cast %scan3A_122 : i32 to index
          %swap3A_189 = arith.constant 80 : index
          %swap3A_190 = tpu.vector_load %arg10[%swap3A_188, %swap3A_189] {strides = array<i32>} : memref<128x128xf32, #tpu.memory_space<vmem>>, vector<1x16xf32>,
          %swap3A_191 = vector.shape_cast %swap3A_190 : vector<1x16xf32> to vector<16xf32>
          %swap3A_192 = vector.shape_cast %max3A_187 : vector<16xf32> to vector<1x16xf32>
          tpu.vector_store %arg10[%swap3A_188, %swap3A_189], %swap3A_192 {strides = array<i32>} : memref<128x128xf32, #tpu.memory_space<vmem>>, vector<1x16xf32>,
          %get3A_193 = arith.index_cast %scan3A_122 : i32 to index
          %get3A_194 = arith.constant 96 : index
          %get3A_195 = tpu.vector_load %arg10[%get3A_193, %get3A_194] {strides = array<i32>} : memref<128x128xf32, #tpu.memory_space<vmem>>, vector<1x16xf32>,
          %get3A_196 = vector.shape_cast %get3A_195 : vector<1x16xf32> to vector<16xf32>
          %max3A_197 = arith.constant 0.000000e+00 : f32
          %max3A_198 = vector.broadcast %max3A_197 : f32 to vector<16xf32>
          %max3A_199 = arith.maximumf %get3A_196, %max3A_198 : vector<16xf32>
          %swap3A_200 = arith.index_cast %scan3A_122 : i32 to index
          %swap3A_201 = arith.constant 96 : index
          %swap3A_202 = tpu.vector_load %arg10[%swap3A_200, %swap3A_201] {strides = array<i32>} : memref<128x128xf32, #tpu.memory_space<vmem>>, vector<1x16xf32>,
          %swap3A_203 = vector.shape_cast %swap3A_202 : vector<1x16xf32> to vector<16xf32>
          %swap3A_204 = vector.shape_cast %max3A_199 : vector<16xf32> to vector<1x16xf32>
          tpu.vector_store %arg10[%swap3A_200, %swap3A_201], %swap3A_204 {strides = array<i32>} : memref<128x128xf32, #tpu.memory_space<vmem>>, vector<1x16xf32>,
          %get3A_205 = arith.index_cast %scan3A_122 : i32 to index
          %get3A_206 = arith.constant 112 : index
          %get3A_207 = tpu.vector_load %arg10[%get3A_205, %get3A_206] {strides = array<i32>} : memref<128x128xf32, #tpu.memory_space<vmem>>, vector<1x16xf32>,
          %get3A_208 = vector.shape_cast %get3A_207 : vector<1x16xf32> to vector<16xf32>
          %max3A_209 = arith.constant 0.000000e+00 : f32
          %max3A_210 = vector.broadcast %max3A_209 : f32 to vector<16xf32>
          %max3A_211 = arith.maximumf %get3A_208, %max3A_210 : vector<16xf32>
          %swap3A_212 = arith.index_cast %scan3A_122 : i32 to index
          %swap3A_213 = arith.constant 112 : index
          %swap3A_214 = tpu.vector_load %arg10[%swap3A_212, %swap3A_213] {strides = array<i32>} : memref<128x128xf32, #tpu.memory_space<vmem>>, vector<1x16xf32>,
          %swap3A_215 = vector.shape_cast %swap3A_214 : vector<1x16xf32> to vector<16xf32>
          %swap3A_216 = vector.shape_cast %max3A_211 : vector<16xf32> to vector<1x16xf32>
          tpu.vector_store %arg10[%swap3A_212, %swap3A_213], %swap3A_216 {strides = array<i32>} : memref<128x128xf32, #tpu.memory_space<vmem>>, vector<1x16xf32>,
          %scan3A_217 = arith.constant 0 : i32
          scf.yield %scan3A_217 : i32
        }
        %scan3A_90 = arith.constant 128 : i32
        "tpu.region"() ({
          %run_scoped3A = tpu.sem_alloc : memref<!tpu.dma_semaphore, #tpu.memory_space<semaphore_mem>>
          %dma_start3A_122 = arith.constant 0 : i32
          %dma_start3A_123 = tpu.memref_slice %arg9[%add3A_78, %dma_start3A_122] : memref<40x128xi32, #tpu.memory_space<vmem>> -> memref<1x128xi32, #tpu.memory_space<vmem>>
          %dma_start3A_124 = tpu.memref_squeeze %dma_start3A_123 : memref<1x128xi32, #tpu.memory_space<vmem>> -> memref<128xi32, #tpu.memory_space<vmem>>
          %dma_start3A_125 = arith.constant 0 : i32
          %dma_start3A_126 = arith.constant 0 : i32
          %dma_start3A_127 = tpu.memref_slice %arg12[%dma_start3A_125, %dma_start3A_126] : memref<10240x128xf32, #tpu.memory_space<vmem_shared>> -> memref<10240x128xf32, #tpu.memory_space<vmem_shared>>
          tpu.enqueue_indirect_dma source(%arg10 : memref<128x128xf32, #tpu.memory_space<vmem>>) target(%dma_start3A_127 : memref<10240x128xf32, #tpu.memory_space<vmem_shared>>) offsets(%dma_start3A_124 : memref<128xi32, #tpu.memory_space<vmem>>) semaphore(%run_scoped3A : memref<!tpu.dma_semaphore, #tpu.memory_space<semaphore_mem>>) {add = true}
          %dma_wait3A_128 = arith.constant 0 : i32
          %dma_wait3A_129 = tpu.memref_slice %arg9[%add3A_78, %dma_wait3A_128] : memref<40x128xi32, #tpu.memory_space<vmem>> -> memref<1x128xi32, #tpu.memory_space<vmem>>
          %dma_wait3A_130 = tpu.memref_squeeze %dma_wait3A_129 : memref<1x128xi32, #tpu.memory_space<vmem>> -> memref<128xi32, #tpu.memory_space<vmem>>
          %dma_wait3A_131 = arith.constant 0 : i32
          %dma_wait3A_132 = arith.constant 0 : i32
          %dma_wait3A_133 = tpu.memref_slice %arg12[%dma_wait3A_131, %dma_wait3A_132] : memref<10240x128xf32, #tpu.memory_space<vmem_shared>> -> memref<10240x128xf32, #tpu.memory_space<vmem_shared>>
          tpu.wait_indirect_dma semaphore(%run_scoped3A : memref<!tpu.dma_semaphore, #tpu.memory_space<semaphore_mem>>) src(%arg10 : memref<128x128xf32, #tpu.memory_space<vmem>>) dst(%dma_wait3A_133 : memref<10240x128xf32, #tpu.memory_space<vmem_shared>>)
          tpu.yield
        }) : () -> ()
        %add3A_91 = arith.constant 2 : i32
        %add3A_92 = arith.addi %add3A_78, %add3A_91 : i32
        %lt3A = arith.constant 40 : i32
        %lt3A_93 = arith.cmpi slt, %add3A_92, %lt3A : i32
        %convert_element_type3A_94 = arith.extui %lt3A_93 : i1 to i32
        %cond3A_95 = arith.constant 0 : i32
        %cond3A_96 = arith.cmpi ne, %convert_element_type3A_94, %cond3A_95 : i32
        scf.if %cond3A_96 {
          %add3A_122 = arith.constant 2 : i32
          %add3A_123 = arith.addi %add3A_78, %add3A_122 : i32
          %mul3A_124 = arith.constant 40 : i32
          %mul3A_125 = arith.muli %scan3A_32, %mul3A_124 : i32
          %add3A_126 = arith.addi %mul3A_125, %add3A_123 : i32
          %mul3A_127 = arith.constant 128 : i32
          %mul3A_128 = arith.muli %add3A_126, %mul3A_127 : i32
          %add3A_129 = arith.addi %mul3A_16, %mul3A_128 : i32
          "tpu.region"() ({
            %run_scoped3A = tpu.sem_alloc : memref<!tpu.dma_semaphore, #tpu.memory_space<semaphore_mem>>
            %dma_start3A_136 = arith.constant 0 : i32
            %dma_start3A_137 = tpu.memref_slice %arg5[%add3A_129, %dma_start3A_136] : memref<327680x128xf32, #tpu.memory_space<hbm>> -> memref<128x128xf32, #tpu.memory_space<hbm>>
            %dma_start3A_138 = arith.constant 0 : i32
            %dma_start3A_139 = tpu.memref_slice %arg5[%add3A_129, %dma_start3A_138] : memref<327680x128xf32, #tpu.memory_space<hbm>> -> memref<128x128xf32, #tpu.memory_space<hbm>>
            tpu.enqueue_dma source(%dma_start3A_139 : memref<128x128xf32, #tpu.memory_space<hbm>>) target(%arg10 : memref<128x128xf32, #tpu.memory_space<vmem>>) target_semaphore(%run_scoped3A : memref<!tpu.dma_semaphore, #tpu.memory_space<semaphore_mem>>)
            %dma_wait3A_140 = arith.constant 0 : i32
            %dma_wait3A_141 = tpu.memref_slice %arg5[%add3A_129, %dma_wait3A_140] : memref<327680x128xf32, #tpu.memory_space<hbm>> -> memref<128x128xf32, #tpu.memory_space<hbm>>
            %dma_wait3A_142 = arith.constant 0 : i32
            %dma_wait3A_143 = tpu.memref_slice %arg5[%add3A_129, %dma_wait3A_142] : memref<327680x128xf32, #tpu.memory_space<hbm>> -> memref<128x128xf32, #tpu.memory_space<hbm>>
            tpu.wait_dma2 semaphore(%run_scoped3A : memref<!tpu.dma_semaphore, #tpu.memory_space<semaphore_mem>>) src(%dma_wait3A_143 : memref<128x128xf32, #tpu.memory_space<hbm>>) dst(%arg10 : memref<128x128xf32, #tpu.memory_space<vmem>>)
            tpu.yield
          }) : () -> ()
          %dma_start3A_130 = arith.constant 0 : i32
          %dma_start3A_131 = tpu.memref_slice %arg8[%add3A_123, %dma_start3A_130] : memref<40x128xi32, #tpu.memory_space<vmem>> -> memref<1x128xi32, #tpu.memory_space<vmem>>
          %dma_start3A_132 = tpu.memref_squeeze %dma_start3A_131 : memref<1x128xi32, #tpu.memory_space<vmem>> -> memref<128xi32, #tpu.memory_space<vmem>>
          %dma_start3A_133 = arith.constant 0 : i32
          %dma_start3A_134 = arith.constant 0 : i32
          %dma_start3A_135 = tpu.memref_slice %arg2[%dma_start3A_133, %dma_start3A_134] : memref<10000x128xf32, #tpu.memory_space<hbm>> -> memref<10000x128xf32, #tpu.memory_space<hbm>>
          tpu.enqueue_indirect_dma source(%dma_start3A_135 : memref<10000x128xf32, #tpu.memory_space<hbm>>) target(%arg10 : memref<128x128xf32, #tpu.memory_space<vmem>>) offsets(%dma_start3A_132 : memref<128xi32, #tpu.memory_space<vmem>>) semaphore(%arg13 : memref<!tpu.dma_semaphore, #tpu.memory_space<semaphore_mem>>) {add = true}
        } else {
        }
        %mul3A_97 = arith.constant 2 : i32
        %mul3A_98 = arith.muli %scan3A_73, %mul3A_97 : i32
        %add3A_99 = arith.constant 1 : i32
        %add3A_100 = arith.addi %mul3A_98, %add3A_99 : i32
        %dma_wait3A_101 = arith.constant 0 : i32
        %dma_wait3A_102 = tpu.memref_slice %arg8[%add3A_100, %dma_wait3A_101] : memref<40x128xi32, #tpu.memory_space<vmem>> -> memref<1x128xi32, #tpu.memory_space<vmem>>
        %dma_wait3A_103 = tpu.memref_squeeze %dma_wait3A_102 : memref<1x128xi32, #tpu.memory_space<vmem>> -> memref<128xi32, #tpu.memory_space<vmem>>
        %dma_wait3A_104 = arith.constant 0 : i32
        %dma_wait3A_105 = arith.constant 0 : i32
        %dma_wait3A_106 = tpu.memref_slice %arg2[%dma_wait3A_104, %dma_wait3A_105] : memref<10000x128xf32, #tpu.memory_space<hbm>> -> memref<10000x128xf32, #tpu.memory_space<hbm>>
        tpu.wait_indirect_dma semaphore(%arg14 : memref<!tpu.dma_semaphore, #tpu.memory_space<semaphore_mem>>) src(%dma_wait3A_106 : memref<10000x128xf32, #tpu.memory_space<hbm>>) dst(%arg11 : memref<128x128xf32, #tpu.memory_space<vmem>>)
        %scan3A_107 = arith.constant 0 : i32
        %scan3A_108 = arith.constant 0 : i32
        %scan3A_109 = arith.constant 128 : i32
        %scan3A_110 = arith.addi %scan3A_108, %scan3A_109 : i32
        %scan3A_111 = arith.constant 1 : i32
        %scan3A_112 = scf.for %scan3A_122 = %scan3A_108 to %scan3A_110 step %scan3A_111 iter_args(%scan3A_123 = %scan3A_107) -> (i32)  : i32 {
          %get3A = arith.index_cast %scan3A_122 : i32 to index
          %get3A_124 = arith.constant 0 : index
          %get3A_125 = tpu.vector_load %arg11[%get3A, %get3A_124] {strides = array<i32>} : memref<128x128xf32, #tpu.memory_space<vmem>>, vector<1x16xf32>,
          %get3A_126 = vector.shape_cast %get3A_125 : vector<1x16xf32> to vector<16xf32>
          %max3A = arith.constant 0.000000e+00 : f32
          %max3A_127 = vector.broadcast %max3A : f32 to vector<16xf32>
          %max3A_128 = arith.maximumf %get3A_126, %max3A_127 : vector<16xf32>
          %swap3A = arith.index_cast %scan3A_122 : i32 to index
          %swap3A_129 = arith.constant 0 : index
          %swap3A_130 = tpu.vector_load %arg11[%swap3A, %swap3A_129] {strides = array<i32>} : memref<128x128xf32, #tpu.memory_space<vmem>>, vector<1x16xf32>,
          %swap3A_131 = vector.shape_cast %swap3A_130 : vector<1x16xf32> to vector<16xf32>
          %swap3A_132 = vector.shape_cast %max3A_128 : vector<16xf32> to vector<1x16xf32>
          tpu.vector_store %arg11[%swap3A, %swap3A_129], %swap3A_132 {strides = array<i32>} : memref<128x128xf32, #tpu.memory_space<vmem>>, vector<1x16xf32>,
          %get3A_133 = arith.index_cast %scan3A_122 : i32 to index
          %get3A_134 = arith.constant 16 : index
          %get3A_135 = tpu.vector_load %arg11[%get3A_133, %get3A_134] {strides = array<i32>} : memref<128x128xf32, #tpu.memory_space<vmem>>, vector<1x16xf32>,
          %get3A_136 = vector.shape_cast %get3A_135 : vector<1x16xf32> to vector<16xf32>
          %max3A_137 = arith.constant 0.000000e+00 : f32
          %max3A_138 = vector.broadcast %max3A_137 : f32 to vector<16xf32>
          %max3A_139 = arith.maximumf %get3A_136, %max3A_138 : vector<16xf32>
          %swap3A_140 = arith.index_cast %scan3A_122 : i32 to index
          %swap3A_141 = arith.constant 16 : index
          %swap3A_142 = tpu.vector_load %arg11[%swap3A_140, %swap3A_141] {strides = array<i32>} : memref<128x128xf32, #tpu.memory_space<vmem>>, vector<1x16xf32>,
          %swap3A_143 = vector.shape_cast %swap3A_142 : vector<1x16xf32> to vector<16xf32>
          %swap3A_144 = vector.shape_cast %max3A_139 : vector<16xf32> to vector<1x16xf32>
          tpu.vector_store %arg11[%swap3A_140, %swap3A_141], %swap3A_144 {strides = array<i32>} : memref<128x128xf32, #tpu.memory_space<vmem>>, vector<1x16xf32>,
          %get3A_145 = arith.index_cast %scan3A_122 : i32 to index
          %get3A_146 = arith.constant 32 : index
          %get3A_147 = tpu.vector_load %arg11[%get3A_145, %get3A_146] {strides = array<i32>} : memref<128x128xf32, #tpu.memory_space<vmem>>, vector<1x16xf32>,
          %get3A_148 = vector.shape_cast %get3A_147 : vector<1x16xf32> to vector<16xf32>
          %max3A_149 = arith.constant 0.000000e+00 : f32
          %max3A_150 = vector.broadcast %max3A_149 : f32 to vector<16xf32>
          %max3A_151 = arith.maximumf %get3A_148, %max3A_150 : vector<16xf32>
          %swap3A_152 = arith.index_cast %scan3A_122 : i32 to index
          %swap3A_153 = arith.constant 32 : index
          %swap3A_154 = tpu.vector_load %arg11[%swap3A_152, %swap3A_153] {strides = array<i32>} : memref<128x128xf32, #tpu.memory_space<vmem>>, vector<1x16xf32>,
          %swap3A_155 = vector.shape_cast %swap3A_154 : vector<1x16xf32> to vector<16xf32>
          %swap3A_156 = vector.shape_cast %max3A_151 : vector<16xf32> to vector<1x16xf32>
          tpu.vector_store %arg11[%swap3A_152, %swap3A_153], %swap3A_156 {strides = array<i32>} : memref<128x128xf32, #tpu.memory_space<vmem>>, vector<1x16xf32>,
          %get3A_157 = arith.index_cast %scan3A_122 : i32 to index
          %get3A_158 = arith.constant 48 : index
          %get3A_159 = tpu.vector_load %arg11[%get3A_157, %get3A_158] {strides = array<i32>} : memref<128x128xf32, #tpu.memory_space<vmem>>, vector<1x16xf32>,
          %get3A_160 = vector.shape_cast %get3A_159 : vector<1x16xf32> to vector<16xf32>
          %max3A_161 = arith.constant 0.000000e+00 : f32
          %max3A_162 = vector.broadcast %max3A_161 : f32 to vector<16xf32>
          %max3A_163 = arith.maximumf %get3A_160, %max3A_162 : vector<16xf32>
          %swap3A_164 = arith.index_cast %scan3A_122 : i32 to index
          %swap3A_165 = arith.constant 48 : index
          %swap3A_166 = tpu.vector_load %arg11[%swap3A_164, %swap3A_165] {strides = array<i32>} : memref<128x128xf32, #tpu.memory_space<vmem>>, vector<1x16xf32>,
          %swap3A_167 = vector.shape_cast %swap3A_166 : vector<1x16xf32> to vector<16xf32>
          %swap3A_168 = vector.shape_cast %max3A_163 : vector<16xf32> to vector<1x16xf32>
          tpu.vector_store %arg11[%swap3A_164, %swap3A_165], %swap3A_168 {strides = array<i32>} : memref<128x128xf32, #tpu.memory_space<vmem>>, vector<1x16xf32>,
          %get3A_169 = arith.index_cast %scan3A_122 : i32 to index
          %get3A_170 = arith.constant 64 : index
          %get3A_171 = tpu.vector_load %arg11[%get3A_169, %get3A_170] {strides = array<i32>} : memref<128x128xf32, #tpu.memory_space<vmem>>, vector<1x16xf32>,
          %get3A_172 = vector.shape_cast %get3A_171 : vector<1x16xf32> to vector<16xf32>
          %max3A_173 = arith.constant 0.000000e+00 : f32
          %max3A_174 = vector.broadcast %max3A_173 : f32 to vector<16xf32>
          %max3A_175 = arith.maximumf %get3A_172, %max3A_174 : vector<16xf32>
          %swap3A_176 = arith.index_cast %scan3A_122 : i32 to index
          %swap3A_177 = arith.constant 64 : index
          %swap3A_178 = tpu.vector_load %arg11[%swap3A_176, %swap3A_177] {strides = array<i32>} : memref<128x128xf32, #tpu.memory_space<vmem>>, vector<1x16xf32>,
          %swap3A_179 = vector.shape_cast %swap3A_178 : vector<1x16xf32> to vector<16xf32>
          %swap3A_180 = vector.shape_cast %max3A_175 : vector<16xf32> to vector<1x16xf32>
          tpu.vector_store %arg11[%swap3A_176, %swap3A_177], %swap3A_180 {strides = array<i32>} : memref<128x128xf32, #tpu.memory_space<vmem>>, vector<1x16xf32>,
          %get3A_181 = arith.index_cast %scan3A_122 : i32 to index
          %get3A_182 = arith.constant 80 : index
          %get3A_183 = tpu.vector_load %arg11[%get3A_181, %get3A_182] {strides = array<i32>} : memref<128x128xf32, #tpu.memory_space<vmem>>, vector<1x16xf32>,
          %get3A_184 = vector.shape_cast %get3A_183 : vector<1x16xf32> to vector<16xf32>
          %max3A_185 = arith.constant 0.000000e+00 : f32
          %max3A_186 = vector.broadcast %max3A_185 : f32 to vector<16xf32>
          %max3A_187 = arith.maximumf %get3A_184, %max3A_186 : vector<16xf32>
          %swap3A_188 = arith.index_cast %scan3A_122 : i32 to index
          %swap3A_189 = arith.constant 80 : index
          %swap3A_190 = tpu.vector_load %arg11[%swap3A_188, %swap3A_189] {strides = array<i32>} : memref<128x128xf32, #tpu.memory_space<vmem>>, vector<1x16xf32>,
          %swap3A_191 = vector.shape_cast %swap3A_190 : vector<1x16xf32> to vector<16xf32>
          %swap3A_192 = vector.shape_cast %max3A_187 : vector<16xf32> to vector<1x16xf32>
          tpu.vector_store %arg11[%swap3A_188, %swap3A_189], %swap3A_192 {strides = array<i32>} : memref<128x128xf32, #tpu.memory_space<vmem>>, vector<1x16xf32>,
          %get3A_193 = arith.index_cast %scan3A_122 : i32 to index
          %get3A_194 = arith.constant 96 : index
          %get3A_195 = tpu.vector_load %arg11[%get3A_193, %get3A_194] {strides = array<i32>} : memref<128x128xf32, #tpu.memory_space<vmem>>, vector<1x16xf32>,
          %get3A_196 = vector.shape_cast %get3A_195 : vector<1x16xf32> to vector<16xf32>
          %max3A_197 = arith.constant 0.000000e+00 : f32
          %max3A_198 = vector.broadcast %max3A_197 : f32 to vector<16xf32>
          %max3A_199 = arith.maximumf %get3A_196, %max3A_198 : vector<16xf32>
          %swap3A_200 = arith.index_cast %scan3A_122 : i32 to index
          %swap3A_201 = arith.constant 96 : index
          %swap3A_202 = tpu.vector_load %arg11[%swap3A_200, %swap3A_201] {strides = array<i32>} : memref<128x128xf32, #tpu.memory_space<vmem>>, vector<1x16xf32>,
          %swap3A_203 = vector.shape_cast %swap3A_202 : vector<1x16xf32> to vector<16xf32>
          %swap3A_204 = vector.shape_cast %max3A_199 : vector<16xf32> to vector<1x16xf32>
          tpu.vector_store %arg11[%swap3A_200, %swap3A_201], %swap3A_204 {strides = array<i32>} : memref<128x128xf32, #tpu.memory_space<vmem>>, vector<1x16xf32>,
          %get3A_205 = arith.index_cast %scan3A_122 : i32 to index
          %get3A_206 = arith.constant 112 : index
          %get3A_207 = tpu.vector_load %arg11[%get3A_205, %get3A_206] {strides = array<i32>} : memref<128x128xf32, #tpu.memory_space<vmem>>, vector<1x16xf32>,
          %get3A_208 = vector.shape_cast %get3A_207 : vector<1x16xf32> to vector<16xf32>
          %max3A_209 = arith.constant 0.000000e+00 : f32
          %max3A_210 = vector.broadcast %max3A_209 : f32 to vector<16xf32>
          %max3A_211 = arith.maximumf %get3A_208, %max3A_210 : vector<16xf32>
          %swap3A_212 = arith.index_cast %scan3A_122 : i32 to index
          %swap3A_213 = arith.constant 112 : index
          %swap3A_214 = tpu.vector_load %arg11[%swap3A_212, %swap3A_213] {strides = array<i32>} : memref<128x128xf32, #tpu.memory_space<vmem>>, vector<1x16xf32>,
          %swap3A_215 = vector.shape_cast %swap3A_214 : vector<1x16xf32> to vector<16xf32>
          %swap3A_216 = vector.shape_cast %max3A_211 : vector<16xf32> to vector<1x16xf32>
          tpu.vector_store %arg11[%swap3A_212, %swap3A_213], %swap3A_216 {strides = array<i32>} : memref<128x128xf32, #tpu.memory_space<vmem>>, vector<1x16xf32>,
          %scan3A_217 = arith.constant 0 : i32
          scf.yield %scan3A_217 : i32
        }
        %scan3A_113 = arith.constant 128 : i32
        "tpu.region"() ({
          %run_scoped3A = tpu.sem_alloc : memref<!tpu.dma_semaphore, #tpu.memory_space<semaphore_mem>>
          %dma_start3A_122 = arith.constant 0 : i32
          %dma_start3A_123 = tpu.memref_slice %arg9[%add3A_100, %dma_start3A_122] : memref<40x128xi32, #tpu.memory_space<vmem>> -> memref<1x128xi32, #tpu.memory_space<vmem>>
          %dma_start3A_124 = tpu.memref_squeeze %dma_start3A_123 : memref<1x128xi32, #tpu.memory_space<vmem>> -> memref<128xi32, #tpu.memory_space<vmem>>
          %dma_start3A_125 = arith.constant 0 : i32
          %dma_start3A_126 = arith.constant 0 : i32
          %dma_start3A_127 = tpu.memref_slice %arg12[%dma_start3A_125, %dma_start3A_126] : memref<10240x128xf32, #tpu.memory_space<vmem_shared>> -> memref<10240x128xf32, #tpu.memory_space<vmem_shared>>
          tpu.enqueue_indirect_dma source(%arg11 : memref<128x128xf32, #tpu.memory_space<vmem>>) target(%dma_start3A_127 : memref<10240x128xf32, #tpu.memory_space<vmem_shared>>) offsets(%dma_start3A_124 : memref<128xi32, #tpu.memory_space<vmem>>) semaphore(%run_scoped3A : memref<!tpu.dma_semaphore, #tpu.memory_space<semaphore_mem>>) {add = true}
          %dma_wait3A_128 = arith.constant 0 : i32
          %dma_wait3A_129 = tpu.memref_slice %arg9[%add3A_100, %dma_wait3A_128] : memref<40x128xi32, #tpu.memory_space<vmem>> -> memref<1x128xi32, #tpu.memory_space<vmem>>
          %dma_wait3A_130 = tpu.memref_squeeze %dma_wait3A_129 : memref<1x128xi32, #tpu.memory_space<vmem>> -> memref<128xi32, #tpu.memory_space<vmem>>
          %dma_wait3A_131 = arith.constant 0 : i32
          %dma_wait3A_132 = arith.constant 0 : i32
          %dma_wait3A_133 = tpu.memref_slice %arg12[%dma_wait3A_131, %dma_wait3A_132] : memref<10240x128xf32, #tpu.memory_space<vmem_shared>> -> memref<10240x128xf32, #tpu.memory_space<vmem_shared>>
          tpu.wait_indirect_dma semaphore(%run_scoped3A : memref<!tpu.dma_semaphore, #tpu.memory_space<semaphore_mem>>) src(%arg11 : memref<128x128xf32, #tpu.memory_space<vmem>>) dst(%dma_wait3A_133 : memref<10240x128xf32, #tpu.memory_space<vmem_shared>>)
          tpu.yield
        }) : () -> ()
        %add3A_114 = arith.constant 2 : i32
        %add3A_115 = arith.addi %add3A_100, %add3A_114 : i32
        %lt3A_116 = arith.constant 40 : i32
        %lt3A_117 = arith.cmpi slt, %add3A_115, %lt3A_116 : i32
        %convert_element_type3A_118 = arith.extui %lt3A_117 : i1 to i32
        %cond3A_119 = arith.constant 0 : i32
        %cond3A_120 = arith.cmpi ne, %convert_element_type3A_118, %cond3A_119 : i32
        scf.if %cond3A_120 {
          %add3A_122 = arith.constant 2 : i32
          %add3A_123 = arith.addi %add3A_100, %add3A_122 : i32
          %mul3A_124 = arith.constant 40 : i32
          %mul3A_125 = arith.muli %scan3A_32, %mul3A_124 : i32
          %add3A_126 = arith.addi %mul3A_125, %add3A_123 : i32
          %mul3A_127 = arith.constant 128 : i32
          %mul3A_128 = arith.muli %add3A_126, %mul3A_127 : i32
          %add3A_129 = arith.addi %mul3A_16, %mul3A_128 : i32
          "tpu.region"() ({
            %run_scoped3A = tpu.sem_alloc : memref<!tpu.dma_semaphore, #tpu.memory_space<semaphore_mem>>
            %dma_start3A_136 = arith.constant 0 : i32
            %dma_start3A_137 = tpu.memref_slice %arg5[%add3A_129, %dma_start3A_136] : memref<327680x128xf32, #tpu.memory_space<hbm>> -> memref<128x128xf32, #tpu.memory_space<hbm>>
            %dma_start3A_138 = arith.constant 0 : i32
            %dma_start3A_139 = tpu.memref_slice %arg5[%add3A_129, %dma_start3A_138] : memref<327680x128xf32, #tpu.memory_space<hbm>> -> memref<128x128xf32, #tpu.memory_space<hbm>>
            tpu.enqueue_dma source(%dma_start3A_139 : memref<128x128xf32, #tpu.memory_space<hbm>>) target(%arg11 : memref<128x128xf32, #tpu.memory_space<vmem>>) target_semaphore(%run_scoped3A : memref<!tpu.dma_semaphore, #tpu.memory_space<semaphore_mem>>)
            %dma_wait3A_140 = arith.constant 0 : i32
            %dma_wait3A_141 = tpu.memref_slice %arg5[%add3A_129, %dma_wait3A_140] : memref<327680x128xf32, #tpu.memory_space<hbm>> -> memref<128x128xf32, #tpu.memory_space<hbm>>
            %dma_wait3A_142 = arith.constant 0 : i32
            %dma_wait3A_143 = tpu.memref_slice %arg5[%add3A_129, %dma_wait3A_142] : memref<327680x128xf32, #tpu.memory_space<hbm>> -> memref<128x128xf32, #tpu.memory_space<hbm>>
            tpu.wait_dma2 semaphore(%run_scoped3A : memref<!tpu.dma_semaphore, #tpu.memory_space<semaphore_mem>>) src(%dma_wait3A_143 : memref<128x128xf32, #tpu.memory_space<hbm>>) dst(%arg11 : memref<128x128xf32, #tpu.memory_space<vmem>>)
            tpu.yield
          }) : () -> ()
          %dma_start3A_130 = arith.constant 0 : i32
          %dma_start3A_131 = tpu.memref_slice %arg8[%add3A_123, %dma_start3A_130] : memref<40x128xi32, #tpu.memory_space<vmem>> -> memref<1x128xi32, #tpu.memory_space<vmem>>
          %dma_start3A_132 = tpu.memref_squeeze %dma_start3A_131 : memref<1x128xi32, #tpu.memory_space<vmem>> -> memref<128xi32, #tpu.memory_space<vmem>>
          %dma_start3A_133 = arith.constant 0 : i32
          %dma_start3A_134 = arith.constant 0 : i32
          %dma_start3A_135 = tpu.memref_slice %arg2[%dma_start3A_133, %dma_start3A_134] : memref<10000x128xf32, #tpu.memory_space<hbm>> -> memref<10000x128xf32, #tpu.memory_space<hbm>>
          tpu.enqueue_indirect_dma source(%dma_start3A_135 : memref<10000x128xf32, #tpu.memory_space<hbm>>) target(%arg11 : memref<128x128xf32, #tpu.memory_space<vmem>>) offsets(%dma_start3A_132 : memref<128xi32, #tpu.memory_space<vmem>>) semaphore(%arg14 : memref<!tpu.dma_semaphore, #tpu.memory_space<semaphore_mem>>) {add = true}
        } else {
        }
        %scan3A_121 = arith.constant 0 : i32
        scf.yield %scan3A_121 : i32
      }
      %scan3A_71 = arith.constant 20 : i32
      %scan3A_72 = arith.constant 0 : i32
      scf.yield %scan3A_72 : i32
    }
    %scan3A_23 = arith.constant 2 : i32
    %barrier3A_24 = arith.constant 0 : index
    tpu.barrier barrier_id(%barrier3A_24)
    %eq3A = arith.constant 0 : i32
    %eq3A_25 = arith.cmpi eq, %arg0, %eq3A : i32
    %convert_element_type3A = arith.extui %eq3A_25 : i1 to i32
    %cond3A = arith.constant 0 : i32
    %cond3A_26 = arith.cmpi ne, %convert_element_type3A, %cond3A : i32
    scf.if %cond3A_26 {
      %mul3A_32 = arith.constant 640 : i32
      %mul3A_33 = arith.muli %arg1, %mul3A_32 : i32
      %mul3A_34 = arith.constant 640 : i32
      %mul3A_35 = arith.muli %arg1, %mul3A_34 : i32
      "tpu.region"() ({
        %run_scoped3A = tpu.sem_alloc : memref<!tpu.dma_semaphore, #tpu.memory_space<semaphore_mem>>
        %dma_start3A = arith.constant 0 : i32
        %dma_start3A_36 = tpu.memref_slice %arg6[%mul3A_35, %dma_start3A] : memref<10240x128xf32, #tpu.memory_space<hbm>> -> memref<640x128xf32, #tpu.memory_space<hbm>>
        %dma_start3A_37 = arith.constant 0 : i32
        %dma_start3A_38 = tpu.memref_slice %arg12[%mul3A_33, %dma_start3A_37] : memref<10240x128xf32, #tpu.memory_space<vmem_shared>> -> memref<640x128xf32, #tpu.memory_space<vmem_shared>>
        tpu.enqueue_dma source(%dma_start3A_38 : memref<640x128xf32, #tpu.memory_space<vmem_shared>>) target(%dma_start3A_36 : memref<640x128xf32, #tpu.memory_space<hbm>>) target_semaphore(%run_scoped3A : memref<!tpu.dma_semaphore, #tpu.memory_space<semaphore_mem>>)
        %dma_wait3A = arith.constant 0 : i32
        %dma_wait3A_39 = tpu.memref_slice %arg6[%mul3A_35, %dma_wait3A] : memref<10240x128xf32, #tpu.memory_space<hbm>> -> memref<640x128xf32, #tpu.memory_space<hbm>>
        %dma_wait3A_40 = arith.constant 0 : i32
        %dma_wait3A_41 = tpu.memref_slice %arg12[%mul3A_33, %dma_wait3A_40] : memref<10240x128xf32, #tpu.memory_space<vmem_shared>> -> memref<640x128xf32, #tpu.memory_space<vmem_shared>>
        tpu.wait_dma2 semaphore(%run_scoped3A : memref<!tpu.dma_semaphore, #tpu.memory_space<semaphore_mem>>) src(%dma_wait3A_41 : memref<640x128xf32, #tpu.memory_space<vmem_shared>>) dst(%dma_wait3A_39 : memref<640x128xf32, #tpu.memory_space<hbm>>)
        tpu.yield
      }) : () -> ()
    } else {
    }
    %eq3A_27 = arith.constant 1 : i32
    %eq3A_28 = arith.cmpi eq, %arg0, %eq3A_27 : i32
    %convert_element_type3A_29 = arith.extui %eq3A_28 : i1 to i32
    %cond3A_30 = arith.constant 0 : i32
    %cond3A_31 = arith.cmpi ne, %convert_element_type3A_29, %cond3A_30 : i32
    scf.if %cond3A_31 {
      %mul3A_32 = arith.constant 640 : i32
      %mul3A_33 = arith.muli %arg1, %mul3A_32 : i32
      %mul3A_34 = arith.constant 640 : i32
      %mul3A_35 = arith.muli %arg1, %mul3A_34 : i32
      "tpu.region"() ({
        %run_scoped3A = tpu.sem_alloc : memref<!tpu.dma_semaphore, #tpu.memory_space<semaphore_mem>>
        %dma_start3A = arith.constant 0 : i32
        %dma_start3A_36 = tpu.memref_slice %arg7[%mul3A_35, %dma_start3A] : memref<10240x128xf32, #tpu.memory_space<hbm>> -> memref<640x128xf32, #tpu.memory_space<hbm>>
        %dma_start3A_37 = arith.constant 0 : i32
        %dma_start3A_38 = tpu.memref_slice %arg12[%mul3A_33, %dma_start3A_37] : memref<10240x128xf32, #tpu.memory_space<vmem_shared>> -> memref<640x128xf32, #tpu.memory_space<vmem_shared>>
        tpu.enqueue_dma source(%dma_start3A_38 : memref<640x128xf32, #tpu.memory_space<vmem_shared>>) target(%dma_start3A_36 : memref<640x128xf32, #tpu.memory_space<hbm>>) target_semaphore(%run_scoped3A : memref<!tpu.dma_semaphore, #tpu.memory_space<semaphore_mem>>)
        %dma_wait3A = arith.constant 0 : i32
        %dma_wait3A_39 = tpu.memref_slice %arg7[%mul3A_35, %dma_wait3A] : memref<10240x128xf32, #tpu.memory_space<hbm>> -> memref<640x128xf32, #tpu.memory_space<hbm>>
        %dma_wait3A_40 = arith.constant 0 : i32
        %dma_wait3A_41 = tpu.memref_slice %arg12[%mul3A_33, %dma_wait3A_40] : memref<10240x128xf32, #tpu.memory_space<vmem_shared>> -> memref<640x128xf32, #tpu.memory_space<vmem_shared>>
        tpu.wait_dma2 semaphore(%run_scoped3A : memref<!tpu.dma_semaphore, #tpu.memory_space<semaphore_mem>>) src(%dma_wait3A_41 : memref<640x128xf32, #tpu.memory_space<vmem_shared>>) dst(%dma_wait3A_39 : memref<640x128xf32, #tpu.memory_space<hbm>>)
        tpu.yield
      }) : () -> ()
    } else {
    }
    return
  }
}

#map = affine_map<(d0, d1) -> (0, 0)>
#map1 = affine_map<(d0, d1) -> (0, 0, 0)>
module attributes {stable_mosaic.version = 14 : i64} {
  func.func @_sc_body(%arg0: i32, %arg1: i32, %arg2: memref<10000x128xf32, #tpu.memory_space<hbm>>, %arg3: memref<32x80x128xi32, #tpu.memory_space<hbm>>, %arg4: memref<32x80x128xi32, #tpu.memory_space<hbm>>, %arg5: memref<327680x128xf32, #tpu.memory_space<hbm>>, %arg6: memref<10240x128xf32, #tpu.memory_space<hbm>>, %arg7: memref<10240x128xf32, #tpu.memory_space<hbm>>, %arg8: memref<40x128xi32, #tpu.memory_space<vmem>>, %arg9: memref<40x128xi32, #tpu.memory_space<vmem>>, %arg10: memref<128x128xf32, #tpu.memory_space<vmem>>, %arg11: memref<128x128xf32, #tpu.memory_space<vmem>>, %arg12: memref<10240x128xf32, #tpu.memory_space<vmem_shared>>, %arg13: memref<!tpu.dma_semaphore, #tpu.memory_space<semaphore_mem>>, %arg14: memref<!tpu.dma_semaphore, #tpu.memory_space<semaphore_mem>>) attributes {dimension_semantics = [#tpu.dimension_semantics<core_parallel>, #tpu.dimension_semantics<subcore_parallel>], iteration_bounds = array<i64: 2, 16>, scalar_prefetch = 0 : i64, scratch_operands = 7 : i64, tpu.core_type = #tpu.core_type<sc_vector_subcore>, window_params = [{transform_indices = #map}, {transform_indices = #map1}, {transform_indices = #map1}, {transform_indices = #map}, {transform_indices = #map}, {transform_indices = #map}]} {
    %mul3A = arith.constant 16 : i32
    %mul3A_0 = arith.muli %arg0, %mul3A : i32
    %add3A = arith.addi %mul3A_0, %arg1 : i32
    %broadcast_in_dim3A = arith.constant 0.000000e+00 : f32
    %broadcast_in_dim3A_1 = vector.broadcast %broadcast_in_dim3A : f32 to vector<16xf32>
    %scan3A = arith.constant 0 : i32
    %scan3A_2 = arith.constant 0 : i32
    %scan3A_3 = arith.constant 128 : i32
    %scan3A_4 = arith.addi %scan3A_2, %scan3A_3 : i32
    %scan3A_5 = arith.constant 1 : i32
    %scan3A_6 = scf.for %scan3A_32 = %scan3A_2 to %scan3A_4 step %scan3A_5 iter_args(%scan3A_33 = %scan3A) -> (i32)  : i32 {
      %swap3A = arith.index_cast %scan3A_32 : i32 to index
      %swap3A_34 = arith.constant 0 : index
      %swap3A_35 = tpu.vector_load %arg10[%swap3A, %swap3A_34] {strides = array<i32>} : memref<128x128xf32, #tpu.memory_space<vmem>>, vector<1x16xf32>,
      %swap3A_36 = vector.shape_cast %swap3A_35 : vector<1x16xf32> to vector<16xf32>
      %swap3A_37 = vector.shape_cast %broadcast_in_dim3A_1 : vector<16xf32> to vector<1x16xf32>
      tpu.vector_store %arg10[%swap3A, %swap3A_34], %swap3A_37 {strides = array<i32>} : memref<128x128xf32, #tpu.memory_space<vmem>>, vector<1x16xf32>,
      %swap3A_38 = arith.index_cast %scan3A_32 : i32 to index
      %swap3A_39 = arith.constant 16 : index
      %swap3A_40 = tpu.vector_load %arg10[%swap3A_38, %swap3A_39] {strides = array<i32>} : memref<128x128xf32, #tpu.memory_space<vmem>>, vector<1x16xf32>,
      %swap3A_41 = vector.shape_cast %swap3A_40 : vector<1x16xf32> to vector<16xf32>
      %swap3A_42 = vector.shape_cast %broadcast_in_dim3A_1 : vector<16xf32> to vector<1x16xf32>
      tpu.vector_store %arg10[%swap3A_38, %swap3A_39], %swap3A_42 {strides = array<i32>} : memref<128x128xf32, #tpu.memory_space<vmem>>, vector<1x16xf32>,
      %swap3A_43 = arith.index_cast %scan3A_32 : i32 to index
      %swap3A_44 = arith.constant 32 : index
      %swap3A_45 = tpu.vector_load %arg10[%swap3A_43, %swap3A_44] {strides = array<i32>} : memref<128x128xf32, #tpu.memory_space<vmem>>, vector<1x16xf32>,
      %swap3A_46 = vector.shape_cast %swap3A_45 : vector<1x16xf32> to vector<16xf32>
      %swap3A_47 = vector.shape_cast %broadcast_in_dim3A_1 : vector<16xf32> to vector<1x16xf32>
      tpu.vector_store %arg10[%swap3A_43, %swap3A_44], %swap3A_47 {strides = array<i32>} : memref<128x128xf32, #tpu.memory_space<vmem>>, vector<1x16xf32>,
      %swap3A_48 = arith.index_cast %scan3A_32 : i32 to index
      %swap3A_49 = arith.constant 48 : index
      %swap3A_50 = tpu.vector_load %arg10[%swap3A_48, %swap3A_49] {strides = array<i32>} : memref<128x128xf32, #tpu.memory_space<vmem>>, vector<1x16xf32>,
      %swap3A_51 = vector.shape_cast %swap3A_50 : vector<1x16xf32> to vector<16xf32>
      %swap3A_52 = vector.shape_cast %broadcast_in_dim3A_1 : vector<16xf32> to vector<1x16xf32>
      tpu.vector_store %arg10[%swap3A_48, %swap3A_49], %swap3A_52 {strides = array<i32>} : memref<128x128xf32, #tpu.memory_space<vmem>>, vector<1x16xf32>,
      %swap3A_53 = arith.index_cast %scan3A_32 : i32 to index
      %swap3A_54 = arith.constant 64 : index
      %swap3A_55 = tpu.vector_load %arg10[%swap3A_53, %swap3A_54] {strides = array<i32>} : memref<128x128xf32, #tpu.memory_space<vmem>>, vector<1x16xf32>,
      %swap3A_56 = vector.shape_cast %swap3A_55 : vector<1x16xf32> to vector<16xf32>
      %swap3A_57 = vector.shape_cast %broadcast_in_dim3A_1 : vector<16xf32> to vector<1x16xf32>
      tpu.vector_store %arg10[%swap3A_53, %swap3A_54], %swap3A_57 {strides = array<i32>} : memref<128x128xf32, #tpu.memory_space<vmem>>, vector<1x16xf32>,
      %swap3A_58 = arith.index_cast %scan3A_32 : i32 to index
      %swap3A_59 = arith.constant 80 : index
      %swap3A_60 = tpu.vector_load %arg10[%swap3A_58, %swap3A_59] {strides = array<i32>} : memref<128x128xf32, #tpu.memory_space<vmem>>, vector<1x16xf32>,
      %swap3A_61 = vector.shape_cast %swap3A_60 : vector<1x16xf32> to vector<16xf32>
      %swap3A_62 = vector.shape_cast %broadcast_in_dim3A_1 : vector<16xf32> to vector<1x16xf32>
      tpu.vector_store %arg10[%swap3A_58, %swap3A_59], %swap3A_62 {strides = array<i32>} : memref<128x128xf32, #tpu.memory_space<vmem>>, vector<1x16xf32>,
      %swap3A_63 = arith.index_cast %scan3A_32 : i32 to index
      %swap3A_64 = arith.constant 96 : index
      %swap3A_65 = tpu.vector_load %arg10[%swap3A_63, %swap3A_64] {strides = array<i32>} : memref<128x128xf32, #tpu.memory_space<vmem>>, vector<1x16xf32>,
      %swap3A_66 = vector.shape_cast %swap3A_65 : vector<1x16xf32> to vector<16xf32>
      %swap3A_67 = vector.shape_cast %broadcast_in_dim3A_1 : vector<16xf32> to vector<1x16xf32>
      tpu.vector_store %arg10[%swap3A_63, %swap3A_64], %swap3A_67 {strides = array<i32>} : memref<128x128xf32, #tpu.memory_space<vmem>>, vector<1x16xf32>,
      %swap3A_68 = arith.index_cast %scan3A_32 : i32 to index
      %swap3A_69 = arith.constant 112 : index
      %swap3A_70 = tpu.vector_load %arg10[%swap3A_68, %swap3A_69] {strides = array<i32>} : memref<128x128xf32, #tpu.memory_space<vmem>>, vector<1x16xf32>,
      %swap3A_71 = vector.shape_cast %swap3A_70 : vector<1x16xf32> to vector<16xf32>
      %swap3A_72 = vector.shape_cast %broadcast_in_dim3A_1 : vector<16xf32> to vector<1x16xf32>
      tpu.vector_store %arg10[%swap3A_68, %swap3A_69], %swap3A_72 {strides = array<i32>} : memref<128x128xf32, #tpu.memory_space<vmem>>, vector<1x16xf32>,
      %scan3A_73 = arith.constant 0 : i32
      scf.yield %scan3A_73 : i32
    }
    %scan3A_7 = arith.constant 128 : i32
    %scan3A_8 = arith.constant 0 : i32
    %scan3A_9 = arith.constant 0 : i32
    %scan3A_10 = arith.constant 5 : i32
    %scan3A_11 = arith.addi %scan3A_9, %scan3A_10 : i32
    %scan3A_12 = arith.constant 1 : i32
    %scan3A_13 = scf.for %scan3A_32 = %scan3A_9 to %scan3A_11 step %scan3A_12 iter_args(%scan3A_33 = %scan3A_8) -> (i32)  : i32 {
      %mul3A_34 = arith.constant 640 : i32
      %mul3A_35 = arith.muli %arg1, %mul3A_34 : i32
      %mul3A_36 = arith.constant 128 : i32
      %mul3A_37 = arith.muli %scan3A_32, %mul3A_36 : i32
      %add3A_38 = arith.addi %mul3A_35, %mul3A_37 : i32
      "tpu.region"() ({
        %run_scoped3A = tpu.sem_alloc : memref<!tpu.dma_semaphore, #tpu.memory_space<semaphore_mem>>
        %dma_start3A = arith.constant 0 : i32
        %dma_start3A_40 = tpu.memref_slice %arg12[%add3A_38, %dma_start3A] : memref<10240x128xf32, #tpu.memory_space<vmem_shared>> -> memref<128x128xf32, #tpu.memory_space<vmem_shared>>
        %dma_start3A_41 = arith.constant 0 : i32
        %dma_start3A_42 = tpu.memref_slice %arg12[%add3A_38, %dma_start3A_41] : memref<10240x128xf32, #tpu.memory_space<vmem_shared>> -> memref<128x128xf32, #tpu.memory_space<vmem_shared>>
        tpu.enqueue_dma source(%arg10 : memref<128x128xf32, #tpu.memory_space<vmem>>) target(%dma_start3A_42 : memref<128x128xf32, #tpu.memory_space<vmem_shared>>) target_semaphore(%run_scoped3A : memref<!tpu.dma_semaphore, #tpu.memory_space<semaphore_mem>>)
        %dma_wait3A = arith.constant 0 : i32
        %dma_wait3A_43 = tpu.memref_slice %arg12[%add3A_38, %dma_wait3A] : memref<10240x128xf32, #tpu.memory_space<vmem_shared>> -> memref<128x128xf32, #tpu.memory_space<vmem_shared>>
        %dma_wait3A_44 = arith.constant 0 : i32
        %dma_wait3A_45 = tpu.memref_slice %arg12[%add3A_38, %dma_wait3A_44] : memref<10240x128xf32, #tpu.memory_space<vmem_shared>> -> memref<128x128xf32, #tpu.memory_space<vmem_shared>>
        tpu.wait_dma2 semaphore(%run_scoped3A : memref<!tpu.dma_semaphore, #tpu.memory_space<semaphore_mem>>) src(%arg10 : memref<128x128xf32, #tpu.memory_space<vmem>>) dst(%dma_wait3A_45 : memref<128x128xf32, #tpu.memory_space<vmem_shared>>)
        tpu.yield
      }) : () -> ()
      %scan3A_39 = arith.constant 0 : i32
      scf.yield %scan3A_39 : i32
    }
    %scan3A_14 = arith.constant 5 : i32
    %barrier3A = arith.constant 0 : index
    tpu.barrier barrier_id(%barrier3A)
    %mul3A_15 = arith.constant 10240 : i32
    %mul3A_16 = arith.muli %add3A, %mul3A_15 : i32
    %scan3A_17 = arith.constant 0 : i32
    %scan3A_18 = arith.constant 0 : i32
    %scan3A_19 = arith.constant 2 : i32
    %scan3A_20 = arith.addi %scan3A_18, %scan3A_19 : i32
    %scan3A_21 = arith.constant 1 : i32
    %scan3A_22 = scf.for %scan3A_32 = %scan3A_18 to %scan3A_20 step %scan3A_21 iter_args(%scan3A_33 = %scan3A_17) -> (i32)  : i32 {
      %mul3A_34 = arith.constant 40 : i32
      %mul3A_35 = arith.muli %scan3A_32, %mul3A_34 : i32
      "tpu.region"() ({
        %run_scoped3A = tpu.sem_alloc : memref<!tpu.dma_semaphore, #tpu.memory_space<semaphore_mem>>
        %dma_start3A_73 = arith.constant 0 : i32
        %dma_start3A_74 = tpu.memref_slice %arg3[%add3A, %mul3A_35, %dma_start3A_73] : memref<32x80x128xi32, #tpu.memory_space<hbm>> -> memref<1x40x128xi32, #tpu.memory_space<hbm>>
        %dma_start3A_75 = tpu.memref_squeeze %dma_start3A_74 : memref<1x40x128xi32, #tpu.memory_space<hbm>> -> memref<40x128xi32, #tpu.memory_space<hbm>>
        %dma_start3A_76 = arith.constant 0 : i32
        %dma_start3A_77 = tpu.memref_slice %arg3[%add3A, %mul3A_35, %dma_start3A_76] : memref<32x80x128xi32, #tpu.memory_space<hbm>> -> memref<1x40x128xi32, #tpu.memory_space<hbm>>
        %dma_start3A_78 = tpu.memref_squeeze %dma_start3A_77 : memref<1x40x128xi32, #tpu.memory_space<hbm>> -> memref<40x128xi32, #tpu.memory_space<hbm>>
        tpu.enqueue_dma source(%dma_start3A_78 : memref<40x128xi32, #tpu.memory_space<hbm>>) target(%arg8 : memref<40x128xi32, #tpu.memory_space<vmem>>) target_semaphore(%run_scoped3A : memref<!tpu.dma_semaphore, #tpu.memory_space<semaphore_mem>>)
        %dma_wait3A = arith.constant 0 : i32
        %dma_wait3A_79 = tpu.memref_slice %arg3[%add3A, %mul3A_35, %dma_wait3A] : memref<32x80x128xi32, #tpu.memory_space<hbm>> -> memref<1x40x128xi32, #tpu.memory_space<hbm>>
        %dma_wait3A_80 = tpu.memref_squeeze %dma_wait3A_79 : memref<1x40x128xi32, #tpu.memory_space<hbm>> -> memref<40x128xi32, #tpu.memory_space<hbm>>
        %dma_wait3A_81 = arith.constant 0 : i32
        %dma_wait3A_82 = tpu.memref_slice %arg3[%add3A, %mul3A_35, %dma_wait3A_81] : memref<32x80x128xi32, #tpu.memory_space<hbm>> -> memref<1x40x128xi32, #tpu.memory_space<hbm>>
        %dma_wait3A_83 = tpu.memref_squeeze %dma_wait3A_82 : memref<1x40x128xi32, #tpu.memory_space<hbm>> -> memref<40x128xi32, #tpu.memory_space<hbm>>
        tpu.wait_dma2 semaphore(%run_scoped3A : memref<!tpu.dma_semaphore, #tpu.memory_space<semaphore_mem>>) src(%dma_wait3A_83 : memref<40x128xi32, #tpu.memory_space<hbm>>) dst(%arg8 : memref<40x128xi32, #tpu.memory_space<vmem>>)
        tpu.yield
      }) : () -> ()
      %mul3A_36 = arith.constant 40 : i32
      %mul3A_37 = arith.muli %scan3A_32, %mul3A_36 : i32
      "tpu.region"() ({
        %run_scoped3A = tpu.sem_alloc : memref<!tpu.dma_semaphore, #tpu.memory_space<semaphore_mem>>
        %dma_start3A_73 = arith.constant 0 : i32
        %dma_start3A_74 = tpu.memref_slice %arg4[%add3A, %mul3A_37, %dma_start3A_73] : memref<32x80x128xi32, #tpu.memory_space<hbm>> -> memref<1x40x128xi32, #tpu.memory_space<hbm>>
        %dma_start3A_75 = tpu.memref_squeeze %dma_start3A_74 : memref<1x40x128xi32, #tpu.memory_space<hbm>> -> memref<40x128xi32, #tpu.memory_space<hbm>>
        %dma_start3A_76 = arith.constant 0 : i32
        %dma_start3A_77 = tpu.memref_slice %arg4[%add3A, %mul3A_37, %dma_start3A_76] : memref<32x80x128xi32, #tpu.memory_space<hbm>> -> memref<1x40x128xi32, #tpu.memory_space<hbm>>
        %dma_start3A_78 = tpu.memref_squeeze %dma_start3A_77 : memref<1x40x128xi32, #tpu.memory_space<hbm>> -> memref<40x128xi32, #tpu.memory_space<hbm>>
        tpu.enqueue_dma source(%dma_start3A_78 : memref<40x128xi32, #tpu.memory_space<hbm>>) target(%arg9 : memref<40x128xi32, #tpu.memory_space<vmem>>) target_semaphore(%run_scoped3A : memref<!tpu.dma_semaphore, #tpu.memory_space<semaphore_mem>>)
        %dma_wait3A = arith.constant 0 : i32
        %dma_wait3A_79 = tpu.memref_slice %arg4[%add3A, %mul3A_37, %dma_wait3A] : memref<32x80x128xi32, #tpu.memory_space<hbm>> -> memref<1x40x128xi32, #tpu.memory_space<hbm>>
        %dma_wait3A_80 = tpu.memref_squeeze %dma_wait3A_79 : memref<1x40x128xi32, #tpu.memory_space<hbm>> -> memref<40x128xi32, #tpu.memory_space<hbm>>
        %dma_wait3A_81 = arith.constant 0 : i32
        %dma_wait3A_82 = tpu.memref_slice %arg4[%add3A, %mul3A_37, %dma_wait3A_81] : memref<32x80x128xi32, #tpu.memory_space<hbm>> -> memref<1x40x128xi32, #tpu.memory_space<hbm>>
        %dma_wait3A_83 = tpu.memref_squeeze %dma_wait3A_82 : memref<1x40x128xi32, #tpu.memory_space<hbm>> -> memref<40x128xi32, #tpu.memory_space<hbm>>
        tpu.wait_dma2 semaphore(%run_scoped3A : memref<!tpu.dma_semaphore, #tpu.memory_space<semaphore_mem>>) src(%dma_wait3A_83 : memref<40x128xi32, #tpu.memory_space<hbm>>) dst(%arg9 : memref<40x128xi32, #tpu.memory_space<vmem>>)
        tpu.yield
      }) : () -> ()
      %mul3A_38 = arith.constant 40 : i32
      %mul3A_39 = arith.muli %scan3A_32, %mul3A_38 : i32
      %add3A_40 = arith.constant 0 : i32
      %add3A_41 = arith.addi %mul3A_39, %add3A_40 : i32
      %mul3A_42 = arith.constant 128 : i32
      %mul3A_43 = arith.muli %add3A_41, %mul3A_42 : i32
      %add3A_44 = arith.addi %mul3A_16, %mul3A_43 : i32
      "tpu.region"() ({
        %run_scoped3A = tpu.sem_alloc : memref<!tpu.dma_semaphore, #tpu.memory_space<semaphore_mem>>
        %dma_start3A_73 = arith.constant 0 : i32
        %dma_start3A_74 = tpu.memref_slice %arg5[%add3A_44, %dma_start3A_73] : memref<327680x128xf32, #tpu.memory_space<hbm>> -> memref<128x128xf32, #tpu.memory_space<hbm>>
        %dma_start3A_75 = arith.constant 0 : i32
        %dma_start3A_76 = tpu.memref_slice %arg5[%add3A_44, %dma_start3A_75] : memref<327680x128xf32, #tpu.memory_space<hbm>> -> memref<128x128xf32, #tpu.memory_space<hbm>>
        tpu.enqueue_dma source(%dma_start3A_76 : memref<128x128xf32, #tpu.memory_space<hbm>>) target(%arg10 : memref<128x128xf32, #tpu.memory_space<vmem>>) target_semaphore(%run_scoped3A : memref<!tpu.dma_semaphore, #tpu.memory_space<semaphore_mem>>)
        %dma_wait3A = arith.constant 0 : i32
        %dma_wait3A_77 = tpu.memref_slice %arg5[%add3A_44, %dma_wait3A] : memref<327680x128xf32, #tpu.memory_space<hbm>> -> memref<128x128xf32, #tpu.memory_space<hbm>>
        %dma_wait3A_78 = arith.constant 0 : i32
        %dma_wait3A_79 = tpu.memref_slice %arg5[%add3A_44, %dma_wait3A_78] : memref<327680x128xf32, #tpu.memory_space<hbm>> -> memref<128x128xf32, #tpu.memory_space<hbm>>
        tpu.wait_dma2 semaphore(%run_scoped3A : memref<!tpu.dma_semaphore, #tpu.memory_space<semaphore_mem>>) src(%dma_wait3A_79 : memref<128x128xf32, #tpu.memory_space<hbm>>) dst(%arg10 : memref<128x128xf32, #tpu.memory_space<vmem>>)
        tpu.yield
      }) : () -> ()
      %dma_start3A = arith.constant 0 : i32
      %dma_start3A_45 = arith.constant 0 : i32
      %dma_start3A_46 = tpu.memref_slice %arg8[%dma_start3A, %dma_start3A_45] : memref<40x128xi32, #tpu.memory_space<vmem>> -> memref<1x128xi32, #tpu.memory_space<vmem>>
      %dma_start3A_47 = tpu.memref_squeeze %dma_start3A_46 : memref<1x128xi32, #tpu.memory_space<vmem>> -> memref<128xi32, #tpu.memory_space<vmem>>
      %dma_start3A_48 = arith.constant 0 : i32
      %dma_start3A_49 = arith.constant 0 : i32
      %dma_start3A_50 = tpu.memref_slice %arg2[%dma_start3A_48, %dma_start3A_49] : memref<10000x128xf32, #tpu.memory_space<hbm>> -> memref<10000x128xf32, #tpu.memory_space<hbm>>
      tpu.enqueue_indirect_dma source(%dma_start3A_50 : memref<10000x128xf32, #tpu.memory_space<hbm>>) target(%arg10 : memref<128x128xf32, #tpu.memory_space<vmem>>) offsets(%dma_start3A_47 : memref<128xi32, #tpu.memory_space<vmem>>) semaphore(%arg13 : memref<!tpu.dma_semaphore, #tpu.memory_space<semaphore_mem>>) {add = true}
      %mul3A_51 = arith.constant 40 : i32
      %mul3A_52 = arith.muli %scan3A_32, %mul3A_51 : i32
      %add3A_53 = arith.constant 1 : i32
      %add3A_54 = arith.addi %mul3A_52, %add3A_53 : i32
      %mul3A_55 = arith.constant 128 : i32
      %mul3A_56 = arith.muli %add3A_54, %mul3A_55 : i32
      %add3A_57 = arith.addi %mul3A_16, %mul3A_56 : i32
      "tpu.region"() ({
        %run_scoped3A = tpu.sem_alloc : memref<!tpu.dma_semaphore, #tpu.memory_space<semaphore_mem>>
        %dma_start3A_73 = arith.constant 0 : i32
        %dma_start3A_74 = tpu.memref_slice %arg5[%add3A_57, %dma_start3A_73] : memref<327680x128xf32, #tpu.memory_space<hbm>> -> memref<128x128xf32, #tpu.memory_space<hbm>>
        %dma_start3A_75 = arith.constant 0 : i32
        %dma_start3A_76 = tpu.memref_slice %arg5[%add3A_57, %dma_start3A_75] : memref<327680x128xf32, #tpu.memory_space<hbm>> -> memref<128x128xf32, #tpu.memory_space<hbm>>
        tpu.enqueue_dma source(%dma_start3A_76 : memref<128x128xf32, #tpu.memory_space<hbm>>) target(%arg11 : memref<128x128xf32, #tpu.memory_space<vmem>>) target_semaphore(%run_scoped3A : memref<!tpu.dma_semaphore, #tpu.memory_space<semaphore_mem>>)
        %dma_wait3A = arith.constant 0 : i32
        %dma_wait3A_77 = tpu.memref_slice %arg5[%add3A_57, %dma_wait3A] : memref<327680x128xf32, #tpu.memory_space<hbm>> -> memref<128x128xf32, #tpu.memory_space<hbm>>
        %dma_wait3A_78 = arith.constant 0 : i32
        %dma_wait3A_79 = tpu.memref_slice %arg5[%add3A_57, %dma_wait3A_78] : memref<327680x128xf32, #tpu.memory_space<hbm>> -> memref<128x128xf32, #tpu.memory_space<hbm>>
        tpu.wait_dma2 semaphore(%run_scoped3A : memref<!tpu.dma_semaphore, #tpu.memory_space<semaphore_mem>>) src(%dma_wait3A_79 : memref<128x128xf32, #tpu.memory_space<hbm>>) dst(%arg11 : memref<128x128xf32, #tpu.memory_space<vmem>>)
        tpu.yield
      }) : () -> ()
      %dma_start3A_58 = arith.constant 1 : i32
      %dma_start3A_59 = arith.constant 0 : i32
      %dma_start3A_60 = tpu.memref_slice %arg8[%dma_start3A_58, %dma_start3A_59] : memref<40x128xi32, #tpu.memory_space<vmem>> -> memref<1x128xi32, #tpu.memory_space<vmem>>
      %dma_start3A_61 = tpu.memref_squeeze %dma_start3A_60 : memref<1x128xi32, #tpu.memory_space<vmem>> -> memref<128xi32, #tpu.memory_space<vmem>>
      %dma_start3A_62 = arith.constant 0 : i32
      %dma_start3A_63 = arith.constant 0 : i32
      %dma_start3A_64 = tpu.memref_slice %arg2[%dma_start3A_62, %dma_start3A_63] : memref<10000x128xf32, #tpu.memory_space<hbm>> -> memref<10000x128xf32, #tpu.memory_space<hbm>>
      tpu.enqueue_indirect_dma source(%dma_start3A_64 : memref<10000x128xf32, #tpu.memory_space<hbm>>) target(%arg11 : memref<128x128xf32, #tpu.memory_space<vmem>>) offsets(%dma_start3A_61 : memref<128xi32, #tpu.memory_space<vmem>>) semaphore(%arg14 : memref<!tpu.dma_semaphore, #tpu.memory_space<semaphore_mem>>) {add = true}
      %scan3A_65 = arith.constant 0 : i32
      %scan3A_66 = arith.constant 0 : i32
      %scan3A_67 = arith.constant 20 : i32
      %scan3A_68 = arith.addi %scan3A_66, %scan3A_67 : i32
      %scan3A_69 = arith.constant 1 : i32
      %scan3A_70 = scf.for %scan3A_73 = %scan3A_66 to %scan3A_68 step %scan3A_69 iter_args(%scan3A_74 = %scan3A_65) -> (i32)  : i32 {
        %mul3A_75 = arith.constant 2 : i32
        %mul3A_76 = arith.muli %scan3A_73, %mul3A_75 : i32
        %add3A_77 = arith.constant 0 : i32
        %add3A_78 = arith.addi %mul3A_76, %add3A_77 : i32
        %dma_wait3A = arith.constant 0 : i32
        %dma_wait3A_79 = tpu.memref_slice %arg8[%add3A_78, %dma_wait3A] : memref<40x128xi32, #tpu.memory_space<vmem>> -> memref<1x128xi32, #tpu.memory_space<vmem>>
        %dma_wait3A_80 = tpu.memref_squeeze %dma_wait3A_79 : memref<1x128xi32, #tpu.memory_space<vmem>> -> memref<128xi32, #tpu.memory_space<vmem>>
        %dma_wait3A_81 = arith.constant 0 : i32
        %dma_wait3A_82 = arith.constant 0 : i32
        %dma_wait3A_83 = tpu.memref_slice %arg2[%dma_wait3A_81, %dma_wait3A_82] : memref<10000x128xf32, #tpu.memory_space<hbm>> -> memref<10000x128xf32, #tpu.memory_space<hbm>>
        tpu.wait_indirect_dma semaphore(%arg13 : memref<!tpu.dma_semaphore, #tpu.memory_space<semaphore_mem>>) src(%dma_wait3A_83 : memref<10000x128xf32, #tpu.memory_space<hbm>>) dst(%arg10 : memref<128x128xf32, #tpu.memory_space<vmem>>)
        %scan3A_84 = arith.constant 0 : i32
        %scan3A_85 = arith.constant 0 : i32
        %scan3A_86 = arith.constant 128 : i32
        %scan3A_87 = arith.addi %scan3A_85, %scan3A_86 : i32
        %scan3A_88 = arith.constant 1 : i32
        %scan3A_89 = scf.for %scan3A_122 = %scan3A_85 to %scan3A_87 step %scan3A_88 iter_args(%scan3A_123 = %scan3A_84) -> (i32)  : i32 {
          %get3A = arith.index_cast %scan3A_122 : i32 to index
          %get3A_124 = arith.constant 0 : index
          %get3A_125 = tpu.vector_load %arg10[%get3A, %get3A_124] {strides = array<i32>} : memref<128x128xf32, #tpu.memory_space<vmem>>, vector<1x16xf32>,
          %get3A_126 = vector.shape_cast %get3A_125 : vector<1x16xf32> to vector<16xf32>
          %max3A = arith.constant 0.000000e+00 : f32
          %max3A_127 = vector.broadcast %max3A : f32 to vector<16xf32>
          %max3A_128 = arith.maximumf %get3A_126, %max3A_127 : vector<16xf32>
          %swap3A = arith.index_cast %scan3A_122 : i32 to index
          %swap3A_129 = arith.constant 0 : index
          %swap3A_130 = tpu.vector_load %arg10[%swap3A, %swap3A_129] {strides = array<i32>} : memref<128x128xf32, #tpu.memory_space<vmem>>, vector<1x16xf32>,
          %swap3A_131 = vector.shape_cast %swap3A_130 : vector<1x16xf32> to vector<16xf32>
          %swap3A_132 = vector.shape_cast %max3A_128 : vector<16xf32> to vector<1x16xf32>
          tpu.vector_store %arg10[%swap3A, %swap3A_129], %swap3A_132 {strides = array<i32>} : memref<128x128xf32, #tpu.memory_space<vmem>>, vector<1x16xf32>,
          %get3A_133 = arith.index_cast %scan3A_122 : i32 to index
          %get3A_134 = arith.constant 16 : index
          %get3A_135 = tpu.vector_load %arg10[%get3A_133, %get3A_134] {strides = array<i32>} : memref<128x128xf32, #tpu.memory_space<vmem>>, vector<1x16xf32>,
          %get3A_136 = vector.shape_cast %get3A_135 : vector<1x16xf32> to vector<16xf32>
          %max3A_137 = arith.constant 0.000000e+00 : f32
          %max3A_138 = vector.broadcast %max3A_137 : f32 to vector<16xf32>
          %max3A_139 = arith.maximumf %get3A_136, %max3A_138 : vector<16xf32>
          %swap3A_140 = arith.index_cast %scan3A_122 : i32 to index
          %swap3A_141 = arith.constant 16 : index
          %swap3A_142 = tpu.vector_load %arg10[%swap3A_140, %swap3A_141] {strides = array<i32>} : memref<128x128xf32, #tpu.memory_space<vmem>>, vector<1x16xf32>,
          %swap3A_143 = vector.shape_cast %swap3A_142 : vector<1x16xf32> to vector<16xf32>
          %swap3A_144 = vector.shape_cast %max3A_139 : vector<16xf32> to vector<1x16xf32>
          tpu.vector_store %arg10[%swap3A_140, %swap3A_141], %swap3A_144 {strides = array<i32>} : memref<128x128xf32, #tpu.memory_space<vmem>>, vector<1x16xf32>,
          %get3A_145 = arith.index_cast %scan3A_122 : i32 to index
          %get3A_146 = arith.constant 32 : index
          %get3A_147 = tpu.vector_load %arg10[%get3A_145, %get3A_146] {strides = array<i32>} : memref<128x128xf32, #tpu.memory_space<vmem>>, vector<1x16xf32>,
          %get3A_148 = vector.shape_cast %get3A_147 : vector<1x16xf32> to vector<16xf32>
          %max3A_149 = arith.constant 0.000000e+00 : f32
          %max3A_150 = vector.broadcast %max3A_149 : f32 to vector<16xf32>
          %max3A_151 = arith.maximumf %get3A_148, %max3A_150 : vector<16xf32>
          %swap3A_152 = arith.index_cast %scan3A_122 : i32 to index
          %swap3A_153 = arith.constant 32 : index
          %swap3A_154 = tpu.vector_load %arg10[%swap3A_152, %swap3A_153] {strides = array<i32>} : memref<128x128xf32, #tpu.memory_space<vmem>>, vector<1x16xf32>,
          %swap3A_155 = vector.shape_cast %swap3A_154 : vector<1x16xf32> to vector<16xf32>
          %swap3A_156 = vector.shape_cast %max3A_151 : vector<16xf32> to vector<1x16xf32>
          tpu.vector_store %arg10[%swap3A_152, %swap3A_153], %swap3A_156 {strides = array<i32>} : memref<128x128xf32, #tpu.memory_space<vmem>>, vector<1x16xf32>,
          %get3A_157 = arith.index_cast %scan3A_122 : i32 to index
          %get3A_158 = arith.constant 48 : index
          %get3A_159 = tpu.vector_load %arg10[%get3A_157, %get3A_158] {strides = array<i32>} : memref<128x128xf32, #tpu.memory_space<vmem>>, vector<1x16xf32>,
          %get3A_160 = vector.shape_cast %get3A_159 : vector<1x16xf32> to vector<16xf32>
          %max3A_161 = arith.constant 0.000000e+00 : f32
          %max3A_162 = vector.broadcast %max3A_161 : f32 to vector<16xf32>
          %max3A_163 = arith.maximumf %get3A_160, %max3A_162 : vector<16xf32>
          %swap3A_164 = arith.index_cast %scan3A_122 : i32 to index
          %swap3A_165 = arith.constant 48 : index
          %swap3A_166 = tpu.vector_load %arg10[%swap3A_164, %swap3A_165] {strides = array<i32>} : memref<128x128xf32, #tpu.memory_space<vmem>>, vector<1x16xf32>,
          %swap3A_167 = vector.shape_cast %swap3A_166 : vector<1x16xf32> to vector<16xf32>
          %swap3A_168 = vector.shape_cast %max3A_163 : vector<16xf32> to vector<1x16xf32>
          tpu.vector_store %arg10[%swap3A_164, %swap3A_165], %swap3A_168 {strides = array<i32>} : memref<128x128xf32, #tpu.memory_space<vmem>>, vector<1x16xf32>,
          %get3A_169 = arith.index_cast %scan3A_122 : i32 to index
          %get3A_170 = arith.constant 64 : index
          %get3A_171 = tpu.vector_load %arg10[%get3A_169, %get3A_170] {strides = array<i32>} : memref<128x128xf32, #tpu.memory_space<vmem>>, vector<1x16xf32>,
          %get3A_172 = vector.shape_cast %get3A_171 : vector<1x16xf32> to vector<16xf32>
          %max3A_173 = arith.constant 0.000000e+00 : f32
          %max3A_174 = vector.broadcast %max3A_173 : f32 to vector<16xf32>
          %max3A_175 = arith.maximumf %get3A_172, %max3A_174 : vector<16xf32>
          %swap3A_176 = arith.index_cast %scan3A_122 : i32 to index
          %swap3A_177 = arith.constant 64 : index
          %swap3A_178 = tpu.vector_load %arg10[%swap3A_176, %swap3A_177] {strides = array<i32>} : memref<128x128xf32, #tpu.memory_space<vmem>>, vector<1x16xf32>,
          %swap3A_179 = vector.shape_cast %swap3A_178 : vector<1x16xf32> to vector<16xf32>
          %swap3A_180 = vector.shape_cast %max3A_175 : vector<16xf32> to vector<1x16xf32>
          tpu.vector_store %arg10[%swap3A_176, %swap3A_177], %swap3A_180 {strides = array<i32>} : memref<128x128xf32, #tpu.memory_space<vmem>>, vector<1x16xf32>,
          %get3A_181 = arith.index_cast %scan3A_122 : i32 to index
          %get3A_182 = arith.constant 80 : index
          %get3A_183 = tpu.vector_load %arg10[%get3A_181, %get3A_182] {strides = array<i32>} : memref<128x128xf32, #tpu.memory_space<vmem>>, vector<1x16xf32>,
          %get3A_184 = vector.shape_cast %get3A_183 : vector<1x16xf32> to vector<16xf32>
          %max3A_185 = arith.constant 0.000000e+00 : f32
          %max3A_186 = vector.broadcast %max3A_185 : f32 to vector<16xf32>
          %max3A_187 = arith.maximumf %get3A_184, %max3A_186 : vector<16xf32>
          %swap3A_188 = arith.index_cast %scan3A_122 : i32 to index
          %swap3A_189 = arith.constant 80 : index
          %swap3A_190 = tpu.vector_load %arg10[%swap3A_188, %swap3A_189] {strides = array<i32>} : memref<128x128xf32, #tpu.memory_space<vmem>>, vector<1x16xf32>,
          %swap3A_191 = vector.shape_cast %swap3A_190 : vector<1x16xf32> to vector<16xf32>
          %swap3A_192 = vector.shape_cast %max3A_187 : vector<16xf32> to vector<1x16xf32>
          tpu.vector_store %arg10[%swap3A_188, %swap3A_189], %swap3A_192 {strides = array<i32>} : memref<128x128xf32, #tpu.memory_space<vmem>>, vector<1x16xf32>,
          %get3A_193 = arith.index_cast %scan3A_122 : i32 to index
          %get3A_194 = arith.constant 96 : index
          %get3A_195 = tpu.vector_load %arg10[%get3A_193, %get3A_194] {strides = array<i32>} : memref<128x128xf32, #tpu.memory_space<vmem>>, vector<1x16xf32>,
          %get3A_196 = vector.shape_cast %get3A_195 : vector<1x16xf32> to vector<16xf32>
          %max3A_197 = arith.constant 0.000000e+00 : f32
          %max3A_198 = vector.broadcast %max3A_197 : f32 to vector<16xf32>
          %max3A_199 = arith.maximumf %get3A_196, %max3A_198 : vector<16xf32>
          %swap3A_200 = arith.index_cast %scan3A_122 : i32 to index
          %swap3A_201 = arith.constant 96 : index
          %swap3A_202 = tpu.vector_load %arg10[%swap3A_200, %swap3A_201] {strides = array<i32>} : memref<128x128xf32, #tpu.memory_space<vmem>>, vector<1x16xf32>,
          %swap3A_203 = vector.shape_cast %swap3A_202 : vector<1x16xf32> to vector<16xf32>
          %swap3A_204 = vector.shape_cast %max3A_199 : vector<16xf32> to vector<1x16xf32>
          tpu.vector_store %arg10[%swap3A_200, %swap3A_201], %swap3A_204 {strides = array<i32>} : memref<128x128xf32, #tpu.memory_space<vmem>>, vector<1x16xf32>,
          %get3A_205 = arith.index_cast %scan3A_122 : i32 to index
          %get3A_206 = arith.constant 112 : index
          %get3A_207 = tpu.vector_load %arg10[%get3A_205, %get3A_206] {strides = array<i32>} : memref<128x128xf32, #tpu.memory_space<vmem>>, vector<1x16xf32>,
          %get3A_208 = vector.shape_cast %get3A_207 : vector<1x16xf32> to vector<16xf32>
          %max3A_209 = arith.constant 0.000000e+00 : f32
          %max3A_210 = vector.broadcast %max3A_209 : f32 to vector<16xf32>
          %max3A_211 = arith.maximumf %get3A_208, %max3A_210 : vector<16xf32>
          %swap3A_212 = arith.index_cast %scan3A_122 : i32 to index
          %swap3A_213 = arith.constant 112 : index
          %swap3A_214 = tpu.vector_load %arg10[%swap3A_212, %swap3A_213] {strides = array<i32>} : memref<128x128xf32, #tpu.memory_space<vmem>>, vector<1x16xf32>,
          %swap3A_215 = vector.shape_cast %swap3A_214 : vector<1x16xf32> to vector<16xf32>
          %swap3A_216 = vector.shape_cast %max3A_211 : vector<16xf32> to vector<1x16xf32>
          tpu.vector_store %arg10[%swap3A_212, %swap3A_213], %swap3A_216 {strides = array<i32>} : memref<128x128xf32, #tpu.memory_space<vmem>>, vector<1x16xf32>,
          %scan3A_217 = arith.constant 0 : i32
          scf.yield %scan3A_217 : i32
        }
        %scan3A_90 = arith.constant 128 : i32
        "tpu.region"() ({
          %run_scoped3A = tpu.sem_alloc : memref<!tpu.dma_semaphore, #tpu.memory_space<semaphore_mem>>
          %dma_start3A_122 = arith.constant 0 : i32
          %dma_start3A_123 = tpu.memref_slice %arg9[%add3A_78, %dma_start3A_122] : memref<40x128xi32, #tpu.memory_space<vmem>> -> memref<1x128xi32, #tpu.memory_space<vmem>>
          %dma_start3A_124 = tpu.memref_squeeze %dma_start3A_123 : memref<1x128xi32, #tpu.memory_space<vmem>> -> memref<128xi32, #tpu.memory_space<vmem>>
          %dma_start3A_125 = arith.constant 0 : i32
          %dma_start3A_126 = arith.constant 0 : i32
          %dma_start3A_127 = tpu.memref_slice %arg12[%dma_start3A_125, %dma_start3A_126] : memref<10240x128xf32, #tpu.memory_space<vmem_shared>> -> memref<10240x128xf32, #tpu.memory_space<vmem_shared>>
          tpu.enqueue_indirect_dma source(%arg10 : memref<128x128xf32, #tpu.memory_space<vmem>>) target(%dma_start3A_127 : memref<10240x128xf32, #tpu.memory_space<vmem_shared>>) offsets(%dma_start3A_124 : memref<128xi32, #tpu.memory_space<vmem>>) semaphore(%run_scoped3A : memref<!tpu.dma_semaphore, #tpu.memory_space<semaphore_mem>>) {add = true}
          %dma_wait3A_128 = arith.constant 0 : i32
          %dma_wait3A_129 = tpu.memref_slice %arg9[%add3A_78, %dma_wait3A_128] : memref<40x128xi32, #tpu.memory_space<vmem>> -> memref<1x128xi32, #tpu.memory_space<vmem>>
          %dma_wait3A_130 = tpu.memref_squeeze %dma_wait3A_129 : memref<1x128xi32, #tpu.memory_space<vmem>> -> memref<128xi32, #tpu.memory_space<vmem>>
          %dma_wait3A_131 = arith.constant 0 : i32
          %dma_wait3A_132 = arith.constant 0 : i32
          %dma_wait3A_133 = tpu.memref_slice %arg12[%dma_wait3A_131, %dma_wait3A_132] : memref<10240x128xf32, #tpu.memory_space<vmem_shared>> -> memref<10240x128xf32, #tpu.memory_space<vmem_shared>>
          tpu.wait_indirect_dma semaphore(%run_scoped3A : memref<!tpu.dma_semaphore, #tpu.memory_space<semaphore_mem>>) src(%arg10 : memref<128x128xf32, #tpu.memory_space<vmem>>) dst(%dma_wait3A_133 : memref<10240x128xf32, #tpu.memory_space<vmem_shared>>)
          tpu.yield
        }) : () -> ()
        %add3A_91 = arith.constant 2 : i32
        %add3A_92 = arith.addi %add3A_78, %add3A_91 : i32
        %lt3A = arith.constant 40 : i32
        %lt3A_93 = arith.cmpi slt, %add3A_92, %lt3A : i32
        %convert_element_type3A_94 = arith.extui %lt3A_93 : i1 to i32
        %cond3A_95 = arith.constant 0 : i32
        %cond3A_96 = arith.cmpi ne, %convert_element_type3A_94, %cond3A_95 : i32
        scf.if %cond3A_96 {
          %add3A_122 = arith.constant 2 : i32
          %add3A_123 = arith.addi %add3A_78, %add3A_122 : i32
          %mul3A_124 = arith.constant 40 : i32
          %mul3A_125 = arith.muli %scan3A_32, %mul3A_124 : i32
          %add3A_126 = arith.addi %mul3A_125, %add3A_123 : i32
          %mul3A_127 = arith.constant 128 : i32
          %mul3A_128 = arith.muli %add3A_126, %mul3A_127 : i32
          %add3A_129 = arith.addi %mul3A_16, %mul3A_128 : i32
          "tpu.region"() ({
            %run_scoped3A = tpu.sem_alloc : memref<!tpu.dma_semaphore, #tpu.memory_space<semaphore_mem>>
            %dma_start3A_136 = arith.constant 0 : i32
            %dma_start3A_137 = tpu.memref_slice %arg5[%add3A_129, %dma_start3A_136] : memref<327680x128xf32, #tpu.memory_space<hbm>> -> memref<128x128xf32, #tpu.memory_space<hbm>>
            %dma_start3A_138 = arith.constant 0 : i32
            %dma_start3A_139 = tpu.memref_slice %arg5[%add3A_129, %dma_start3A_138] : memref<327680x128xf32, #tpu.memory_space<hbm>> -> memref<128x128xf32, #tpu.memory_space<hbm>>
            tpu.enqueue_dma source(%dma_start3A_139 : memref<128x128xf32, #tpu.memory_space<hbm>>) target(%arg10 : memref<128x128xf32, #tpu.memory_space<vmem>>) target_semaphore(%run_scoped3A : memref<!tpu.dma_semaphore, #tpu.memory_space<semaphore_mem>>)
            %dma_wait3A_140 = arith.constant 0 : i32
            %dma_wait3A_141 = tpu.memref_slice %arg5[%add3A_129, %dma_wait3A_140] : memref<327680x128xf32, #tpu.memory_space<hbm>> -> memref<128x128xf32, #tpu.memory_space<hbm>>
            %dma_wait3A_142 = arith.constant 0 : i32
            %dma_wait3A_143 = tpu.memref_slice %arg5[%add3A_129, %dma_wait3A_142] : memref<327680x128xf32, #tpu.memory_space<hbm>> -> memref<128x128xf32, #tpu.memory_space<hbm>>
            tpu.wait_dma2 semaphore(%run_scoped3A : memref<!tpu.dma_semaphore, #tpu.memory_space<semaphore_mem>>) src(%dma_wait3A_143 : memref<128x128xf32, #tpu.memory_space<hbm>>) dst(%arg10 : memref<128x128xf32, #tpu.memory_space<vmem>>)
            tpu.yield
          }) : () -> ()
          %dma_start3A_130 = arith.constant 0 : i32
          %dma_start3A_131 = tpu.memref_slice %arg8[%add3A_123, %dma_start3A_130] : memref<40x128xi32, #tpu.memory_space<vmem>> -> memref<1x128xi32, #tpu.memory_space<vmem>>
          %dma_start3A_132 = tpu.memref_squeeze %dma_start3A_131 : memref<1x128xi32, #tpu.memory_space<vmem>> -> memref<128xi32, #tpu.memory_space<vmem>>
          %dma_start3A_133 = arith.constant 0 : i32
          %dma_start3A_134 = arith.constant 0 : i32
          %dma_start3A_135 = tpu.memref_slice %arg2[%dma_start3A_133, %dma_start3A_134] : memref<10000x128xf32, #tpu.memory_space<hbm>> -> memref<10000x128xf32, #tpu.memory_space<hbm>>
          tpu.enqueue_indirect_dma source(%dma_start3A_135 : memref<10000x128xf32, #tpu.memory_space<hbm>>) target(%arg10 : memref<128x128xf32, #tpu.memory_space<vmem>>) offsets(%dma_start3A_132 : memref<128xi32, #tpu.memory_space<vmem>>) semaphore(%arg13 : memref<!tpu.dma_semaphore, #tpu.memory_space<semaphore_mem>>) {add = true}
        } else {
        }
        %mul3A_97 = arith.constant 2 : i32
        %mul3A_98 = arith.muli %scan3A_73, %mul3A_97 : i32
        %add3A_99 = arith.constant 1 : i32
        %add3A_100 = arith.addi %mul3A_98, %add3A_99 : i32
        %dma_wait3A_101 = arith.constant 0 : i32
        %dma_wait3A_102 = tpu.memref_slice %arg8[%add3A_100, %dma_wait3A_101] : memref<40x128xi32, #tpu.memory_space<vmem>> -> memref<1x128xi32, #tpu.memory_space<vmem>>
        %dma_wait3A_103 = tpu.memref_squeeze %dma_wait3A_102 : memref<1x128xi32, #tpu.memory_space<vmem>> -> memref<128xi32, #tpu.memory_space<vmem>>
        %dma_wait3A_104 = arith.constant 0 : i32
        %dma_wait3A_105 = arith.constant 0 : i32
        %dma_wait3A_106 = tpu.memref_slice %arg2[%dma_wait3A_104, %dma_wait3A_105] : memref<10000x128xf32, #tpu.memory_space<hbm>> -> memref<10000x128xf32, #tpu.memory_space<hbm>>
        tpu.wait_indirect_dma semaphore(%arg14 : memref<!tpu.dma_semaphore, #tpu.memory_space<semaphore_mem>>) src(%dma_wait3A_106 : memref<10000x128xf32, #tpu.memory_space<hbm>>) dst(%arg11 : memref<128x128xf32, #tpu.memory_space<vmem>>)
        %scan3A_107 = arith.constant 0 : i32
        %scan3A_108 = arith.constant 0 : i32
        %scan3A_109 = arith.constant 128 : i32
        %scan3A_110 = arith.addi %scan3A_108, %scan3A_109 : i32
        %scan3A_111 = arith.constant 1 : i32
        %scan3A_112 = scf.for %scan3A_122 = %scan3A_108 to %scan3A_110 step %scan3A_111 iter_args(%scan3A_123 = %scan3A_107) -> (i32)  : i32 {
          %get3A = arith.index_cast %scan3A_122 : i32 to index
          %get3A_124 = arith.constant 0 : index
          %get3A_125 = tpu.vector_load %arg11[%get3A, %get3A_124] {strides = array<i32>} : memref<128x128xf32, #tpu.memory_space<vmem>>, vector<1x16xf32>,
          %get3A_126 = vector.shape_cast %get3A_125 : vector<1x16xf32> to vector<16xf32>
          %max3A = arith.constant 0.000000e+00 : f32
          %max3A_127 = vector.broadcast %max3A : f32 to vector<16xf32>
          %max3A_128 = arith.maximumf %get3A_126, %max3A_127 : vector<16xf32>
          %swap3A = arith.index_cast %scan3A_122 : i32 to index
          %swap3A_129 = arith.constant 0 : index
          %swap3A_130 = tpu.vector_load %arg11[%swap3A, %swap3A_129] {strides = array<i32>} : memref<128x128xf32, #tpu.memory_space<vmem>>, vector<1x16xf32>,
          %swap3A_131 = vector.shape_cast %swap3A_130 : vector<1x16xf32> to vector<16xf32>
          %swap3A_132 = vector.shape_cast %max3A_128 : vector<16xf32> to vector<1x16xf32>
          tpu.vector_store %arg11[%swap3A, %swap3A_129], %swap3A_132 {strides = array<i32>} : memref<128x128xf32, #tpu.memory_space<vmem>>, vector<1x16xf32>,
          %get3A_133 = arith.index_cast %scan3A_122 : i32 to index
          %get3A_134 = arith.constant 16 : index
          %get3A_135 = tpu.vector_load %arg11[%get3A_133, %get3A_134] {strides = array<i32>} : memref<128x128xf32, #tpu.memory_space<vmem>>, vector<1x16xf32>,
          %get3A_136 = vector.shape_cast %get3A_135 : vector<1x16xf32> to vector<16xf32>
          %max3A_137 = arith.constant 0.000000e+00 : f32
          %max3A_138 = vector.broadcast %max3A_137 : f32 to vector<16xf32>
          %max3A_139 = arith.maximumf %get3A_136, %max3A_138 : vector<16xf32>
          %swap3A_140 = arith.index_cast %scan3A_122 : i32 to index
          %swap3A_141 = arith.constant 16 : index
          %swap3A_142 = tpu.vector_load %arg11[%swap3A_140, %swap3A_141] {strides = array<i32>} : memref<128x128xf32, #tpu.memory_space<vmem>>, vector<1x16xf32>,
          %swap3A_143 = vector.shape_cast %swap3A_142 : vector<1x16xf32> to vector<16xf32>
          %swap3A_144 = vector.shape_cast %max3A_139 : vector<16xf32> to vector<1x16xf32>
          tpu.vector_store %arg11[%swap3A_140, %swap3A_141], %swap3A_144 {strides = array<i32>} : memref<128x128xf32, #tpu.memory_space<vmem>>, vector<1x16xf32>,
          %get3A_145 = arith.index_cast %scan3A_122 : i32 to index
          %get3A_146 = arith.constant 32 : index
          %get3A_147 = tpu.vector_load %arg11[%get3A_145, %get3A_146] {strides = array<i32>} : memref<128x128xf32, #tpu.memory_space<vmem>>, vector<1x16xf32>,
          %get3A_148 = vector.shape_cast %get3A_147 : vector<1x16xf32> to vector<16xf32>
          %max3A_149 = arith.constant 0.000000e+00 : f32
          %max3A_150 = vector.broadcast %max3A_149 : f32 to vector<16xf32>
          %max3A_151 = arith.maximumf %get3A_148, %max3A_150 : vector<16xf32>
          %swap3A_152 = arith.index_cast %scan3A_122 : i32 to index
          %swap3A_153 = arith.constant 32 : index
          %swap3A_154 = tpu.vector_load %arg11[%swap3A_152, %swap3A_153] {strides = array<i32>} : memref<128x128xf32, #tpu.memory_space<vmem>>, vector<1x16xf32>,
          %swap3A_155 = vector.shape_cast %swap3A_154 : vector<1x16xf32> to vector<16xf32>
          %swap3A_156 = vector.shape_cast %max3A_151 : vector<16xf32> to vector<1x16xf32>
          tpu.vector_store %arg11[%swap3A_152, %swap3A_153], %swap3A_156 {strides = array<i32>} : memref<128x128xf32, #tpu.memory_space<vmem>>, vector<1x16xf32>,
          %get3A_157 = arith.index_cast %scan3A_122 : i32 to index
          %get3A_158 = arith.constant 48 : index
          %get3A_159 = tpu.vector_load %arg11[%get3A_157, %get3A_158] {strides = array<i32>} : memref<128x128xf32, #tpu.memory_space<vmem>>, vector<1x16xf32>,
          %get3A_160 = vector.shape_cast %get3A_159 : vector<1x16xf32> to vector<16xf32>
          %max3A_161 = arith.constant 0.000000e+00 : f32
          %max3A_162 = vector.broadcast %max3A_161 : f32 to vector<16xf32>
          %max3A_163 = arith.maximumf %get3A_160, %max3A_162 : vector<16xf32>
          %swap3A_164 = arith.index_cast %scan3A_122 : i32 to index
          %swap3A_165 = arith.constant 48 : index
          %swap3A_166 = tpu.vector_load %arg11[%swap3A_164, %swap3A_165] {strides = array<i32>} : memref<128x128xf32, #tpu.memory_space<vmem>>, vector<1x16xf32>,
          %swap3A_167 = vector.shape_cast %swap3A_166 : vector<1x16xf32> to vector<16xf32>
          %swap3A_168 = vector.shape_cast %max3A_163 : vector<16xf32> to vector<1x16xf32>
          tpu.vector_store %arg11[%swap3A_164, %swap3A_165], %swap3A_168 {strides = array<i32>} : memref<128x128xf32, #tpu.memory_space<vmem>>, vector<1x16xf32>,
          %get3A_169 = arith.index_cast %scan3A_122 : i32 to index
          %get3A_170 = arith.constant 64 : index
          %get3A_171 = tpu.vector_load %arg11[%get3A_169, %get3A_170] {strides = array<i32>} : memref<128x128xf32, #tpu.memory_space<vmem>>, vector<1x16xf32>,
          %get3A_172 = vector.shape_cast %get3A_171 : vector<1x16xf32> to vector<16xf32>
          %max3A_173 = arith.constant 0.000000e+00 : f32
          %max3A_174 = vector.broadcast %max3A_173 : f32 to vector<16xf32>
          %max3A_175 = arith.maximumf %get3A_172, %max3A_174 : vector<16xf32>
          %swap3A_176 = arith.index_cast %scan3A_122 : i32 to index
          %swap3A_177 = arith.constant 64 : index
          %swap3A_178 = tpu.vector_load %arg11[%swap3A_176, %swap3A_177] {strides = array<i32>} : memref<128x128xf32, #tpu.memory_space<vmem>>, vector<1x16xf32>,
          %swap3A_179 = vector.shape_cast %swap3A_178 : vector<1x16xf32> to vector<16xf32>
          %swap3A_180 = vector.shape_cast %max3A_175 : vector<16xf32> to vector<1x16xf32>
          tpu.vector_store %arg11[%swap3A_176, %swap3A_177], %swap3A_180 {strides = array<i32>} : memref<128x128xf32, #tpu.memory_space<vmem>>, vector<1x16xf32>,
          %get3A_181 = arith.index_cast %scan3A_122 : i32 to index
          %get3A_182 = arith.constant 80 : index
          %get3A_183 = tpu.vector_load %arg11[%get3A_181, %get3A_182] {strides = array<i32>} : memref<128x128xf32, #tpu.memory_space<vmem>>, vector<1x16xf32>,
          %get3A_184 = vector.shape_cast %get3A_183 : vector<1x16xf32> to vector<16xf32>
          %max3A_185 = arith.constant 0.000000e+00 : f32
          %max3A_186 = vector.broadcast %max3A_185 : f32 to vector<16xf32>
          %max3A_187 = arith.maximumf %get3A_184, %max3A_186 : vector<16xf32>
          %swap3A_188 = arith.index_cast %scan3A_122 : i32 to index
          %swap3A_189 = arith.constant 80 : index
          %swap3A_190 = tpu.vector_load %arg11[%swap3A_188, %swap3A_189] {strides = array<i32>} : memref<128x128xf32, #tpu.memory_space<vmem>>, vector<1x16xf32>,
          %swap3A_191 = vector.shape_cast %swap3A_190 : vector<1x16xf32> to vector<16xf32>
          %swap3A_192 = vector.shape_cast %max3A_187 : vector<16xf32> to vector<1x16xf32>
          tpu.vector_store %arg11[%swap3A_188, %swap3A_189], %swap3A_192 {strides = array<i32>} : memref<128x128xf32, #tpu.memory_space<vmem>>, vector<1x16xf32>,
          %get3A_193 = arith.index_cast %scan3A_122 : i32 to index
          %get3A_194 = arith.constant 96 : index
          %get3A_195 = tpu.vector_load %arg11[%get3A_193, %get3A_194] {strides = array<i32>} : memref<128x128xf32, #tpu.memory_space<vmem>>, vector<1x16xf32>,
          %get3A_196 = vector.shape_cast %get3A_195 : vector<1x16xf32> to vector<16xf32>
          %max3A_197 = arith.constant 0.000000e+00 : f32
          %max3A_198 = vector.broadcast %max3A_197 : f32 to vector<16xf32>
          %max3A_199 = arith.maximumf %get3A_196, %max3A_198 : vector<16xf32>
          %swap3A_200 = arith.index_cast %scan3A_122 : i32 to index
          %swap3A_201 = arith.constant 96 : index
          %swap3A_202 = tpu.vector_load %arg11[%swap3A_200, %swap3A_201] {strides = array<i32>} : memref<128x128xf32, #tpu.memory_space<vmem>>, vector<1x16xf32>,
          %swap3A_203 = vector.shape_cast %swap3A_202 : vector<1x16xf32> to vector<16xf32>
          %swap3A_204 = vector.shape_cast %max3A_199 : vector<16xf32> to vector<1x16xf32>
          tpu.vector_store %arg11[%swap3A_200, %swap3A_201], %swap3A_204 {strides = array<i32>} : memref<128x128xf32, #tpu.memory_space<vmem>>, vector<1x16xf32>,
          %get3A_205 = arith.index_cast %scan3A_122 : i32 to index
          %get3A_206 = arith.constant 112 : index
          %get3A_207 = tpu.vector_load %arg11[%get3A_205, %get3A_206] {strides = array<i32>} : memref<128x128xf32, #tpu.memory_space<vmem>>, vector<1x16xf32>,
          %get3A_208 = vector.shape_cast %get3A_207 : vector<1x16xf32> to vector<16xf32>
          %max3A_209 = arith.constant 0.000000e+00 : f32
          %max3A_210 = vector.broadcast %max3A_209 : f32 to vector<16xf32>
          %max3A_211 = arith.maximumf %get3A_208, %max3A_210 : vector<16xf32>
          %swap3A_212 = arith.index_cast %scan3A_122 : i32 to index
          %swap3A_213 = arith.constant 112 : index
          %swap3A_214 = tpu.vector_load %arg11[%swap3A_212, %swap3A_213] {strides = array<i32>} : memref<128x128xf32, #tpu.memory_space<vmem>>, vector<1x16xf32>,
          %swap3A_215 = vector.shape_cast %swap3A_214 : vector<1x16xf32> to vector<16xf32>
          %swap3A_216 = vector.shape_cast %max3A_211 : vector<16xf32> to vector<1x16xf32>
          tpu.vector_store %arg11[%swap3A_212, %swap3A_213], %swap3A_216 {strides = array<i32>} : memref<128x128xf32, #tpu.memory_space<vmem>>, vector<1x16xf32>,
          %scan3A_217 = arith.constant 0 : i32
          scf.yield %scan3A_217 : i32
        }
        %scan3A_113 = arith.constant 128 : i32
        "tpu.region"() ({
          %run_scoped3A = tpu.sem_alloc : memref<!tpu.dma_semaphore, #tpu.memory_space<semaphore_mem>>
          %dma_start3A_122 = arith.constant 0 : i32
          %dma_start3A_123 = tpu.memref_slice %arg9[%add3A_100, %dma_start3A_122] : memref<40x128xi32, #tpu.memory_space<vmem>> -> memref<1x128xi32, #tpu.memory_space<vmem>>
          %dma_start3A_124 = tpu.memref_squeeze %dma_start3A_123 : memref<1x128xi32, #tpu.memory_space<vmem>> -> memref<128xi32, #tpu.memory_space<vmem>>
          %dma_start3A_125 = arith.constant 0 : i32
          %dma_start3A_126 = arith.constant 0 : i32
          %dma_start3A_127 = tpu.memref_slice %arg12[%dma_start3A_125, %dma_start3A_126] : memref<10240x128xf32, #tpu.memory_space<vmem_shared>> -> memref<10240x128xf32, #tpu.memory_space<vmem_shared>>
          tpu.enqueue_indirect_dma source(%arg11 : memref<128x128xf32, #tpu.memory_space<vmem>>) target(%dma_start3A_127 : memref<10240x128xf32, #tpu.memory_space<vmem_shared>>) offsets(%dma_start3A_124 : memref<128xi32, #tpu.memory_space<vmem>>) semaphore(%run_scoped3A : memref<!tpu.dma_semaphore, #tpu.memory_space<semaphore_mem>>) {add = true}
          %dma_wait3A_128 = arith.constant 0 : i32
          %dma_wait3A_129 = tpu.memref_slice %arg9[%add3A_100, %dma_wait3A_128] : memref<40x128xi32, #tpu.memory_space<vmem>> -> memref<1x128xi32, #tpu.memory_space<vmem>>
          %dma_wait3A_130 = tpu.memref_squeeze %dma_wait3A_129 : memref<1x128xi32, #tpu.memory_space<vmem>> -> memref<128xi32, #tpu.memory_space<vmem>>
          %dma_wait3A_131 = arith.constant 0 : i32
          %dma_wait3A_132 = arith.constant 0 : i32
          %dma_wait3A_133 = tpu.memref_slice %arg12[%dma_wait3A_131, %dma_wait3A_132] : memref<10240x128xf32, #tpu.memory_space<vmem_shared>> -> memref<10240x128xf32, #tpu.memory_space<vmem_shared>>
          tpu.wait_indirect_dma semaphore(%run_scoped3A : memref<!tpu.dma_semaphore, #tpu.memory_space<semaphore_mem>>) src(%arg11 : memref<128x128xf32, #tpu.memory_space<vmem>>) dst(%dma_wait3A_133 : memref<10240x128xf32, #tpu.memory_space<vmem_shared>>)
          tpu.yield
        }) : () -> ()
        %add3A_114 = arith.constant 2 : i32
        %add3A_115 = arith.addi %add3A_100, %add3A_114 : i32
        %lt3A_116 = arith.constant 40 : i32
        %lt3A_117 = arith.cmpi slt, %add3A_115, %lt3A_116 : i32
        %convert_element_type3A_118 = arith.extui %lt3A_117 : i1 to i32
        %cond3A_119 = arith.constant 0 : i32
        %cond3A_120 = arith.cmpi ne, %convert_element_type3A_118, %cond3A_119 : i32
        scf.if %cond3A_120 {
          %add3A_122 = arith.constant 2 : i32
          %add3A_123 = arith.addi %add3A_100, %add3A_122 : i32
          %mul3A_124 = arith.constant 40 : i32
          %mul3A_125 = arith.muli %scan3A_32, %mul3A_124 : i32
          %add3A_126 = arith.addi %mul3A_125, %add3A_123 : i32
          %mul3A_127 = arith.constant 128 : i32
          %mul3A_128 = arith.muli %add3A_126, %mul3A_127 : i32
          %add3A_129 = arith.addi %mul3A_16, %mul3A_128 : i32
          "tpu.region"() ({
            %run_scoped3A = tpu.sem_alloc : memref<!tpu.dma_semaphore, #tpu.memory_space<semaphore_mem>>
            %dma_start3A_136 = arith.constant 0 : i32
            %dma_start3A_137 = tpu.memref_slice %arg5[%add3A_129, %dma_start3A_136] : memref<327680x128xf32, #tpu.memory_space<hbm>> -> memref<128x128xf32, #tpu.memory_space<hbm>>
            %dma_start3A_138 = arith.constant 0 : i32
            %dma_start3A_139 = tpu.memref_slice %arg5[%add3A_129, %dma_start3A_138] : memref<327680x128xf32, #tpu.memory_space<hbm>> -> memref<128x128xf32, #tpu.memory_space<hbm>>
            tpu.enqueue_dma source(%dma_start3A_139 : memref<128x128xf32, #tpu.memory_space<hbm>>) target(%arg11 : memref<128x128xf32, #tpu.memory_space<vmem>>) target_semaphore(%run_scoped3A : memref<!tpu.dma_semaphore, #tpu.memory_space<semaphore_mem>>)
            %dma_wait3A_140 = arith.constant 0 : i32
            %dma_wait3A_141 = tpu.memref_slice %arg5[%add3A_129, %dma_wait3A_140] : memref<327680x128xf32, #tpu.memory_space<hbm>> -> memref<128x128xf32, #tpu.memory_space<hbm>>
            %dma_wait3A_142 = arith.constant 0 : i32
            %dma_wait3A_143 = tpu.memref_slice %arg5[%add3A_129, %dma_wait3A_142] : memref<327680x128xf32, #tpu.memory_space<hbm>> -> memref<128x128xf32, #tpu.memory_space<hbm>>
            tpu.wait_dma2 semaphore(%run_scoped3A : memref<!tpu.dma_semaphore, #tpu.memory_space<semaphore_mem>>) src(%dma_wait3A_143 : memref<128x128xf32, #tpu.memory_space<hbm>>) dst(%arg11 : memref<128x128xf32, #tpu.memory_space<vmem>>)
            tpu.yield
          }) : () -> ()
          %dma_start3A_130 = arith.constant 0 : i32
          %dma_start3A_131 = tpu.memref_slice %arg8[%add3A_123, %dma_start3A_130] : memref<40x128xi32, #tpu.memory_space<vmem>> -> memref<1x128xi32, #tpu.memory_space<vmem>>
          %dma_start3A_132 = tpu.memref_squeeze %dma_start3A_131 : memref<1x128xi32, #tpu.memory_space<vmem>> -> memref<128xi32, #tpu.memory_space<vmem>>
          %dma_start3A_133 = arith.constant 0 : i32
          %dma_start3A_134 = arith.constant 0 : i32
          %dma_start3A_135 = tpu.memref_slice %arg2[%dma_start3A_133, %dma_start3A_134] : memref<10000x128xf32, #tpu.memory_space<hbm>> -> memref<10000x128xf32, #tpu.memory_space<hbm>>
          tpu.enqueue_indirect_dma source(%dma_start3A_135 : memref<10000x128xf32, #tpu.memory_space<hbm>>) target(%arg11 : memref<128x128xf32, #tpu.memory_space<vmem>>) offsets(%dma_start3A_132 : memref<128xi32, #tpu.memory_space<vmem>>) semaphore(%arg14 : memref<!tpu.dma_semaphore, #tpu.memory_space<semaphore_mem>>) {add = true}
        } else {
        }
        %scan3A_121 = arith.constant 0 : i32
        scf.yield %scan3A_121 : i32
      }
      %scan3A_71 = arith.constant 20 : i32
      %scan3A_72 = arith.constant 0 : i32
      scf.yield %scan3A_72 : i32
    }
    %scan3A_23 = arith.constant 2 : i32
    %barrier3A_24 = arith.constant 0 : index
    tpu.barrier barrier_id(%barrier3A_24)
    %eq3A = arith.constant 0 : i32
    %eq3A_25 = arith.cmpi eq, %arg0, %eq3A : i32
    %convert_element_type3A = arith.extui %eq3A_25 : i1 to i32
    %cond3A = arith.constant 0 : i32
    %cond3A_26 = arith.cmpi ne, %convert_element_type3A, %cond3A : i32
    scf.if %cond3A_26 {
      %mul3A_32 = arith.constant 640 : i32
      %mul3A_33 = arith.muli %arg1, %mul3A_32 : i32
      %mul3A_34 = arith.constant 640 : i32
      %mul3A_35 = arith.muli %arg1, %mul3A_34 : i32
      "tpu.region"() ({
        %run_scoped3A = tpu.sem_alloc : memref<!tpu.dma_semaphore, #tpu.memory_space<semaphore_mem>>
        %dma_start3A = arith.constant 0 : i32
        %dma_start3A_36 = tpu.memref_slice %arg6[%mul3A_35, %dma_start3A] : memref<10240x128xf32, #tpu.memory_space<hbm>> -> memref<640x128xf32, #tpu.memory_space<hbm>>
        %dma_start3A_37 = arith.constant 0 : i32
        %dma_start3A_38 = tpu.memref_slice %arg12[%mul3A_33, %dma_start3A_37] : memref<10240x128xf32, #tpu.memory_space<vmem_shared>> -> memref<640x128xf32, #tpu.memory_space<vmem_shared>>
        tpu.enqueue_dma source(%dma_start3A_38 : memref<640x128xf32, #tpu.memory_space<vmem_shared>>) target(%dma_start3A_36 : memref<640x128xf32, #tpu.memory_space<hbm>>) target_semaphore(%run_scoped3A : memref<!tpu.dma_semaphore, #tpu.memory_space<semaphore_mem>>)
        %dma_wait3A = arith.constant 0 : i32
        %dma_wait3A_39 = tpu.memref_slice %arg6[%mul3A_35, %dma_wait3A] : memref<10240x128xf32, #tpu.memory_space<hbm>> -> memref<640x128xf32, #tpu.memory_space<hbm>>
        %dma_wait3A_40 = arith.constant 0 : i32
        %dma_wait3A_41 = tpu.memref_slice %arg12[%mul3A_33, %dma_wait3A_40] : memref<10240x128xf32, #tpu.memory_space<vmem_shared>> -> memref<640x128xf32, #tpu.memory_space<vmem_shared>>
        tpu.wait_dma2 semaphore(%run_scoped3A : memref<!tpu.dma_semaphore, #tpu.memory_space<semaphore_mem>>) src(%dma_wait3A_41 : memref<640x128xf32, #tpu.memory_space<vmem_shared>>) dst(%dma_wait3A_39 : memref<640x128xf32, #tpu.memory_space<hbm>>)
        tpu.yield
      }) : () -> ()
    } else {
    }
    %eq3A_27 = arith.constant 1 : i32
    %eq3A_28 = arith.cmpi eq, %arg0, %eq3A_27 : i32
    %convert_element_type3A_29 = arith.extui %eq3A_28 : i1 to i32
    %cond3A_30 = arith.constant 0 : i32
    %cond3A_31 = arith.cmpi ne, %convert_element_type3A_29, %cond3A_30 : i32
    scf.if %cond3A_31 {
      %mul3A_32 = arith.constant 640 : i32
      %mul3A_33 = arith.muli %arg1, %mul3A_32 : i32
      %mul3A_34 = arith.constant 640 : i32
      %mul3A_35 = arith.muli %arg1, %mul3A_34 : i32
      "tpu.region"() ({
        %run_scoped3A = tpu.sem_alloc : memref<!tpu.dma_semaphore, #tpu.memory_space<semaphore_mem>>
        %dma_start3A = arith.constant 0 : i32
        %dma_start3A_36 = tpu.memref_slice %arg7[%mul3A_35, %dma_start3A] : memref<10240x128xf32, #tpu.memory_space<hbm>> -> memref<640x128xf32, #tpu.memory_space<hbm>>
        %dma_start3A_37 = arith.constant 0 : i32
        %dma_start3A_38 = tpu.memref_slice %arg12[%mul3A_33, %dma_start3A_37] : memref<10240x128xf32, #tpu.memory_space<vmem_shared>> -> memref<640x128xf32, #tpu.memory_space<vmem_shared>>
        tpu.enqueue_dma source(%dma_start3A_38 : memref<640x128xf32, #tpu.memory_space<vmem_shared>>) target(%dma_start3A_36 : memref<640x128xf32, #tpu.memory_space<hbm>>) target_semaphore(%run_scoped3A : memref<!tpu.dma_semaphore, #tpu.memory_space<semaphore_mem>>)
        %dma_wait3A = arith.constant 0 : i32
        %dma_wait3A_39 = tpu.memref_slice %arg7[%mul3A_35, %dma_wait3A] : memref<10240x128xf32, #tpu.memory_space<hbm>> -> memref<640x128xf32, #tpu.memory_space<hbm>>
        %dma_wait3A_40 = arith.constant 0 : i32
        %dma_wait3A_41 = tpu.memref_slice %arg12[%mul3A_33, %dma_wait3A_40] : memref<10240x128xf32, #tpu.memory_space<vmem_shared>> -> memref<640x128xf32, #tpu.memory_space<vmem_shared>>
        tpu.wait_dma2 semaphore(%run_scoped3A : memref<!tpu.dma_semaphore, #tpu.memory_space<semaphore_mem>>) src(%dma_wait3A_41 : memref<640x128xf32, #tpu.memory_space<vmem_shared>>) dst(%dma_wait3A_39 : memref<640x128xf32, #tpu.memory_space<hbm>>)
        tpu.yield
      }) : () -> ()
    } else {
    }
    return
  }
}

#map = affine_map<(d0, d1) -> (0, 0)>
#map1 = affine_map<(d0, d1) -> (0, 0, 0)>
module attributes {stable_mosaic.version = 14 : i64} {
  func.func @_sc_body(%arg0: i32, %arg1: i32, %arg2: memref<10000x128xf32, #tpu.memory_space<hbm>>, %arg3: memref<32x80x128xi32, #tpu.memory_space<hbm>>, %arg4: memref<32x80x128xi32, #tpu.memory_space<hbm>>, %arg5: memref<327680x128xf32, #tpu.memory_space<hbm>>, %arg6: memref<10240x128xf32, #tpu.memory_space<hbm>>, %arg7: memref<10240x128xf32, #tpu.memory_space<hbm>>, %arg8: memref<40x128xi32, #tpu.memory_space<vmem>>, %arg9: memref<40x128xi32, #tpu.memory_space<vmem>>, %arg10: memref<128x128xf32, #tpu.memory_space<vmem>>, %arg11: memref<128x128xf32, #tpu.memory_space<vmem>>, %arg12: memref<10240x128xf32, #tpu.memory_space<vmem_shared>>, %arg13: memref<!tpu.dma_semaphore, #tpu.memory_space<semaphore_mem>>, %arg14: memref<!tpu.dma_semaphore, #tpu.memory_space<semaphore_mem>>) attributes {dimension_semantics = [#tpu.dimension_semantics<core_parallel>, #tpu.dimension_semantics<subcore_parallel>], iteration_bounds = array<i64: 2, 16>, scalar_prefetch = 0 : i64, scratch_operands = 7 : i64, tpu.core_type = #tpu.core_type<sc_vector_subcore>, window_params = [{transform_indices = #map}, {transform_indices = #map1}, {transform_indices = #map1}, {transform_indices = #map}, {transform_indices = #map}, {transform_indices = #map}]} {
    %mul3A = arith.constant 16 : i32
    %mul3A_0 = arith.muli %arg0, %mul3A : i32
    %add3A = arith.addi %mul3A_0, %arg1 : i32
    %broadcast_in_dim3A = arith.constant 0.000000e+00 : f32
    %broadcast_in_dim3A_1 = vector.broadcast %broadcast_in_dim3A : f32 to vector<16xf32>
    %scan3A = arith.constant 0 : i32
    %scan3A_2 = arith.constant 0 : i32
    %scan3A_3 = arith.constant 128 : i32
    %scan3A_4 = arith.addi %scan3A_2, %scan3A_3 : i32
    %scan3A_5 = arith.constant 1 : i32
    %scan3A_6 = scf.for %scan3A_32 = %scan3A_2 to %scan3A_4 step %scan3A_5 iter_args(%scan3A_33 = %scan3A) -> (i32)  : i32 {
      %swap3A = arith.index_cast %scan3A_32 : i32 to index
      %swap3A_34 = arith.constant 0 : index
      %swap3A_35 = tpu.vector_load %arg10[%swap3A, %swap3A_34] {strides = array<i32>} : memref<128x128xf32, #tpu.memory_space<vmem>>, vector<1x16xf32>,
      %swap3A_36 = vector.shape_cast %swap3A_35 : vector<1x16xf32> to vector<16xf32>
      %swap3A_37 = vector.shape_cast %broadcast_in_dim3A_1 : vector<16xf32> to vector<1x16xf32>
      tpu.vector_store %arg10[%swap3A, %swap3A_34], %swap3A_37 {strides = array<i32>} : memref<128x128xf32, #tpu.memory_space<vmem>>, vector<1x16xf32>,
      %swap3A_38 = arith.index_cast %scan3A_32 : i32 to index
      %swap3A_39 = arith.constant 16 : index
      %swap3A_40 = tpu.vector_load %arg10[%swap3A_38, %swap3A_39] {strides = array<i32>} : memref<128x128xf32, #tpu.memory_space<vmem>>, vector<1x16xf32>,
      %swap3A_41 = vector.shape_cast %swap3A_40 : vector<1x16xf32> to vector<16xf32>
      %swap3A_42 = vector.shape_cast %broadcast_in_dim3A_1 : vector<16xf32> to vector<1x16xf32>
      tpu.vector_store %arg10[%swap3A_38, %swap3A_39], %swap3A_42 {strides = array<i32>} : memref<128x128xf32, #tpu.memory_space<vmem>>, vector<1x16xf32>,
      %swap3A_43 = arith.index_cast %scan3A_32 : i32 to index
      %swap3A_44 = arith.constant 32 : index
      %swap3A_45 = tpu.vector_load %arg10[%swap3A_43, %swap3A_44] {strides = array<i32>} : memref<128x128xf32, #tpu.memory_space<vmem>>, vector<1x16xf32>,
      %swap3A_46 = vector.shape_cast %swap3A_45 : vector<1x16xf32> to vector<16xf32>
      %swap3A_47 = vector.shape_cast %broadcast_in_dim3A_1 : vector<16xf32> to vector<1x16xf32>
      tpu.vector_store %arg10[%swap3A_43, %swap3A_44], %swap3A_47 {strides = array<i32>} : memref<128x128xf32, #tpu.memory_space<vmem>>, vector<1x16xf32>,
      %swap3A_48 = arith.index_cast %scan3A_32 : i32 to index
      %swap3A_49 = arith.constant 48 : index
      %swap3A_50 = tpu.vector_load %arg10[%swap3A_48, %swap3A_49] {strides = array<i32>} : memref<128x128xf32, #tpu.memory_space<vmem>>, vector<1x16xf32>,
      %swap3A_51 = vector.shape_cast %swap3A_50 : vector<1x16xf32> to vector<16xf32>
      %swap3A_52 = vector.shape_cast %broadcast_in_dim3A_1 : vector<16xf32> to vector<1x16xf32>
      tpu.vector_store %arg10[%swap3A_48, %swap3A_49], %swap3A_52 {strides = array<i32>} : memref<128x128xf32, #tpu.memory_space<vmem>>, vector<1x16xf32>,
      %swap3A_53 = arith.index_cast %scan3A_32 : i32 to index
      %swap3A_54 = arith.constant 64 : index
      %swap3A_55 = tpu.vector_load %arg10[%swap3A_53, %swap3A_54] {strides = array<i32>} : memref<128x128xf32, #tpu.memory_space<vmem>>, vector<1x16xf32>,
      %swap3A_56 = vector.shape_cast %swap3A_55 : vector<1x16xf32> to vector<16xf32>
      %swap3A_57 = vector.shape_cast %broadcast_in_dim3A_1 : vector<16xf32> to vector<1x16xf32>
      tpu.vector_store %arg10[%swap3A_53, %swap3A_54], %swap3A_57 {strides = array<i32>} : memref<128x128xf32, #tpu.memory_space<vmem>>, vector<1x16xf32>,
      %swap3A_58 = arith.index_cast %scan3A_32 : i32 to index
      %swap3A_59 = arith.constant 80 : index
      %swap3A_60 = tpu.vector_load %arg10[%swap3A_58, %swap3A_59] {strides = array<i32>} : memref<128x128xf32, #tpu.memory_space<vmem>>, vector<1x16xf32>,
      %swap3A_61 = vector.shape_cast %swap3A_60 : vector<1x16xf32> to vector<16xf32>
      %swap3A_62 = vector.shape_cast %broadcast_in_dim3A_1 : vector<16xf32> to vector<1x16xf32>
      tpu.vector_store %arg10[%swap3A_58, %swap3A_59], %swap3A_62 {strides = array<i32>} : memref<128x128xf32, #tpu.memory_space<vmem>>, vector<1x16xf32>,
      %swap3A_63 = arith.index_cast %scan3A_32 : i32 to index
      %swap3A_64 = arith.constant 96 : index
      %swap3A_65 = tpu.vector_load %arg10[%swap3A_63, %swap3A_64] {strides = array<i32>} : memref<128x128xf32, #tpu.memory_space<vmem>>, vector<1x16xf32>,
      %swap3A_66 = vector.shape_cast %swap3A_65 : vector<1x16xf32> to vector<16xf32>
      %swap3A_67 = vector.shape_cast %broadcast_in_dim3A_1 : vector<16xf32> to vector<1x16xf32>
      tpu.vector_store %arg10[%swap3A_63, %swap3A_64], %swap3A_67 {strides = array<i32>} : memref<128x128xf32, #tpu.memory_space<vmem>>, vector<1x16xf32>,
      %swap3A_68 = arith.index_cast %scan3A_32 : i32 to index
      %swap3A_69 = arith.constant 112 : index
      %swap3A_70 = tpu.vector_load %arg10[%swap3A_68, %swap3A_69] {strides = array<i32>} : memref<128x128xf32, #tpu.memory_space<vmem>>, vector<1x16xf32>,
      %swap3A_71 = vector.shape_cast %swap3A_70 : vector<1x16xf32> to vector<16xf32>
      %swap3A_72 = vector.shape_cast %broadcast_in_dim3A_1 : vector<16xf32> to vector<1x16xf32>
      tpu.vector_store %arg10[%swap3A_68, %swap3A_69], %swap3A_72 {strides = array<i32>} : memref<128x128xf32, #tpu.memory_space<vmem>>, vector<1x16xf32>,
      %scan3A_73 = arith.constant 0 : i32
      scf.yield %scan3A_73 : i32
    }
    %scan3A_7 = arith.constant 128 : i32
    %scan3A_8 = arith.constant 0 : i32
    %scan3A_9 = arith.constant 0 : i32
    %scan3A_10 = arith.constant 5 : i32
    %scan3A_11 = arith.addi %scan3A_9, %scan3A_10 : i32
    %scan3A_12 = arith.constant 1 : i32
    %scan3A_13 = scf.for %scan3A_32 = %scan3A_9 to %scan3A_11 step %scan3A_12 iter_args(%scan3A_33 = %scan3A_8) -> (i32)  : i32 {
      %mul3A_34 = arith.constant 640 : i32
      %mul3A_35 = arith.muli %arg1, %mul3A_34 : i32
      %mul3A_36 = arith.constant 128 : i32
      %mul3A_37 = arith.muli %scan3A_32, %mul3A_36 : i32
      %add3A_38 = arith.addi %mul3A_35, %mul3A_37 : i32
      "tpu.region"() ({
        %run_scoped3A = tpu.sem_alloc : memref<!tpu.dma_semaphore, #tpu.memory_space<semaphore_mem>>
        %dma_start3A = arith.constant 0 : i32
        %dma_start3A_40 = tpu.memref_slice %arg12[%add3A_38, %dma_start3A] : memref<10240x128xf32, #tpu.memory_space<vmem_shared>> -> memref<128x128xf32, #tpu.memory_space<vmem_shared>>
        %dma_start3A_41 = arith.constant 0 : i32
        %dma_start3A_42 = tpu.memref_slice %arg12[%add3A_38, %dma_start3A_41] : memref<10240x128xf32, #tpu.memory_space<vmem_shared>> -> memref<128x128xf32, #tpu.memory_space<vmem_shared>>
        tpu.enqueue_dma source(%arg10 : memref<128x128xf32, #tpu.memory_space<vmem>>) target(%dma_start3A_42 : memref<128x128xf32, #tpu.memory_space<vmem_shared>>) target_semaphore(%run_scoped3A : memref<!tpu.dma_semaphore, #tpu.memory_space<semaphore_mem>>)
        %dma_wait3A = arith.constant 0 : i32
        %dma_wait3A_43 = tpu.memref_slice %arg12[%add3A_38, %dma_wait3A] : memref<10240x128xf32, #tpu.memory_space<vmem_shared>> -> memref<128x128xf32, #tpu.memory_space<vmem_shared>>
        %dma_wait3A_44 = arith.constant 0 : i32
        %dma_wait3A_45 = tpu.memref_slice %arg12[%add3A_38, %dma_wait3A_44] : memref<10240x128xf32, #tpu.memory_space<vmem_shared>> -> memref<128x128xf32, #tpu.memory_space<vmem_shared>>
        tpu.wait_dma2 semaphore(%run_scoped3A : memref<!tpu.dma_semaphore, #tpu.memory_space<semaphore_mem>>) src(%arg10 : memref<128x128xf32, #tpu.memory_space<vmem>>) dst(%dma_wait3A_45 : memref<128x128xf32, #tpu.memory_space<vmem_shared>>)
        tpu.yield
      }) : () -> ()
      %scan3A_39 = arith.constant 0 : i32
      scf.yield %scan3A_39 : i32
    }
    %scan3A_14 = arith.constant 5 : i32
    %barrier3A = arith.constant 0 : index
    tpu.barrier barrier_id(%barrier3A)
    %mul3A_15 = arith.constant 10240 : i32
    %mul3A_16 = arith.muli %add3A, %mul3A_15 : i32
    %scan3A_17 = arith.constant 0 : i32
    %scan3A_18 = arith.constant 0 : i32
    %scan3A_19 = arith.constant 2 : i32
    %scan3A_20 = arith.addi %scan3A_18, %scan3A_19 : i32
    %scan3A_21 = arith.constant 1 : i32
    %scan3A_22 = scf.for %scan3A_32 = %scan3A_18 to %scan3A_20 step %scan3A_21 iter_args(%scan3A_33 = %scan3A_17) -> (i32)  : i32 {
      %mul3A_34 = arith.constant 40 : i32
      %mul3A_35 = arith.muli %scan3A_32, %mul3A_34 : i32
      "tpu.region"() ({
        %run_scoped3A = tpu.sem_alloc : memref<!tpu.dma_semaphore, #tpu.memory_space<semaphore_mem>>
        %dma_start3A_73 = arith.constant 0 : i32
        %dma_start3A_74 = tpu.memref_slice %arg3[%add3A, %mul3A_35, %dma_start3A_73] : memref<32x80x128xi32, #tpu.memory_space<hbm>> -> memref<1x40x128xi32, #tpu.memory_space<hbm>>
        %dma_start3A_75 = tpu.memref_squeeze %dma_start3A_74 : memref<1x40x128xi32, #tpu.memory_space<hbm>> -> memref<40x128xi32, #tpu.memory_space<hbm>>
        %dma_start3A_76 = arith.constant 0 : i32
        %dma_start3A_77 = tpu.memref_slice %arg3[%add3A, %mul3A_35, %dma_start3A_76] : memref<32x80x128xi32, #tpu.memory_space<hbm>> -> memref<1x40x128xi32, #tpu.memory_space<hbm>>
        %dma_start3A_78 = tpu.memref_squeeze %dma_start3A_77 : memref<1x40x128xi32, #tpu.memory_space<hbm>> -> memref<40x128xi32, #tpu.memory_space<hbm>>
        tpu.enqueue_dma source(%dma_start3A_78 : memref<40x128xi32, #tpu.memory_space<hbm>>) target(%arg8 : memref<40x128xi32, #tpu.memory_space<vmem>>) target_semaphore(%run_scoped3A : memref<!tpu.dma_semaphore, #tpu.memory_space<semaphore_mem>>)
        %dma_wait3A = arith.constant 0 : i32
        %dma_wait3A_79 = tpu.memref_slice %arg3[%add3A, %mul3A_35, %dma_wait3A] : memref<32x80x128xi32, #tpu.memory_space<hbm>> -> memref<1x40x128xi32, #tpu.memory_space<hbm>>
        %dma_wait3A_80 = tpu.memref_squeeze %dma_wait3A_79 : memref<1x40x128xi32, #tpu.memory_space<hbm>> -> memref<40x128xi32, #tpu.memory_space<hbm>>
        %dma_wait3A_81 = arith.constant 0 : i32
        %dma_wait3A_82 = tpu.memref_slice %arg3[%add3A, %mul3A_35, %dma_wait3A_81] : memref<32x80x128xi32, #tpu.memory_space<hbm>> -> memref<1x40x128xi32, #tpu.memory_space<hbm>>
        %dma_wait3A_83 = tpu.memref_squeeze %dma_wait3A_82 : memref<1x40x128xi32, #tpu.memory_space<hbm>> -> memref<40x128xi32, #tpu.memory_space<hbm>>
        tpu.wait_dma2 semaphore(%run_scoped3A : memref<!tpu.dma_semaphore, #tpu.memory_space<semaphore_mem>>) src(%dma_wait3A_83 : memref<40x128xi32, #tpu.memory_space<hbm>>) dst(%arg8 : memref<40x128xi32, #tpu.memory_space<vmem>>)
        tpu.yield
      }) : () -> ()
      %mul3A_36 = arith.constant 40 : i32
      %mul3A_37 = arith.muli %scan3A_32, %mul3A_36 : i32
      "tpu.region"() ({
        %run_scoped3A = tpu.sem_alloc : memref<!tpu.dma_semaphore, #tpu.memory_space<semaphore_mem>>
        %dma_start3A_73 = arith.constant 0 : i32
        %dma_start3A_74 = tpu.memref_slice %arg4[%add3A, %mul3A_37, %dma_start3A_73] : memref<32x80x128xi32, #tpu.memory_space<hbm>> -> memref<1x40x128xi32, #tpu.memory_space<hbm>>
        %dma_start3A_75 = tpu.memref_squeeze %dma_start3A_74 : memref<1x40x128xi32, #tpu.memory_space<hbm>> -> memref<40x128xi32, #tpu.memory_space<hbm>>
        %dma_start3A_76 = arith.constant 0 : i32
        %dma_start3A_77 = tpu.memref_slice %arg4[%add3A, %mul3A_37, %dma_start3A_76] : memref<32x80x128xi32, #tpu.memory_space<hbm>> -> memref<1x40x128xi32, #tpu.memory_space<hbm>>
        %dma_start3A_78 = tpu.memref_squeeze %dma_start3A_77 : memref<1x40x128xi32, #tpu.memory_space<hbm>> -> memref<40x128xi32, #tpu.memory_space<hbm>>
        tpu.enqueue_dma source(%dma_start3A_78 : memref<40x128xi32, #tpu.memory_space<hbm>>) target(%arg9 : memref<40x128xi32, #tpu.memory_space<vmem>>) target_semaphore(%run_scoped3A : memref<!tpu.dma_semaphore, #tpu.memory_space<semaphore_mem>>)
        %dma_wait3A = arith.constant 0 : i32
        %dma_wait3A_79 = tpu.memref_slice %arg4[%add3A, %mul3A_37, %dma_wait3A] : memref<32x80x128xi32, #tpu.memory_space<hbm>> -> memref<1x40x128xi32, #tpu.memory_space<hbm>>
        %dma_wait3A_80 = tpu.memref_squeeze %dma_wait3A_79 : memref<1x40x128xi32, #tpu.memory_space<hbm>> -> memref<40x128xi32, #tpu.memory_space<hbm>>
        %dma_wait3A_81 = arith.constant 0 : i32
        %dma_wait3A_82 = tpu.memref_slice %arg4[%add3A, %mul3A_37, %dma_wait3A_81] : memref<32x80x128xi32, #tpu.memory_space<hbm>> -> memref<1x40x128xi32, #tpu.memory_space<hbm>>
        %dma_wait3A_83 = tpu.memref_squeeze %dma_wait3A_82 : memref<1x40x128xi32, #tpu.memory_space<hbm>> -> memref<40x128xi32, #tpu.memory_space<hbm>>
        tpu.wait_dma2 semaphore(%run_scoped3A : memref<!tpu.dma_semaphore, #tpu.memory_space<semaphore_mem>>) src(%dma_wait3A_83 : memref<40x128xi32, #tpu.memory_space<hbm>>) dst(%arg9 : memref<40x128xi32, #tpu.memory_space<vmem>>)
        tpu.yield
      }) : () -> ()
      %mul3A_38 = arith.constant 40 : i32
      %mul3A_39 = arith.muli %scan3A_32, %mul3A_38 : i32
      %add3A_40 = arith.constant 0 : i32
      %add3A_41 = arith.addi %mul3A_39, %add3A_40 : i32
      %mul3A_42 = arith.constant 128 : i32
      %mul3A_43 = arith.muli %add3A_41, %mul3A_42 : i32
      %add3A_44 = arith.addi %mul3A_16, %mul3A_43 : i32
      "tpu.region"() ({
        %run_scoped3A = tpu.sem_alloc : memref<!tpu.dma_semaphore, #tpu.memory_space<semaphore_mem>>
        %dma_start3A_73 = arith.constant 0 : i32
        %dma_start3A_74 = tpu.memref_slice %arg5[%add3A_44, %dma_start3A_73] : memref<327680x128xf32, #tpu.memory_space<hbm>> -> memref<128x128xf32, #tpu.memory_space<hbm>>
        %dma_start3A_75 = arith.constant 0 : i32
        %dma_start3A_76 = tpu.memref_slice %arg5[%add3A_44, %dma_start3A_75] : memref<327680x128xf32, #tpu.memory_space<hbm>> -> memref<128x128xf32, #tpu.memory_space<hbm>>
        tpu.enqueue_dma source(%dma_start3A_76 : memref<128x128xf32, #tpu.memory_space<hbm>>) target(%arg10 : memref<128x128xf32, #tpu.memory_space<vmem>>) target_semaphore(%run_scoped3A : memref<!tpu.dma_semaphore, #tpu.memory_space<semaphore_mem>>)
        %dma_wait3A = arith.constant 0 : i32
        %dma_wait3A_77 = tpu.memref_slice %arg5[%add3A_44, %dma_wait3A] : memref<327680x128xf32, #tpu.memory_space<hbm>> -> memref<128x128xf32, #tpu.memory_space<hbm>>
        %dma_wait3A_78 = arith.constant 0 : i32
        %dma_wait3A_79 = tpu.memref_slice %arg5[%add3A_44, %dma_wait3A_78] : memref<327680x128xf32, #tpu.memory_space<hbm>> -> memref<128x128xf32, #tpu.memory_space<hbm>>
        tpu.wait_dma2 semaphore(%run_scoped3A : memref<!tpu.dma_semaphore, #tpu.memory_space<semaphore_mem>>) src(%dma_wait3A_79 : memref<128x128xf32, #tpu.memory_space<hbm>>) dst(%arg10 : memref<128x128xf32, #tpu.memory_space<vmem>>)
        tpu.yield
      }) : () -> ()
      %dma_start3A = arith.constant 0 : i32
      %dma_start3A_45 = arith.constant 0 : i32
      %dma_start3A_46 = tpu.memref_slice %arg8[%dma_start3A, %dma_start3A_45] : memref<40x128xi32, #tpu.memory_space<vmem>> -> memref<1x128xi32, #tpu.memory_space<vmem>>
      %dma_start3A_47 = tpu.memref_squeeze %dma_start3A_46 : memref<1x128xi32, #tpu.memory_space<vmem>> -> memref<128xi32, #tpu.memory_space<vmem>>
      %dma_start3A_48 = arith.constant 0 : i32
      %dma_start3A_49 = arith.constant 0 : i32
      %dma_start3A_50 = tpu.memref_slice %arg2[%dma_start3A_48, %dma_start3A_49] : memref<10000x128xf32, #tpu.memory_space<hbm>> -> memref<10000x128xf32, #tpu.memory_space<hbm>>
      tpu.enqueue_indirect_dma source(%dma_start3A_50 : memref<10000x128xf32, #tpu.memory_space<hbm>>) target(%arg10 : memref<128x128xf32, #tpu.memory_space<vmem>>) offsets(%dma_start3A_47 : memref<128xi32, #tpu.memory_space<vmem>>) semaphore(%arg13 : memref<!tpu.dma_semaphore, #tpu.memory_space<semaphore_mem>>) {add = true}
      %mul3A_51 = arith.constant 40 : i32
      %mul3A_52 = arith.muli %scan3A_32, %mul3A_51 : i32
      %add3A_53 = arith.constant 1 : i32
      %add3A_54 = arith.addi %mul3A_52, %add3A_53 : i32
      %mul3A_55 = arith.constant 128 : i32
      %mul3A_56 = arith.muli %add3A_54, %mul3A_55 : i32
      %add3A_57 = arith.addi %mul3A_16, %mul3A_56 : i32
      "tpu.region"() ({
        %run_scoped3A = tpu.sem_alloc : memref<!tpu.dma_semaphore, #tpu.memory_space<semaphore_mem>>
        %dma_start3A_73 = arith.constant 0 : i32
        %dma_start3A_74 = tpu.memref_slice %arg5[%add3A_57, %dma_start3A_73] : memref<327680x128xf32, #tpu.memory_space<hbm>> -> memref<128x128xf32, #tpu.memory_space<hbm>>
        %dma_start3A_75 = arith.constant 0 : i32
        %dma_start3A_76 = tpu.memref_slice %arg5[%add3A_57, %dma_start3A_75] : memref<327680x128xf32, #tpu.memory_space<hbm>> -> memref<128x128xf32, #tpu.memory_space<hbm>>
        tpu.enqueue_dma source(%dma_start3A_76 : memref<128x128xf32, #tpu.memory_space<hbm>>) target(%arg11 : memref<128x128xf32, #tpu.memory_space<vmem>>) target_semaphore(%run_scoped3A : memref<!tpu.dma_semaphore, #tpu.memory_space<semaphore_mem>>)
        %dma_wait3A = arith.constant 0 : i32
        %dma_wait3A_77 = tpu.memref_slice %arg5[%add3A_57, %dma_wait3A] : memref<327680x128xf32, #tpu.memory_space<hbm>> -> memref<128x128xf32, #tpu.memory_space<hbm>>
        %dma_wait3A_78 = arith.constant 0 : i32
        %dma_wait3A_79 = tpu.memref_slice %arg5[%add3A_57, %dma_wait3A_78] : memref<327680x128xf32, #tpu.memory_space<hbm>> -> memref<128x128xf32, #tpu.memory_space<hbm>>
        tpu.wait_dma2 semaphore(%run_scoped3A : memref<!tpu.dma_semaphore, #tpu.memory_space<semaphore_mem>>) src(%dma_wait3A_79 : memref<128x128xf32, #tpu.memory_space<hbm>>) dst(%arg11 : memref<128x128xf32, #tpu.memory_space<vmem>>)
        tpu.yield
      }) : () -> ()
      %dma_start3A_58 = arith.constant 1 : i32
      %dma_start3A_59 = arith.constant 0 : i32
      %dma_start3A_60 = tpu.memref_slice %arg8[%dma_start3A_58, %dma_start3A_59] : memref<40x128xi32, #tpu.memory_space<vmem>> -> memref<1x128xi32, #tpu.memory_space<vmem>>
      %dma_start3A_61 = tpu.memref_squeeze %dma_start3A_60 : memref<1x128xi32, #tpu.memory_space<vmem>> -> memref<128xi32, #tpu.memory_space<vmem>>
      %dma_start3A_62 = arith.constant 0 : i32
      %dma_start3A_63 = arith.constant 0 : i32
      %dma_start3A_64 = tpu.memref_slice %arg2[%dma_start3A_62, %dma_start3A_63] : memref<10000x128xf32, #tpu.memory_space<hbm>> -> memref<10000x128xf32, #tpu.memory_space<hbm>>
      tpu.enqueue_indirect_dma source(%dma_start3A_64 : memref<10000x128xf32, #tpu.memory_space<hbm>>) target(%arg11 : memref<128x128xf32, #tpu.memory_space<vmem>>) offsets(%dma_start3A_61 : memref<128xi32, #tpu.memory_space<vmem>>) semaphore(%arg14 : memref<!tpu.dma_semaphore, #tpu.memory_space<semaphore_mem>>) {add = true}
      %scan3A_65 = arith.constant 0 : i32
      %scan3A_66 = arith.constant 0 : i32
      %scan3A_67 = arith.constant 20 : i32
      %scan3A_68 = arith.addi %scan3A_66, %scan3A_67 : i32
      %scan3A_69 = arith.constant 1 : i32
      %scan3A_70 = scf.for %scan3A_73 = %scan3A_66 to %scan3A_68 step %scan3A_69 iter_args(%scan3A_74 = %scan3A_65) -> (i32)  : i32 {
        %mul3A_75 = arith.constant 2 : i32
        %mul3A_76 = arith.muli %scan3A_73, %mul3A_75 : i32
        %add3A_77 = arith.constant 0 : i32
        %add3A_78 = arith.addi %mul3A_76, %add3A_77 : i32
        %dma_wait3A = arith.constant 0 : i32
        %dma_wait3A_79 = tpu.memref_slice %arg8[%add3A_78, %dma_wait3A] : memref<40x128xi32, #tpu.memory_space<vmem>> -> memref<1x128xi32, #tpu.memory_space<vmem>>
        %dma_wait3A_80 = tpu.memref_squeeze %dma_wait3A_79 : memref<1x128xi32, #tpu.memory_space<vmem>> -> memref<128xi32, #tpu.memory_space<vmem>>
        %dma_wait3A_81 = arith.constant 0 : i32
        %dma_wait3A_82 = arith.constant 0 : i32
        %dma_wait3A_83 = tpu.memref_slice %arg2[%dma_wait3A_81, %dma_wait3A_82] : memref<10000x128xf32, #tpu.memory_space<hbm>> -> memref<10000x128xf32, #tpu.memory_space<hbm>>
        tpu.wait_indirect_dma semaphore(%arg13 : memref<!tpu.dma_semaphore, #tpu.memory_space<semaphore_mem>>) src(%dma_wait3A_83 : memref<10000x128xf32, #tpu.memory_space<hbm>>) dst(%arg10 : memref<128x128xf32, #tpu.memory_space<vmem>>)
        %scan3A_84 = arith.constant 0 : i32
        %scan3A_85 = arith.constant 0 : i32
        %scan3A_86 = arith.constant 128 : i32
        %scan3A_87 = arith.addi %scan3A_85, %scan3A_86 : i32
        %scan3A_88 = arith.constant 1 : i32
        %scan3A_89 = scf.for %scan3A_122 = %scan3A_85 to %scan3A_87 step %scan3A_88 iter_args(%scan3A_123 = %scan3A_84) -> (i32)  : i32 {
          %get3A = arith.index_cast %scan3A_122 : i32 to index
          %get3A_124 = arith.constant 0 : index
          %get3A_125 = tpu.vector_load %arg10[%get3A, %get3A_124] {strides = array<i32>} : memref<128x128xf32, #tpu.memory_space<vmem>>, vector<1x16xf32>,
          %get3A_126 = vector.shape_cast %get3A_125 : vector<1x16xf32> to vector<16xf32>
          %max3A = arith.constant 0.000000e+00 : f32
          %max3A_127 = vector.broadcast %max3A : f32 to vector<16xf32>
          %max3A_128 = arith.maximumf %get3A_126, %max3A_127 : vector<16xf32>
          %swap3A = arith.index_cast %scan3A_122 : i32 to index
          %swap3A_129 = arith.constant 0 : index
          %swap3A_130 = tpu.vector_load %arg10[%swap3A, %swap3A_129] {strides = array<i32>} : memref<128x128xf32, #tpu.memory_space<vmem>>, vector<1x16xf32>,
          %swap3A_131 = vector.shape_cast %swap3A_130 : vector<1x16xf32> to vector<16xf32>
          %swap3A_132 = vector.shape_cast %max3A_128 : vector<16xf32> to vector<1x16xf32>
          tpu.vector_store %arg10[%swap3A, %swap3A_129], %swap3A_132 {strides = array<i32>} : memref<128x128xf32, #tpu.memory_space<vmem>>, vector<1x16xf32>,
          %get3A_133 = arith.index_cast %scan3A_122 : i32 to index
          %get3A_134 = arith.constant 16 : index
          %get3A_135 = tpu.vector_load %arg10[%get3A_133, %get3A_134] {strides = array<i32>} : memref<128x128xf32, #tpu.memory_space<vmem>>, vector<1x16xf32>,
          %get3A_136 = vector.shape_cast %get3A_135 : vector<1x16xf32> to vector<16xf32>
          %max3A_137 = arith.constant 0.000000e+00 : f32
          %max3A_138 = vector.broadcast %max3A_137 : f32 to vector<16xf32>
          %max3A_139 = arith.maximumf %get3A_136, %max3A_138 : vector<16xf32>
          %swap3A_140 = arith.index_cast %scan3A_122 : i32 to index
          %swap3A_141 = arith.constant 16 : index
          %swap3A_142 = tpu.vector_load %arg10[%swap3A_140, %swap3A_141] {strides = array<i32>} : memref<128x128xf32, #tpu.memory_space<vmem>>, vector<1x16xf32>,
          %swap3A_143 = vector.shape_cast %swap3A_142 : vector<1x16xf32> to vector<16xf32>
          %swap3A_144 = vector.shape_cast %max3A_139 : vector<16xf32> to vector<1x16xf32>
          tpu.vector_store %arg10[%swap3A_140, %swap3A_141], %swap3A_144 {strides = array<i32>} : memref<128x128xf32, #tpu.memory_space<vmem>>, vector<1x16xf32>,
          %get3A_145 = arith.index_cast %scan3A_122 : i32 to index
          %get3A_146 = arith.constant 32 : index
          %get3A_147 = tpu.vector_load %arg10[%get3A_145, %get3A_146] {strides = array<i32>} : memref<128x128xf32, #tpu.memory_space<vmem>>, vector<1x16xf32>,
          %get3A_148 = vector.shape_cast %get3A_147 : vector<1x16xf32> to vector<16xf32>
          %max3A_149 = arith.constant 0.000000e+00 : f32
          %max3A_150 = vector.broadcast %max3A_149 : f32 to vector<16xf32>
          %max3A_151 = arith.maximumf %get3A_148, %max3A_150 : vector<16xf32>
          %swap3A_152 = arith.index_cast %scan3A_122 : i32 to index
          %swap3A_153 = arith.constant 32 : index
          %swap3A_154 = tpu.vector_load %arg10[%swap3A_152, %swap3A_153] {strides = array<i32>} : memref<128x128xf32, #tpu.memory_space<vmem>>, vector<1x16xf32>,
          %swap3A_155 = vector.shape_cast %swap3A_154 : vector<1x16xf32> to vector<16xf32>
          %swap3A_156 = vector.shape_cast %max3A_151 : vector<16xf32> to vector<1x16xf32>
          tpu.vector_store %arg10[%swap3A_152, %swap3A_153], %swap3A_156 {strides = array<i32>} : memref<128x128xf32, #tpu.memory_space<vmem>>, vector<1x16xf32>,
          %get3A_157 = arith.index_cast %scan3A_122 : i32 to index
          %get3A_158 = arith.constant 48 : index
          %get3A_159 = tpu.vector_load %arg10[%get3A_157, %get3A_158] {strides = array<i32>} : memref<128x128xf32, #tpu.memory_space<vmem>>, vector<1x16xf32>,
          %get3A_160 = vector.shape_cast %get3A_159 : vector<1x16xf32> to vector<16xf32>
          %max3A_161 = arith.constant 0.000000e+00 : f32
          %max3A_162 = vector.broadcast %max3A_161 : f32 to vector<16xf32>
          %max3A_163 = arith.maximumf %get3A_160, %max3A_162 : vector<16xf32>
          %swap3A_164 = arith.index_cast %scan3A_122 : i32 to index
          %swap3A_165 = arith.constant 48 : index
          %swap3A_166 = tpu.vector_load %arg10[%swap3A_164, %swap3A_165] {strides = array<i32>} : memref<128x128xf32, #tpu.memory_space<vmem>>, vector<1x16xf32>,
          %swap3A_167 = vector.shape_cast %swap3A_166 : vector<1x16xf32> to vector<16xf32>
          %swap3A_168 = vector.shape_cast %max3A_163 : vector<16xf32> to vector<1x16xf32>
          tpu.vector_store %arg10[%swap3A_164, %swap3A_165], %swap3A_168 {strides = array<i32>} : memref<128x128xf32, #tpu.memory_space<vmem>>, vector<1x16xf32>,
          %get3A_169 = arith.index_cast %scan3A_122 : i32 to index
          %get3A_170 = arith.constant 64 : index
          %get3A_171 = tpu.vector_load %arg10[%get3A_169, %get3A_170] {strides = array<i32>} : memref<128x128xf32, #tpu.memory_space<vmem>>, vector<1x16xf32>,
          %get3A_172 = vector.shape_cast %get3A_171 : vector<1x16xf32> to vector<16xf32>
          %max3A_173 = arith.constant 0.000000e+00 : f32
          %max3A_174 = vector.broadcast %max3A_173 : f32 to vector<16xf32>
          %max3A_175 = arith.maximumf %get3A_172, %max3A_174 : vector<16xf32>
          %swap3A_176 = arith.index_cast %scan3A_122 : i32 to index
          %swap3A_177 = arith.constant 64 : index
          %swap3A_178 = tpu.vector_load %arg10[%swap3A_176, %swap3A_177] {strides = array<i32>} : memref<128x128xf32, #tpu.memory_space<vmem>>, vector<1x16xf32>,
          %swap3A_179 = vector.shape_cast %swap3A_178 : vector<1x16xf32> to vector<16xf32>
          %swap3A_180 = vector.shape_cast %max3A_175 : vector<16xf32> to vector<1x16xf32>
          tpu.vector_store %arg10[%swap3A_176, %swap3A_177], %swap3A_180 {strides = array<i32>} : memref<128x128xf32, #tpu.memory_space<vmem>>, vector<1x16xf32>,
          %get3A_181 = arith.index_cast %scan3A_122 : i32 to index
          %get3A_182 = arith.constant 80 : index
          %get3A_183 = tpu.vector_load %arg10[%get3A_181, %get3A_182] {strides = array<i32>} : memref<128x128xf32, #tpu.memory_space<vmem>>, vector<1x16xf32>,
          %get3A_184 = vector.shape_cast %get3A_183 : vector<1x16xf32> to vector<16xf32>
          %max3A_185 = arith.constant 0.000000e+00 : f32
          %max3A_186 = vector.broadcast %max3A_185 : f32 to vector<16xf32>
          %max3A_187 = arith.maximumf %get3A_184, %max3A_186 : vector<16xf32>
          %swap3A_188 = arith.index_cast %scan3A_122 : i32 to index
          %swap3A_189 = arith.constant 80 : index
          %swap3A_190 = tpu.vector_load %arg10[%swap3A_188, %swap3A_189] {strides = array<i32>} : memref<128x128xf32, #tpu.memory_space<vmem>>, vector<1x16xf32>,
          %swap3A_191 = vector.shape_cast %swap3A_190 : vector<1x16xf32> to vector<16xf32>
          %swap3A_192 = vector.shape_cast %max3A_187 : vector<16xf32> to vector<1x16xf32>
          tpu.vector_store %arg10[%swap3A_188, %swap3A_189], %swap3A_192 {strides = array<i32>} : memref<128x128xf32, #tpu.memory_space<vmem>>, vector<1x16xf32>,
          %get3A_193 = arith.index_cast %scan3A_122 : i32 to index
          %get3A_194 = arith.constant 96 : index
          %get3A_195 = tpu.vector_load %arg10[%get3A_193, %get3A_194] {strides = array<i32>} : memref<128x128xf32, #tpu.memory_space<vmem>>, vector<1x16xf32>,
          %get3A_196 = vector.shape_cast %get3A_195 : vector<1x16xf32> to vector<16xf32>
          %max3A_197 = arith.constant 0.000000e+00 : f32
          %max3A_198 = vector.broadcast %max3A_197 : f32 to vector<16xf32>
          %max3A_199 = arith.maximumf %get3A_196, %max3A_198 : vector<16xf32>
          %swap3A_200 = arith.index_cast %scan3A_122 : i32 to index
          %swap3A_201 = arith.constant 96 : index
          %swap3A_202 = tpu.vector_load %arg10[%swap3A_200, %swap3A_201] {strides = array<i32>} : memref<128x128xf32, #tpu.memory_space<vmem>>, vector<1x16xf32>,
          %swap3A_203 = vector.shape_cast %swap3A_202 : vector<1x16xf32> to vector<16xf32>
          %swap3A_204 = vector.shape_cast %max3A_199 : vector<16xf32> to vector<1x16xf32>
          tpu.vector_store %arg10[%swap3A_200, %swap3A_201], %swap3A_204 {strides = array<i32>} : memref<128x128xf32, #tpu.memory_space<vmem>>, vector<1x16xf32>,
          %get3A_205 = arith.index_cast %scan3A_122 : i32 to index
          %get3A_206 = arith.constant 112 : index
          %get3A_207 = tpu.vector_load %arg10[%get3A_205, %get3A_206] {strides = array<i32>} : memref<128x128xf32, #tpu.memory_space<vmem>>, vector<1x16xf32>,
          %get3A_208 = vector.shape_cast %get3A_207 : vector<1x16xf32> to vector<16xf32>
          %max3A_209 = arith.constant 0.000000e+00 : f32
          %max3A_210 = vector.broadcast %max3A_209 : f32 to vector<16xf32>
          %max3A_211 = arith.maximumf %get3A_208, %max3A_210 : vector<16xf32>
          %swap3A_212 = arith.index_cast %scan3A_122 : i32 to index
          %swap3A_213 = arith.constant 112 : index
          %swap3A_214 = tpu.vector_load %arg10[%swap3A_212, %swap3A_213] {strides = array<i32>} : memref<128x128xf32, #tpu.memory_space<vmem>>, vector<1x16xf32>,
          %swap3A_215 = vector.shape_cast %swap3A_214 : vector<1x16xf32> to vector<16xf32>
          %swap3A_216 = vector.shape_cast %max3A_211 : vector<16xf32> to vector<1x16xf32>
          tpu.vector_store %arg10[%swap3A_212, %swap3A_213], %swap3A_216 {strides = array<i32>} : memref<128x128xf32, #tpu.memory_space<vmem>>, vector<1x16xf32>,
          %scan3A_217 = arith.constant 0 : i32
          scf.yield %scan3A_217 : i32
        }
        %scan3A_90 = arith.constant 128 : i32
        "tpu.region"() ({
          %run_scoped3A = tpu.sem_alloc : memref<!tpu.dma_semaphore, #tpu.memory_space<semaphore_mem>>
          %dma_start3A_122 = arith.constant 0 : i32
          %dma_start3A_123 = tpu.memref_slice %arg9[%add3A_78, %dma_start3A_122] : memref<40x128xi32, #tpu.memory_space<vmem>> -> memref<1x128xi32, #tpu.memory_space<vmem>>
          %dma_start3A_124 = tpu.memref_squeeze %dma_start3A_123 : memref<1x128xi32, #tpu.memory_space<vmem>> -> memref<128xi32, #tpu.memory_space<vmem>>
          %dma_start3A_125 = arith.constant 0 : i32
          %dma_start3A_126 = arith.constant 0 : i32
          %dma_start3A_127 = tpu.memref_slice %arg12[%dma_start3A_125, %dma_start3A_126] : memref<10240x128xf32, #tpu.memory_space<vmem_shared>> -> memref<10240x128xf32, #tpu.memory_space<vmem_shared>>
          tpu.enqueue_indirect_dma source(%arg10 : memref<128x128xf32, #tpu.memory_space<vmem>>) target(%dma_start3A_127 : memref<10240x128xf32, #tpu.memory_space<vmem_shared>>) offsets(%dma_start3A_124 : memref<128xi32, #tpu.memory_space<vmem>>) semaphore(%run_scoped3A : memref<!tpu.dma_semaphore, #tpu.memory_space<semaphore_mem>>) {add = true}
          %dma_wait3A_128 = arith.constant 0 : i32
          %dma_wait3A_129 = tpu.memref_slice %arg9[%add3A_78, %dma_wait3A_128] : memref<40x128xi32, #tpu.memory_space<vmem>> -> memref<1x128xi32, #tpu.memory_space<vmem>>
          %dma_wait3A_130 = tpu.memref_squeeze %dma_wait3A_129 : memref<1x128xi32, #tpu.memory_space<vmem>> -> memref<128xi32, #tpu.memory_space<vmem>>
          %dma_wait3A_131 = arith.constant 0 : i32
          %dma_wait3A_132 = arith.constant 0 : i32
          %dma_wait3A_133 = tpu.memref_slice %arg12[%dma_wait3A_131, %dma_wait3A_132] : memref<10240x128xf32, #tpu.memory_space<vmem_shared>> -> memref<10240x128xf32, #tpu.memory_space<vmem_shared>>
          tpu.wait_indirect_dma semaphore(%run_scoped3A : memref<!tpu.dma_semaphore, #tpu.memory_space<semaphore_mem>>) src(%arg10 : memref<128x128xf32, #tpu.memory_space<vmem>>) dst(%dma_wait3A_133 : memref<10240x128xf32, #tpu.memory_space<vmem_shared>>)
          tpu.yield
        }) : () -> ()
        %add3A_91 = arith.constant 2 : i32
        %add3A_92 = arith.addi %add3A_78, %add3A_91 : i32
        %lt3A = arith.constant 40 : i32
        %lt3A_93 = arith.cmpi slt, %add3A_92, %lt3A : i32
        %convert_element_type3A_94 = arith.extui %lt3A_93 : i1 to i32
        %cond3A_95 = arith.constant 0 : i32
        %cond3A_96 = arith.cmpi ne, %convert_element_type3A_94, %cond3A_95 : i32
        scf.if %cond3A_96 {
          %add3A_122 = arith.constant 2 : i32
          %add3A_123 = arith.addi %add3A_78, %add3A_122 : i32
          %mul3A_124 = arith.constant 40 : i32
          %mul3A_125 = arith.muli %scan3A_32, %mul3A_124 : i32
          %add3A_126 = arith.addi %mul3A_125, %add3A_123 : i32
          %mul3A_127 = arith.constant 128 : i32
          %mul3A_128 = arith.muli %add3A_126, %mul3A_127 : i32
          %add3A_129 = arith.addi %mul3A_16, %mul3A_128 : i32
          "tpu.region"() ({
            %run_scoped3A = tpu.sem_alloc : memref<!tpu.dma_semaphore, #tpu.memory_space<semaphore_mem>>
            %dma_start3A_136 = arith.constant 0 : i32
            %dma_start3A_137 = tpu.memref_slice %arg5[%add3A_129, %dma_start3A_136] : memref<327680x128xf32, #tpu.memory_space<hbm>> -> memref<128x128xf32, #tpu.memory_space<hbm>>
            %dma_start3A_138 = arith.constant 0 : i32
            %dma_start3A_139 = tpu.memref_slice %arg5[%add3A_129, %dma_start3A_138] : memref<327680x128xf32, #tpu.memory_space<hbm>> -> memref<128x128xf32, #tpu.memory_space<hbm>>
            tpu.enqueue_dma source(%dma_start3A_139 : memref<128x128xf32, #tpu.memory_space<hbm>>) target(%arg10 : memref<128x128xf32, #tpu.memory_space<vmem>>) target_semaphore(%run_scoped3A : memref<!tpu.dma_semaphore, #tpu.memory_space<semaphore_mem>>)
            %dma_wait3A_140 = arith.constant 0 : i32
            %dma_wait3A_141 = tpu.memref_slice %arg5[%add3A_129, %dma_wait3A_140] : memref<327680x128xf32, #tpu.memory_space<hbm>> -> memref<128x128xf32, #tpu.memory_space<hbm>>
            %dma_wait3A_142 = arith.constant 0 : i32
            %dma_wait3A_143 = tpu.memref_slice %arg5[%add3A_129, %dma_wait3A_142] : memref<327680x128xf32, #tpu.memory_space<hbm>> -> memref<128x128xf32, #tpu.memory_space<hbm>>
            tpu.wait_dma2 semaphore(%run_scoped3A : memref<!tpu.dma_semaphore, #tpu.memory_space<semaphore_mem>>) src(%dma_wait3A_143 : memref<128x128xf32, #tpu.memory_space<hbm>>) dst(%arg10 : memref<128x128xf32, #tpu.memory_space<vmem>>)
            tpu.yield
          }) : () -> ()
          %dma_start3A_130 = arith.constant 0 : i32
          %dma_start3A_131 = tpu.memref_slice %arg8[%add3A_123, %dma_start3A_130] : memref<40x128xi32, #tpu.memory_space<vmem>> -> memref<1x128xi32, #tpu.memory_space<vmem>>
          %dma_start3A_132 = tpu.memref_squeeze %dma_start3A_131 : memref<1x128xi32, #tpu.memory_space<vmem>> -> memref<128xi32, #tpu.memory_space<vmem>>
          %dma_start3A_133 = arith.constant 0 : i32
          %dma_start3A_134 = arith.constant 0 : i32
          %dma_start3A_135 = tpu.memref_slice %arg2[%dma_start3A_133, %dma_start3A_134] : memref<10000x128xf32, #tpu.memory_space<hbm>> -> memref<10000x128xf32, #tpu.memory_space<hbm>>
          tpu.enqueue_indirect_dma source(%dma_start3A_135 : memref<10000x128xf32, #tpu.memory_space<hbm>>) target(%arg10 : memref<128x128xf32, #tpu.memory_space<vmem>>) offsets(%dma_start3A_132 : memref<128xi32, #tpu.memory_space<vmem>>) semaphore(%arg13 : memref<!tpu.dma_semaphore, #tpu.memory_space<semaphore_mem>>) {add = true}
        } else {
        }
        %mul3A_97 = arith.constant 2 : i32
        %mul3A_98 = arith.muli %scan3A_73, %mul3A_97 : i32
        %add3A_99 = arith.constant 1 : i32
        %add3A_100 = arith.addi %mul3A_98, %add3A_99 : i32
        %dma_wait3A_101 = arith.constant 0 : i32
        %dma_wait3A_102 = tpu.memref_slice %arg8[%add3A_100, %dma_wait3A_101] : memref<40x128xi32, #tpu.memory_space<vmem>> -> memref<1x128xi32, #tpu.memory_space<vmem>>
        %dma_wait3A_103 = tpu.memref_squeeze %dma_wait3A_102 : memref<1x128xi32, #tpu.memory_space<vmem>> -> memref<128xi32, #tpu.memory_space<vmem>>
        %dma_wait3A_104 = arith.constant 0 : i32
        %dma_wait3A_105 = arith.constant 0 : i32
        %dma_wait3A_106 = tpu.memref_slice %arg2[%dma_wait3A_104, %dma_wait3A_105] : memref<10000x128xf32, #tpu.memory_space<hbm>> -> memref<10000x128xf32, #tpu.memory_space<hbm>>
        tpu.wait_indirect_dma semaphore(%arg14 : memref<!tpu.dma_semaphore, #tpu.memory_space<semaphore_mem>>) src(%dma_wait3A_106 : memref<10000x128xf32, #tpu.memory_space<hbm>>) dst(%arg11 : memref<128x128xf32, #tpu.memory_space<vmem>>)
        %scan3A_107 = arith.constant 0 : i32
        %scan3A_108 = arith.constant 0 : i32
        %scan3A_109 = arith.constant 128 : i32
        %scan3A_110 = arith.addi %scan3A_108, %scan3A_109 : i32
        %scan3A_111 = arith.constant 1 : i32
        %scan3A_112 = scf.for %scan3A_122 = %scan3A_108 to %scan3A_110 step %scan3A_111 iter_args(%scan3A_123 = %scan3A_107) -> (i32)  : i32 {
          %get3A = arith.index_cast %scan3A_122 : i32 to index
          %get3A_124 = arith.constant 0 : index
          %get3A_125 = tpu.vector_load %arg11[%get3A, %get3A_124] {strides = array<i32>} : memref<128x128xf32, #tpu.memory_space<vmem>>, vector<1x16xf32>,
          %get3A_126 = vector.shape_cast %get3A_125 : vector<1x16xf32> to vector<16xf32>
          %max3A = arith.constant 0.000000e+00 : f32
          %max3A_127 = vector.broadcast %max3A : f32 to vector<16xf32>
          %max3A_128 = arith.maximumf %get3A_126, %max3A_127 : vector<16xf32>
          %swap3A = arith.index_cast %scan3A_122 : i32 to index
          %swap3A_129 = arith.constant 0 : index
          %swap3A_130 = tpu.vector_load %arg11[%swap3A, %swap3A_129] {strides = array<i32>} : memref<128x128xf32, #tpu.memory_space<vmem>>, vector<1x16xf32>,
          %swap3A_131 = vector.shape_cast %swap3A_130 : vector<1x16xf32> to vector<16xf32>
          %swap3A_132 = vector.shape_cast %max3A_128 : vector<16xf32> to vector<1x16xf32>
          tpu.vector_store %arg11[%swap3A, %swap3A_129], %swap3A_132 {strides = array<i32>} : memref<128x128xf32, #tpu.memory_space<vmem>>, vector<1x16xf32>,
          %get3A_133 = arith.index_cast %scan3A_122 : i32 to index
          %get3A_134 = arith.constant 16 : index
          %get3A_135 = tpu.vector_load %arg11[%get3A_133, %get3A_134] {strides = array<i32>} : memref<128x128xf32, #tpu.memory_space<vmem>>, vector<1x16xf32>,
          %get3A_136 = vector.shape_cast %get3A_135 : vector<1x16xf32> to vector<16xf32>
          %max3A_137 = arith.constant 0.000000e+00 : f32
          %max3A_138 = vector.broadcast %max3A_137 : f32 to vector<16xf32>
          %max3A_139 = arith.maximumf %get3A_136, %max3A_138 : vector<16xf32>
          %swap3A_140 = arith.index_cast %scan3A_122 : i32 to index
          %swap3A_141 = arith.constant 16 : index
          %swap3A_142 = tpu.vector_load %arg11[%swap3A_140, %swap3A_141] {strides = array<i32>} : memref<128x128xf32, #tpu.memory_space<vmem>>, vector<1x16xf32>,
          %swap3A_143 = vector.shape_cast %swap3A_142 : vector<1x16xf32> to vector<16xf32>
          %swap3A_144 = vector.shape_cast %max3A_139 : vector<16xf32> to vector<1x16xf32>
          tpu.vector_store %arg11[%swap3A_140, %swap3A_141], %swap3A_144 {strides = array<i32>} : memref<128x128xf32, #tpu.memory_space<vmem>>, vector<1x16xf32>,
          %get3A_145 = arith.index_cast %scan3A_122 : i32 to index
          %get3A_146 = arith.constant 32 : index
          %get3A_147 = tpu.vector_load %arg11[%get3A_145, %get3A_146] {strides = array<i32>} : memref<128x128xf32, #tpu.memory_space<vmem>>, vector<1x16xf32>,
          %get3A_148 = vector.shape_cast %get3A_147 : vector<1x16xf32> to vector<16xf32>
          %max3A_149 = arith.constant 0.000000e+00 : f32
          %max3A_150 = vector.broadcast %max3A_149 : f32 to vector<16xf32>
          %max3A_151 = arith.maximumf %get3A_148, %max3A_150 : vector<16xf32>
          %swap3A_152 = arith.index_cast %scan3A_122 : i32 to index
          %swap3A_153 = arith.constant 32 : index
          %swap3A_154 = tpu.vector_load %arg11[%swap3A_152, %swap3A_153] {strides = array<i32>} : memref<128x128xf32, #tpu.memory_space<vmem>>, vector<1x16xf32>,
          %swap3A_155 = vector.shape_cast %swap3A_154 : vector<1x16xf32> to vector<16xf32>
          %swap3A_156 = vector.shape_cast %max3A_151 : vector<16xf32> to vector<1x16xf32>
          tpu.vector_store %arg11[%swap3A_152, %swap3A_153], %swap3A_156 {strides = array<i32>} : memref<128x128xf32, #tpu.memory_space<vmem>>, vector<1x16xf32>,
          %get3A_157 = arith.index_cast %scan3A_122 : i32 to index
          %get3A_158 = arith.constant 48 : index
          %get3A_159 = tpu.vector_load %arg11[%get3A_157, %get3A_158] {strides = array<i32>} : memref<128x128xf32, #tpu.memory_space<vmem>>, vector<1x16xf32>,
          %get3A_160 = vector.shape_cast %get3A_159 : vector<1x16xf32> to vector<16xf32>
          %max3A_161 = arith.constant 0.000000e+00 : f32
          %max3A_162 = vector.broadcast %max3A_161 : f32 to vector<16xf32>
          %max3A_163 = arith.maximumf %get3A_160, %max3A_162 : vector<16xf32>
          %swap3A_164 = arith.index_cast %scan3A_122 : i32 to index
          %swap3A_165 = arith.constant 48 : index
          %swap3A_166 = tpu.vector_load %arg11[%swap3A_164, %swap3A_165] {strides = array<i32>} : memref<128x128xf32, #tpu.memory_space<vmem>>, vector<1x16xf32>,
          %swap3A_167 = vector.shape_cast %swap3A_166 : vector<1x16xf32> to vector<16xf32>
          %swap3A_168 = vector.shape_cast %max3A_163 : vector<16xf32> to vector<1x16xf32>
          tpu.vector_store %arg11[%swap3A_164, %swap3A_165], %swap3A_168 {strides = array<i32>} : memref<128x128xf32, #tpu.memory_space<vmem>>, vector<1x16xf32>,
          %get3A_169 = arith.index_cast %scan3A_122 : i32 to index
          %get3A_170 = arith.constant 64 : index
          %get3A_171 = tpu.vector_load %arg11[%get3A_169, %get3A_170] {strides = array<i32>} : memref<128x128xf32, #tpu.memory_space<vmem>>, vector<1x16xf32>,
          %get3A_172 = vector.shape_cast %get3A_171 : vector<1x16xf32> to vector<16xf32>
          %max3A_173 = arith.constant 0.000000e+00 : f32
          %max3A_174 = vector.broadcast %max3A_173 : f32 to vector<16xf32>
          %max3A_175 = arith.maximumf %get3A_172, %max3A_174 : vector<16xf32>
          %swap3A_176 = arith.index_cast %scan3A_122 : i32 to index
          %swap3A_177 = arith.constant 64 : index
          %swap3A_178 = tpu.vector_load %arg11[%swap3A_176, %swap3A_177] {strides = array<i32>} : memref<128x128xf32, #tpu.memory_space<vmem>>, vector<1x16xf32>,
          %swap3A_179 = vector.shape_cast %swap3A_178 : vector<1x16xf32> to vector<16xf32>
          %swap3A_180 = vector.shape_cast %max3A_175 : vector<16xf32> to vector<1x16xf32>
          tpu.vector_store %arg11[%swap3A_176, %swap3A_177], %swap3A_180 {strides = array<i32>} : memref<128x128xf32, #tpu.memory_space<vmem>>, vector<1x16xf32>,
          %get3A_181 = arith.index_cast %scan3A_122 : i32 to index
          %get3A_182 = arith.constant 80 : index
          %get3A_183 = tpu.vector_load %arg11[%get3A_181, %get3A_182] {strides = array<i32>} : memref<128x128xf32, #tpu.memory_space<vmem>>, vector<1x16xf32>,
          %get3A_184 = vector.shape_cast %get3A_183 : vector<1x16xf32> to vector<16xf32>
          %max3A_185 = arith.constant 0.000000e+00 : f32
          %max3A_186 = vector.broadcast %max3A_185 : f32 to vector<16xf32>
          %max3A_187 = arith.maximumf %get3A_184, %max3A_186 : vector<16xf32>
          %swap3A_188 = arith.index_cast %scan3A_122 : i32 to index
          %swap3A_189 = arith.constant 80 : index
          %swap3A_190 = tpu.vector_load %arg11[%swap3A_188, %swap3A_189] {strides = array<i32>} : memref<128x128xf32, #tpu.memory_space<vmem>>, vector<1x16xf32>,
          %swap3A_191 = vector.shape_cast %swap3A_190 : vector<1x16xf32> to vector<16xf32>
          %swap3A_192 = vector.shape_cast %max3A_187 : vector<16xf32> to vector<1x16xf32>
          tpu.vector_store %arg11[%swap3A_188, %swap3A_189], %swap3A_192 {strides = array<i32>} : memref<128x128xf32, #tpu.memory_space<vmem>>, vector<1x16xf32>,
          %get3A_193 = arith.index_cast %scan3A_122 : i32 to index
          %get3A_194 = arith.constant 96 : index
          %get3A_195 = tpu.vector_load %arg11[%get3A_193, %get3A_194] {strides = array<i32>} : memref<128x128xf32, #tpu.memory_space<vmem>>, vector<1x16xf32>,
          %get3A_196 = vector.shape_cast %get3A_195 : vector<1x16xf32> to vector<16xf32>
          %max3A_197 = arith.constant 0.000000e+00 : f32
          %max3A_198 = vector.broadcast %max3A_197 : f32 to vector<16xf32>
          %max3A_199 = arith.maximumf %get3A_196, %max3A_198 : vector<16xf32>
          %swap3A_200 = arith.index_cast %scan3A_122 : i32 to index
          %swap3A_201 = arith.constant 96 : index
          %swap3A_202 = tpu.vector_load %arg11[%swap3A_200, %swap3A_201] {strides = array<i32>} : memref<128x128xf32, #tpu.memory_space<vmem>>, vector<1x16xf32>,
          %swap3A_203 = vector.shape_cast %swap3A_202 : vector<1x16xf32> to vector<16xf32>
          %swap3A_204 = vector.shape_cast %max3A_199 : vector<16xf32> to vector<1x16xf32>
          tpu.vector_store %arg11[%swap3A_200, %swap3A_201], %swap3A_204 {strides = array<i32>} : memref<128x128xf32, #tpu.memory_space<vmem>>, vector<1x16xf32>,
          %get3A_205 = arith.index_cast %scan3A_122 : i32 to index
          %get3A_206 = arith.constant 112 : index
          %get3A_207 = tpu.vector_load %arg11[%get3A_205, %get3A_206] {strides = array<i32>} : memref<128x128xf32, #tpu.memory_space<vmem>>, vector<1x16xf32>,
          %get3A_208 = vector.shape_cast %get3A_207 : vector<1x16xf32> to vector<16xf32>
          %max3A_209 = arith.constant 0.000000e+00 : f32
          %max3A_210 = vector.broadcast %max3A_209 : f32 to vector<16xf32>
          %max3A_211 = arith.maximumf %get3A_208, %max3A_210 : vector<16xf32>
          %swap3A_212 = arith.index_cast %scan3A_122 : i32 to index
          %swap3A_213 = arith.constant 112 : index
          %swap3A_214 = tpu.vector_load %arg11[%swap3A_212, %swap3A_213] {strides = array<i32>} : memref<128x128xf32, #tpu.memory_space<vmem>>, vector<1x16xf32>,
          %swap3A_215 = vector.shape_cast %swap3A_214 : vector<1x16xf32> to vector<16xf32>
          %swap3A_216 = vector.shape_cast %max3A_211 : vector<16xf32> to vector<1x16xf32>
          tpu.vector_store %arg11[%swap3A_212, %swap3A_213], %swap3A_216 {strides = array<i32>} : memref<128x128xf32, #tpu.memory_space<vmem>>, vector<1x16xf32>,
          %scan3A_217 = arith.constant 0 : i32
          scf.yield %scan3A_217 : i32
        }
        %scan3A_113 = arith.constant 128 : i32
        "tpu.region"() ({
          %run_scoped3A = tpu.sem_alloc : memref<!tpu.dma_semaphore, #tpu.memory_space<semaphore_mem>>
          %dma_start3A_122 = arith.constant 0 : i32
          %dma_start3A_123 = tpu.memref_slice %arg9[%add3A_100, %dma_start3A_122] : memref<40x128xi32, #tpu.memory_space<vmem>> -> memref<1x128xi32, #tpu.memory_space<vmem>>
          %dma_start3A_124 = tpu.memref_squeeze %dma_start3A_123 : memref<1x128xi32, #tpu.memory_space<vmem>> -> memref<128xi32, #tpu.memory_space<vmem>>
          %dma_start3A_125 = arith.constant 0 : i32
          %dma_start3A_126 = arith.constant 0 : i32
          %dma_start3A_127 = tpu.memref_slice %arg12[%dma_start3A_125, %dma_start3A_126] : memref<10240x128xf32, #tpu.memory_space<vmem_shared>> -> memref<10240x128xf32, #tpu.memory_space<vmem_shared>>
          tpu.enqueue_indirect_dma source(%arg11 : memref<128x128xf32, #tpu.memory_space<vmem>>) target(%dma_start3A_127 : memref<10240x128xf32, #tpu.memory_space<vmem_shared>>) offsets(%dma_start3A_124 : memref<128xi32, #tpu.memory_space<vmem>>) semaphore(%run_scoped3A : memref<!tpu.dma_semaphore, #tpu.memory_space<semaphore_mem>>) {add = true}
          %dma_wait3A_128 = arith.constant 0 : i32
          %dma_wait3A_129 = tpu.memref_slice %arg9[%add3A_100, %dma_wait3A_128] : memref<40x128xi32, #tpu.memory_space<vmem>> -> memref<1x128xi32, #tpu.memory_space<vmem>>
          %dma_wait3A_130 = tpu.memref_squeeze %dma_wait3A_129 : memref<1x128xi32, #tpu.memory_space<vmem>> -> memref<128xi32, #tpu.memory_space<vmem>>
          %dma_wait3A_131 = arith.constant 0 : i32
          %dma_wait3A_132 = arith.constant 0 : i32
          %dma_wait3A_133 = tpu.memref_slice %arg12[%dma_wait3A_131, %dma_wait3A_132] : memref<10240x128xf32, #tpu.memory_space<vmem_shared>> -> memref<10240x128xf32, #tpu.memory_space<vmem_shared>>
          tpu.wait_indirect_dma semaphore(%run_scoped3A : memref<!tpu.dma_semaphore, #tpu.memory_space<semaphore_mem>>) src(%arg11 : memref<128x128xf32, #tpu.memory_space<vmem>>) dst(%dma_wait3A_133 : memref<10240x128xf32, #tpu.memory_space<vmem_shared>>)
          tpu.yield
        }) : () -> ()
        %add3A_114 = arith.constant 2 : i32
        %add3A_115 = arith.addi %add3A_100, %add3A_114 : i32
        %lt3A_116 = arith.constant 40 : i32
        %lt3A_117 = arith.cmpi slt, %add3A_115, %lt3A_116 : i32
        %convert_element_type3A_118 = arith.extui %lt3A_117 : i1 to i32
        %cond3A_119 = arith.constant 0 : i32
        %cond3A_120 = arith.cmpi ne, %convert_element_type3A_118, %cond3A_119 : i32
        scf.if %cond3A_120 {
          %add3A_122 = arith.constant 2 : i32
          %add3A_123 = arith.addi %add3A_100, %add3A_122 : i32
          %mul3A_124 = arith.constant 40 : i32
          %mul3A_125 = arith.muli %scan3A_32, %mul3A_124 : i32
          %add3A_126 = arith.addi %mul3A_125, %add3A_123 : i32
          %mul3A_127 = arith.constant 128 : i32
          %mul3A_128 = arith.muli %add3A_126, %mul3A_127 : i32
          %add3A_129 = arith.addi %mul3A_16, %mul3A_128 : i32
          "tpu.region"() ({
            %run_scoped3A = tpu.sem_alloc : memref<!tpu.dma_semaphore, #tpu.memory_space<semaphore_mem>>
            %dma_start3A_136 = arith.constant 0 : i32
            %dma_start3A_137 = tpu.memref_slice %arg5[%add3A_129, %dma_start3A_136] : memref<327680x128xf32, #tpu.memory_space<hbm>> -> memref<128x128xf32, #tpu.memory_space<hbm>>
            %dma_start3A_138 = arith.constant 0 : i32
            %dma_start3A_139 = tpu.memref_slice %arg5[%add3A_129, %dma_start3A_138] : memref<327680x128xf32, #tpu.memory_space<hbm>> -> memref<128x128xf32, #tpu.memory_space<hbm>>
            tpu.enqueue_dma source(%dma_start3A_139 : memref<128x128xf32, #tpu.memory_space<hbm>>) target(%arg11 : memref<128x128xf32, #tpu.memory_space<vmem>>) target_semaphore(%run_scoped3A : memref<!tpu.dma_semaphore, #tpu.memory_space<semaphore_mem>>)
            %dma_wait3A_140 = arith.constant 0 : i32
            %dma_wait3A_141 = tpu.memref_slice %arg5[%add3A_129, %dma_wait3A_140] : memref<327680x128xf32, #tpu.memory_space<hbm>> -> memref<128x128xf32, #tpu.memory_space<hbm>>
            %dma_wait3A_142 = arith.constant 0 : i32
            %dma_wait3A_143 = tpu.memref_slice %arg5[%add3A_129, %dma_wait3A_142] : memref<327680x128xf32, #tpu.memory_space<hbm>> -> memref<128x128xf32, #tpu.memory_space<hbm>>
            tpu.wait_dma2 semaphore(%run_scoped3A : memref<!tpu.dma_semaphore, #tpu.memory_space<semaphore_mem>>) src(%dma_wait3A_143 : memref<128x128xf32, #tpu.memory_space<hbm>>) dst(%arg11 : memref<128x128xf32, #tpu.memory_space<vmem>>)
            tpu.yield
          }) : () -> ()
          %dma_start3A_130 = arith.constant 0 : i32
          %dma_start3A_131 = tpu.memref_slice %arg8[%add3A_123, %dma_start3A_130] : memref<40x128xi32, #tpu.memory_space<vmem>> -> memref<1x128xi32, #tpu.memory_space<vmem>>
          %dma_start3A_132 = tpu.memref_squeeze %dma_start3A_131 : memref<1x128xi32, #tpu.memory_space<vmem>> -> memref<128xi32, #tpu.memory_space<vmem>>
          %dma_start3A_133 = arith.constant 0 : i32
          %dma_start3A_134 = arith.constant 0 : i32
          %dma_start3A_135 = tpu.memref_slice %arg2[%dma_start3A_133, %dma_start3A_134] : memref<10000x128xf32, #tpu.memory_space<hbm>> -> memref<10000x128xf32, #tpu.memory_space<hbm>>
          tpu.enqueue_indirect_dma source(%dma_start3A_135 : memref<10000x128xf32, #tpu.memory_space<hbm>>) target(%arg11 : memref<128x128xf32, #tpu.memory_space<vmem>>) offsets(%dma_start3A_132 : memref<128xi32, #tpu.memory_space<vmem>>) semaphore(%arg14 : memref<!tpu.dma_semaphore, #tpu.memory_space<semaphore_mem>>) {add = true}
        } else {
        }
        %scan3A_121 = arith.constant 0 : i32
        scf.yield %scan3A_121 : i32
      }
      %scan3A_71 = arith.constant 20 : i32
      %scan3A_72 = arith.constant 0 : i32
      scf.yield %scan3A_72 : i32
    }
    %scan3A_23 = arith.constant 2 : i32
    %barrier3A_24 = arith.constant 0 : index
    tpu.barrier barrier_id(%barrier3A_24)
    %eq3A = arith.constant 0 : i32
    %eq3A_25 = arith.cmpi eq, %arg0, %eq3A : i32
    %convert_element_type3A = arith.extui %eq3A_25 : i1 to i32
    %cond3A = arith.constant 0 : i32
    %cond3A_26 = arith.cmpi ne, %convert_element_type3A, %cond3A : i32
    scf.if %cond3A_26 {
      %mul3A_32 = arith.constant 640 : i32
      %mul3A_33 = arith.muli %arg1, %mul3A_32 : i32
      %mul3A_34 = arith.constant 640 : i32
      %mul3A_35 = arith.muli %arg1, %mul3A_34 : i32
      "tpu.region"() ({
        %run_scoped3A = tpu.sem_alloc : memref<!tpu.dma_semaphore, #tpu.memory_space<semaphore_mem>>
        %dma_start3A = arith.constant 0 : i32
        %dma_start3A_36 = tpu.memref_slice %arg6[%mul3A_35, %dma_start3A] : memref<10240x128xf32, #tpu.memory_space<hbm>> -> memref<640x128xf32, #tpu.memory_space<hbm>>
        %dma_start3A_37 = arith.constant 0 : i32
        %dma_start3A_38 = tpu.memref_slice %arg12[%mul3A_33, %dma_start3A_37] : memref<10240x128xf32, #tpu.memory_space<vmem_shared>> -> memref<640x128xf32, #tpu.memory_space<vmem_shared>>
        tpu.enqueue_dma source(%dma_start3A_38 : memref<640x128xf32, #tpu.memory_space<vmem_shared>>) target(%dma_start3A_36 : memref<640x128xf32, #tpu.memory_space<hbm>>) target_semaphore(%run_scoped3A : memref<!tpu.dma_semaphore, #tpu.memory_space<semaphore_mem>>)
        %dma_wait3A = arith.constant 0 : i32
        %dma_wait3A_39 = tpu.memref_slice %arg6[%mul3A_35, %dma_wait3A] : memref<10240x128xf32, #tpu.memory_space<hbm>> -> memref<640x128xf32, #tpu.memory_space<hbm>>
        %dma_wait3A_40 = arith.constant 0 : i32
        %dma_wait3A_41 = tpu.memref_slice %arg12[%mul3A_33, %dma_wait3A_40] : memref<10240x128xf32, #tpu.memory_space<vmem_shared>> -> memref<640x128xf32, #tpu.memory_space<vmem_shared>>
        tpu.wait_dma2 semaphore(%run_scoped3A : memref<!tpu.dma_semaphore, #tpu.memory_space<semaphore_mem>>) src(%dma_wait3A_41 : memref<640x128xf32, #tpu.memory_space<vmem_shared>>) dst(%dma_wait3A_39 : memref<640x128xf32, #tpu.memory_space<hbm>>)
        tpu.yield
      }) : () -> ()
    } else {
    }
    %eq3A_27 = arith.constant 1 : i32
    %eq3A_28 = arith.cmpi eq, %arg0, %eq3A_27 : i32
    %convert_element_type3A_29 = arith.extui %eq3A_28 : i1 to i32
    %cond3A_30 = arith.constant 0 : i32
    %cond3A_31 = arith.cmpi ne, %convert_element_type3A_29, %cond3A_30 : i32
    scf.if %cond3A_31 {
      %mul3A_32 = arith.constant 640 : i32
      %mul3A_33 = arith.muli %arg1, %mul3A_32 : i32
      %mul3A_34 = arith.constant 640 : i32
      %mul3A_35 = arith.muli %arg1, %mul3A_34 : i32
      "tpu.region"() ({
        %run_scoped3A = tpu.sem_alloc : memref<!tpu.dma_semaphore, #tpu.memory_space<semaphore_mem>>
        %dma_start3A = arith.constant 0 : i32
        %dma_start3A_36 = tpu.memref_slice %arg7[%mul3A_35, %dma_start3A] : memref<10240x128xf32, #tpu.memory_space<hbm>> -> memref<640x128xf32, #tpu.memory_space<hbm>>
        %dma_start3A_37 = arith.constant 0 : i32
        %dma_start3A_38 = tpu.memref_slice %arg12[%mul3A_33, %dma_start3A_37] : memref<10240x128xf32, #tpu.memory_space<vmem_shared>> -> memref<640x128xf32, #tpu.memory_space<vmem_shared>>
        tpu.enqueue_dma source(%dma_start3A_38 : memref<640x128xf32, #tpu.memory_space<vmem_shared>>) target(%dma_start3A_36 : memref<640x128xf32, #tpu.memory_space<hbm>>) target_semaphore(%run_scoped3A : memref<!tpu.dma_semaphore, #tpu.memory_space<semaphore_mem>>)
        %dma_wait3A = arith.constant 0 : i32
        %dma_wait3A_39 = tpu.memref_slice %arg7[%mul3A_35, %dma_wait3A] : memref<10240x128xf32, #tpu.memory_space<hbm>> -> memref<640x128xf32, #tpu.memory_space<hbm>>
        %dma_wait3A_40 = arith.constant 0 : i32
        %dma_wait3A_41 = tpu.memref_slice %arg12[%mul3A_33, %dma_wait3A_40] : memref<10240x128xf32, #tpu.memory_space<vmem_shared>> -> memref<640x128xf32, #tpu.memory_space<vmem_shared>>
        tpu.wait_dma2 semaphore(%run_scoped3A : memref<!tpu.dma_semaphore, #tpu.memory_space<semaphore_mem>>) src(%dma_wait3A_41 : memref<640x128xf32, #tpu.memory_space<vmem_shared>>) dst(%dma_wait3A_39 : memref<640x128xf32, #tpu.memory_space<hbm>>)
        tpu.yield
      }) : () -> ()
    } else {
    }
    return
  }
}

module attributes {stable_mosaic.version = 14 : i64} {
  func.func @_matmul_bias_body(%arg0: i32, %arg1: memref<4096x16xf32, #tpu.memory_space<vmem>>, %arg2: memref<16x128xf32, #tpu.memory_space<vmem>>, %arg3: memref<1x128xf32, #tpu.memory_space<vmem>>, %arg4: memref<4096x128xf32, #tpu.memory_space<vmem>>) attributes {dimension_semantics = [#tpu.dimension_semantics<arbitrary>], iteration_bounds = array<i64: 80>, scalar_prefetch = 0 : i64, scratch_operands = 0 : i64, tpu.core_type = #tpu.core_type<tc>, window_params = [{transform_indices = @transform_0, window_bounds = array<i64: 4096, 16>}, {pipeline_mode = #tpu.pipeline_mode<synchronous>, transform_indices = @transform_1, window_bounds = array<i64: 16, 128>}, {pipeline_mode = #tpu.pipeline_mode<synchronous>, transform_indices = @transform_2, window_bounds = array<i64: 1, 128>}, {transform_indices = @transform_3, window_bounds = array<i64: 4096, 128>}]} {
    %get3A = arith.constant 0 : index
    %get3A_0 = arith.constant 0 : index
    %get3A_1 = vector.load %arg1[%get3A, %get3A_0] : memref<4096x16xf32, #tpu.memory_space<vmem>>, vector<4096x16xf32>
    %get3A_2 = arith.constant 0 : index
    %get3A_3 = arith.constant 0 : index
    %get3A_4 = vector.load %arg2[%get3A_2, %get3A_3] : memref<16x128xf32, #tpu.memory_space<vmem>>, vector<16x128xf32>
    %convert_element_type3A = arith.truncf %get3A_1 : vector<4096x16xf32> to vector<4096x16xbf16>
    %convert_element_type3A_5 = arith.truncf %get3A_4 : vector<16x128xf32> to vector<16x128xbf16>
    %dot_general3A = arith.constant dense<0.000000e+00> : vector<4096x128xf32>
    %dot_general3A_6 = tpu.matmul %convert_element_type3A, %convert_element_type3A_5, %dot_general3A {dimension_numbers = #tpu.dot_dimension_numbers<[1], [0], [0], [1], [0, 0, 1, 1], [], []>, transpose_lhs_hint = false} : vector<4096x16xbf16>, vector<16x128xbf16>, vector<4096x128xf32> -> vector<4096x128xf32>
    %get3A_7 = arith.constant 0 : index
    %get3A_8 = arith.constant 0 : index
    %get3A_9 = vector.load %arg3[%get3A_7, %get3A_8] : memref<1x128xf32, #tpu.memory_space<vmem>>, vector<1x128xf32>
    %add3A = vector.broadcast %get3A_9 : vector<1x128xf32> to vector<4096x128xf32>
    %add3A_10 = arith.addf %dot_general3A_6, %add3A : vector<4096x128xf32>
    %swap3A = arith.constant 0 : index
    %swap3A_11 = arith.constant 0 : index
    %swap3A_12 = vector.load %arg4[%swap3A, %swap3A_11] : memref<4096x128xf32, #tpu.memory_space<vmem>>, vector<4096x128xf32>
    tpu.vector_store %arg4[%swap3A, %swap3A_11], %add3A_10 {strides = array<i32>} : memref<4096x128xf32, #tpu.memory_space<vmem>>, vector<4096x128xf32>,
    return
  }
  func.func @transform_0(%arg0: i32) -> (i32, i32) {
    %c0_i32 = arith.constant 0 : i32
    %c0_i32_0 = arith.constant 0 : i32
    return %arg0, %c0_i32 : i32, i32
  }
  func.func @transform_1(%arg0: i32) -> (i32, i32) {
    %c0_i32 = arith.constant 0 : i32
    %c0_i32_0 = arith.constant 0 : i32
    %c0_i32_1 = arith.constant 0 : i32
    return %c0_i32, %c0_i32_0 : i32, i32
  }
  func.func @transform_2(%arg0: i32) -> (i32, i32) {
    %c0_i32 = arith.constant 0 : i32
    %c0_i32_0 = arith.constant 0 : i32
    %c0_i32_1 = arith.constant 0 : i32
    return %c0_i32, %c0_i32_0 : i32, i32
  }
  func.func @transform_3(%arg0: i32) -> (i32, i32) {
    %c0_i32 = arith.constant 0 : i32
    %c0_i32_0 = arith.constant 0 : i32
    return %arg0, %c0_i32 : i32, i32
  }
}

module attributes {stable_mosaic.version = 14 : i64} {
  func.func @_matmul_bias_body(%arg0: i32, %arg1: memref<1000x128xf32, #tpu.memory_space<vmem>>, %arg2: memref<128x128xf32, #tpu.memory_space<vmem>>, %arg3: memref<1x128xf32, #tpu.memory_space<vmem>>, %arg4: memref<1000x128xf32, #tpu.memory_space<vmem>>) attributes {dimension_semantics = [#tpu.dimension_semantics<arbitrary>], iteration_bounds = array<i64: 10>, scalar_prefetch = 0 : i64, scratch_operands = 0 : i64, tpu.core_type = #tpu.core_type<tc>, window_params = [{transform_indices = @transform_0, window_bounds = array<i64: 1000, 128>}, {pipeline_mode = #tpu.pipeline_mode<synchronous>, transform_indices = @transform_1, window_bounds = array<i64: 128, 128>}, {pipeline_mode = #tpu.pipeline_mode<synchronous>, transform_indices = @transform_2, window_bounds = array<i64: 1, 128>}, {transform_indices = @transform_3, window_bounds = array<i64: 1000, 128>}]} {
    %get3A = arith.constant 0 : index
    %get3A_0 = arith.constant 0 : index
    %get3A_1 = vector.load %arg1[%get3A, %get3A_0] : memref<1000x128xf32, #tpu.memory_space<vmem>>, vector<1000x128xf32>
    %get3A_2 = arith.constant 0 : index
    %get3A_3 = arith.constant 0 : index
    %get3A_4 = vector.load %arg2[%get3A_2, %get3A_3] : memref<128x128xf32, #tpu.memory_space<vmem>>, vector<128x128xf32>
    %convert_element_type3A = arith.truncf %get3A_1 : vector<1000x128xf32> to vector<1000x128xbf16>
    %convert_element_type3A_5 = arith.truncf %get3A_4 : vector<128x128xf32> to vector<128x128xbf16>
    %dot_general3A = arith.constant dense<0.000000e+00> : vector<1000x128xf32>
    %dot_general3A_6 = tpu.matmul %convert_element_type3A, %convert_element_type3A_5, %dot_general3A {dimension_numbers = #tpu.dot_dimension_numbers<[1], [0], [0], [1], [0, 0, 1, 1], [], []>, transpose_lhs_hint = false} : vector<1000x128xbf16>, vector<128x128xbf16>, vector<1000x128xf32> -> vector<1000x128xf32>
    %get3A_7 = arith.constant 0 : index
    %get3A_8 = arith.constant 0 : index
    %get3A_9 = vector.load %arg3[%get3A_7, %get3A_8] : memref<1x128xf32, #tpu.memory_space<vmem>>, vector<1x128xf32>
    %add3A = vector.broadcast %get3A_9 : vector<1x128xf32> to vector<1000x128xf32>
    %add3A_10 = arith.addf %dot_general3A_6, %add3A : vector<1000x128xf32>
    %swap3A = arith.constant 0 : index
    %swap3A_11 = arith.constant 0 : index
    %swap3A_12 = vector.load %arg4[%swap3A, %swap3A_11] : memref<1000x128xf32, #tpu.memory_space<vmem>>, vector<1000x128xf32>
    tpu.vector_store %arg4[%swap3A, %swap3A_11], %add3A_10 {strides = array<i32>} : memref<1000x128xf32, #tpu.memory_space<vmem>>, vector<1000x128xf32>,
    return
  }
  func.func @transform_0(%arg0: i32) -> (i32, i32) {
    %c0_i32 = arith.constant 0 : i32
    %c0_i32_0 = arith.constant 0 : i32
    return %arg0, %c0_i32 : i32, i32
  }
  func.func @transform_1(%arg0: i32) -> (i32, i32) {
    %c0_i32 = arith.constant 0 : i32
    %c0_i32_0 = arith.constant 0 : i32
    %c0_i32_1 = arith.constant 0 : i32
    return %c0_i32, %c0_i32_0 : i32, i32
  }
  func.func @transform_2(%arg0: i32) -> (i32, i32) {
    %c0_i32 = arith.constant 0 : i32
    %c0_i32_0 = arith.constant 0 : i32
    %c0_i32_1 = arith.constant 0 : i32
    return %c0_i32, %c0_i32_0 : i32, i32
  }
  func.func @transform_3(%arg0: i32) -> (i32, i32) {
    %c0_i32 = arith.constant 0 : i32
    %c0_i32_0 = arith.constant 0 : i32
    return %arg0, %c0_i32 : i32, i32
  }
}

module attributes {stable_mosaic.version = 14 : i64} {
  func.func @_mlp_body(%arg0: i32, %arg1: memref<1000x128xf32, #tpu.memory_space<vmem>>, %arg2: memref<1000x128xf32, #tpu.memory_space<vmem>>, %arg3: memref<1000x128xf32, #tpu.memory_space<vmem>>, %arg4: memref<128x256xf32, #tpu.memory_space<vmem>>, %arg5: memref<1x256xf32, #tpu.memory_space<vmem>>, %arg6: memref<256x128xf32, #tpu.memory_space<vmem>>, %arg7: memref<1x128xf32, #tpu.memory_space<vmem>>, %arg8: memref<1x1xf32, #tpu.memory_space<vmem>>, %arg9: memref<1000x128xf32, #tpu.memory_space<vmem>>, %arg10: memref<1x1x128xf32, #tpu.memory_space<vmem>>) attributes {dimension_semantics = [#tpu.dimension_semantics<arbitrary>], iteration_bounds = array<i64: 10>, scalar_prefetch = 0 : i64, scratch_operands = 0 : i64, tpu.core_type = #tpu.core_type<tc>, window_params = [{transform_indices = @transform_0, window_bounds = array<i64: 1000, 128>}, {transform_indices = @transform_1, window_bounds = array<i64: 1000, 128>}, {transform_indices = @transform_2, window_bounds = array<i64: 1000, 128>}, {pipeline_mode = #tpu.pipeline_mode<synchronous>, transform_indices = @transform_3, window_bounds = array<i64: 128, 256>}, {pipeline_mode = #tpu.pipeline_mode<synchronous>, transform_indices = @transform_4, window_bounds = array<i64: 1, 256>}, {pipeline_mode = #tpu.pipeline_mode<synchronous>, transform_indices = @transform_5, window_bounds = array<i64: 256, 128>}, {pipeline_mode = #tpu.pipeline_mode<synchronous>, transform_indices = @transform_6, window_bounds = array<i64: 1, 128>}, {pipeline_mode = #tpu.pipeline_mode<synchronous>, transform_indices = @transform_7, window_bounds = array<i64: 1, 1>}, {transform_indices = @transform_8, window_bounds = array<i64: 1000, 128>}, {transform_indices = @transform_9, window_bounds = array<i64: 1, 1, 128>}]} {
    %get3A = arith.constant 0 : index
    %get3A_0 = arith.constant 0 : index
    %get3A_1 = vector.load %arg8[%get3A, %get3A_0] : memref<1x1xf32, #tpu.memory_space<vmem>>, vector<1x1xf32>
    %get3A_2 = vector.extract %get3A_1[0, 0] : f32 from vector<1x1xf32>
    %add3A = arith.constant 1.000000e+00 : f32
    %add3A_3 = arith.addf %add3A, %get3A_2 : f32
    %get3A_4 = arith.constant 0 : index
    %get3A_5 = arith.constant 0 : index
    %get3A_6 = vector.load %arg1[%get3A_4, %get3A_5] : memref<1000x128xf32, #tpu.memory_space<vmem>>, vector<1000x128xf32>
    %mul3A = vector.broadcast %add3A_3 : f32 to vector<1000x128xf32>
    %mul3A_7 = arith.mulf %mul3A, %get3A_6 : vector<1000x128xf32>
    %get3A_8 = arith.constant 0 : index
    %get3A_9 = arith.constant 0 : index
    %get3A_10 = vector.load %arg2[%get3A_8, %get3A_9] : memref<1000x128xf32, #tpu.memory_space<vmem>>, vector<1000x128xf32>
    %add3A_11 = arith.addf %mul3A_7, %get3A_10 : vector<1000x128xf32>
    %get3A_12 = arith.constant 0 : index
    %get3A_13 = arith.constant 0 : index
    %get3A_14 = vector.load %arg3[%get3A_12, %get3A_13] : memref<1000x128xf32, #tpu.memory_space<vmem>>, vector<1000x128xf32>
    %add3A_15 = arith.addf %add3A_11, %get3A_14 : vector<1000x128xf32>
    %get3A_16 = arith.constant 0 : index
    %get3A_17 = arith.constant 0 : index
    %get3A_18 = vector.load %arg4[%get3A_16, %get3A_17] : memref<128x256xf32, #tpu.memory_space<vmem>>, vector<128x256xf32>
    %convert_element_type3A = arith.truncf %add3A_15 : vector<1000x128xf32> to vector<1000x128xbf16>
    %convert_element_type3A_19 = arith.truncf %get3A_18 : vector<128x256xf32> to vector<128x256xbf16>
    %dot_general3A = arith.constant dense<0.000000e+00> : vector<1000x256xf32>
    %dot_general3A_20 = tpu.matmul %convert_element_type3A, %convert_element_type3A_19, %dot_general3A {dimension_numbers = #tpu.dot_dimension_numbers<[1], [0], [0], [1], [0, 0, 1, 1], [], []>, transpose_lhs_hint = false} : vector<1000x128xbf16>, vector<128x256xbf16>, vector<1000x256xf32> -> vector<1000x256xf32>
    %get3A_21 = arith.constant 0 : index
    %get3A_22 = arith.constant 0 : index
    %get3A_23 = vector.load %arg5[%get3A_21, %get3A_22] : memref<1x256xf32, #tpu.memory_space<vmem>>, vector<1x256xf32>
    %add3A_24 = vector.broadcast %get3A_23 : vector<1x256xf32> to vector<1000x256xf32>
    %add3A_25 = arith.addf %dot_general3A_20, %add3A_24 : vector<1000x256xf32>
    %max3A = arith.constant 0.000000e+00 : f32
    %max3A_26 = vector.broadcast %max3A : f32 to vector<1000x256xf32>
    %max3A_27 = arith.maximumf %add3A_25, %max3A_26 : vector<1000x256xf32>
    %get3A_28 = arith.constant 0 : index
    %get3A_29 = arith.constant 0 : index
    %get3A_30 = vector.load %arg6[%get3A_28, %get3A_29] : memref<256x128xf32, #tpu.memory_space<vmem>>, vector<256x128xf32>
    %convert_element_type3A_31 = arith.truncf %max3A_27 : vector<1000x256xf32> to vector<1000x256xbf16>
    %convert_element_type3A_32 = arith.truncf %get3A_30 : vector<256x128xf32> to vector<256x128xbf16>
    %dot_general3A_33 = arith.constant dense<0.000000e+00> : vector<1000x128xf32>
    %dot_general3A_34 = tpu.matmul %convert_element_type3A_31, %convert_element_type3A_32, %dot_general3A_33 {dimension_numbers = #tpu.dot_dimension_numbers<[1], [0], [0], [1], [0, 0, 1, 1], [], []>, transpose_lhs_hint = false} : vector<1000x256xbf16>, vector<256x128xbf16>, vector<1000x128xf32> -> vector<1000x128xf32>
    %get3A_35 = arith.constant 0 : index
    %get3A_36 = arith.constant 0 : index
    %get3A_37 = vector.load %arg7[%get3A_35, %get3A_36] : memref<1x128xf32, #tpu.memory_space<vmem>>, vector<1x128xf32>
    %add3A_38 = vector.broadcast %get3A_37 : vector<1x128xf32> to vector<1000x128xf32>
    %add3A_39 = arith.addf %dot_general3A_34, %add3A_38 : vector<1000x128xf32>
    %swap3A = arith.constant 0 : index
    %swap3A_40 = arith.constant 0 : index
    %swap3A_41 = vector.load %arg9[%swap3A, %swap3A_40] : memref<1000x128xf32, #tpu.memory_space<vmem>>, vector<1000x128xf32>
    tpu.vector_store %arg9[%swap3A, %swap3A_40], %add3A_39 {strides = array<i32>} : memref<1000x128xf32, #tpu.memory_space<vmem>>, vector<1000x128xf32>,
    %reduce_sum3A = arith.constant dense<0.000000e+00> : vector<128xf32>
    %reduce_sum3A_42 = vector.multi_reduction <add>, %add3A_39, %reduce_sum3A [0] : vector<1000x128xf32> to vector<128xf32>
    %reshape3A = vector.shape_cast %reduce_sum3A_42 : vector<128xf32> to vector<1x1x128xf32>
    %swap3A_43 = arith.constant 0 : index
    %swap3A_44 = arith.constant 0 : index
    %swap3A_45 = arith.constant 0 : index
    %swap3A_46 = vector.load %arg10[%swap3A_43, %swap3A_44, %swap3A_45] : memref<1x1x128xf32, #tpu.memory_space<vmem>>, vector<1x1x128xf32>
    tpu.vector_store %arg10[%swap3A_43, %swap3A_44, %swap3A_45], %reshape3A {strides = array<i32>} : memref<1x1x128xf32, #tpu.memory_space<vmem>>, vector<1x1x128xf32>,
    return
  }
  func.func @transform_0(%arg0: i32) -> (i32, i32) {
    %c0_i32 = arith.constant 0 : i32
    %c0_i32_0 = arith.constant 0 : i32
    return %arg0, %c0_i32 : i32, i32
  }
  func.func @transform_1(%arg0: i32) -> (i32, i32) {
    %c0_i32 = arith.constant 0 : i32
    %c0_i32_0 = arith.constant 0 : i32
    return %arg0, %c0_i32 : i32, i32
  }
  func.func @transform_2(%arg0: i32) -> (i32, i32) {
    %c0_i32 = arith.constant 0 : i32
    %c0_i32_0 = arith.constant 0 : i32
    return %arg0, %c0_i32 : i32, i32
  }
  func.func @transform_3(%arg0: i32) -> (i32, i32) {
    %c0_i32 = arith.constant 0 : i32
    %c0_i32_0 = arith.constant 0 : i32
    %c0_i32_1 = arith.constant 0 : i32
    return %c0_i32, %c0_i32_0 : i32, i32
  }
  func.func @transform_4(%arg0: i32) -> (i32, i32) {
    %c0_i32 = arith.constant 0 : i32
    %c0_i32_0 = arith.constant 0 : i32
    %c0_i32_1 = arith.constant 0 : i32
    return %c0_i32, %c0_i32_0 : i32, i32
  }
  func.func @transform_5(%arg0: i32) -> (i32, i32) {
    %c0_i32 = arith.constant 0 : i32
    %c0_i32_0 = arith.constant 0 : i32
    %c0_i32_1 = arith.constant 0 : i32
    return %c0_i32, %c0_i32_0 : i32, i32
  }
  func.func @transform_6(%arg0: i32) -> (i32, i32) {
    %c0_i32 = arith.constant 0 : i32
    %c0_i32_0 = arith.constant 0 : i32
    %c0_i32_1 = arith.constant 0 : i32
    return %c0_i32, %c0_i32_0 : i32, i32
  }
  func.func @transform_7(%arg0: i32) -> (i32, i32) {
    %c0_i32 = arith.constant 0 : i32
    %c0_i32_0 = arith.constant 0 : i32
    %c0_i32_1 = arith.constant 0 : i32
    return %c0_i32, %c0_i32_0 : i32, i32
  }
  func.func @transform_8(%arg0: i32) -> (i32, i32) {
    %c0_i32 = arith.constant 0 : i32
    %c0_i32_0 = arith.constant 0 : i32
    return %arg0, %c0_i32 : i32, i32
  }
  func.func @transform_9(%arg0: i32) -> (i32, i32, i32) {
    %c0_i32 = arith.constant 0 : i32
    %c0_i32_0 = arith.constant 0 : i32
    %c0_i32_1 = arith.constant 0 : i32
    return %arg0, %c0_i32, %c0_i32_0 : i32, i32, i32
  }
}

module attributes {stable_mosaic.version = 14 : i64} {
  func.func @_bn_body(%arg0: i32, %arg1: memref<1000x128xf32, #tpu.memory_space<vmem>>, %arg2: memref<10x1x128xf32, #tpu.memory_space<vmem>>, %arg3: memref<10x1x128xf32, #tpu.memory_space<vmem>>, %arg4: memref<1x128xf32, #tpu.memory_space<vmem>>, %arg5: memref<1x128xf32, #tpu.memory_space<vmem>>, %arg6: memref<1000x128xf32, #tpu.memory_space<vmem>>) attributes {dimension_semantics = [#tpu.dimension_semantics<arbitrary>], iteration_bounds = array<i64: 10>, scalar_prefetch = 0 : i64, scratch_operands = 0 : i64, tpu.core_type = #tpu.core_type<tc>, window_params = [{transform_indices = @transform_0, window_bounds = array<i64: 1000, 128>}, {pipeline_mode = #tpu.pipeline_mode<synchronous>, transform_indices = @transform_1, window_bounds = array<i64: 10, 1, 128>}, {pipeline_mode = #tpu.pipeline_mode<synchronous>, transform_indices = @transform_2, window_bounds = array<i64: 10, 1, 128>}, {pipeline_mode = #tpu.pipeline_mode<synchronous>, transform_indices = @transform_3, window_bounds = array<i64: 1, 128>}, {pipeline_mode = #tpu.pipeline_mode<synchronous>, transform_indices = @transform_4, window_bounds = array<i64: 1, 128>}, {transform_indices = @transform_5, window_bounds = array<i64: 1000, 128>}]} {
    %get3A = arith.constant 0 : index
    %get3A_0 = arith.constant 0 : index
    %get3A_1 = arith.constant 0 : index
    %get3A_2 = vector.load %arg2[%get3A, %get3A_0, %get3A_1] : memref<10x1x128xf32, #tpu.memory_space<vmem>>, vector<10x1x128xf32>
    %reduce_sum3A = arith.constant dense<0.000000e+00> : vector<1x128xf32>
    %reduce_sum3A_3 = vector.multi_reduction <add>, %get3A_2, %reduce_sum3A [0] : vector<10x1x128xf32> to vector<1x128xf32>
    %mul3A = arith.constant 9.99999974E-5 : f32
    %mul3A_4 = vector.broadcast %mul3A : f32 to vector<1x128xf32>
    %mul3A_5 = arith.mulf %reduce_sum3A_3, %mul3A_4 : vector<1x128xf32>
    %get3A_6 = arith.constant 0 : index
    %get3A_7 = arith.constant 0 : index
    %get3A_8 = arith.constant 0 : index
    %get3A_9 = vector.load %arg3[%get3A_6, %get3A_7, %get3A_8] : memref<10x1x128xf32, #tpu.memory_space<vmem>>, vector<10x1x128xf32>
    %reduce_sum3A_10 = arith.constant dense<0.000000e+00> : vector<1x128xf32>
    %reduce_sum3A_11 = vector.multi_reduction <add>, %get3A_9, %reduce_sum3A_10 [0] : vector<10x1x128xf32> to vector<1x128xf32>
    %mul3A_12 = arith.constant 9.99999974E-5 : f32
    %mul3A_13 = vector.broadcast %mul3A_12 : f32 to vector<1x128xf32>
    %mul3A_14 = arith.mulf %reduce_sum3A_11, %mul3A_13 : vector<1x128xf32>
    %add3A = arith.constant 9.99999974E-6 : f32
    %add3A_15 = vector.broadcast %add3A : f32 to vector<1x128xf32>
    %add3A_16 = arith.addf %mul3A_14, %add3A_15 : vector<1x128xf32>
    %sqrt3A = math.sqrt %add3A_16 : vector<1x128xf32>
    %get3A_17 = arith.constant 0 : index
    %get3A_18 = arith.constant 0 : index
    %get3A_19 = vector.load %arg1[%get3A_17, %get3A_18] : memref<1000x128xf32, #tpu.memory_space<vmem>>, vector<1000x128xf32>
    %sub3A = vector.broadcast %mul3A_5 : vector<1x128xf32> to vector<1000x128xf32>
    %sub3A_20 = arith.subf %get3A_19, %sub3A : vector<1000x128xf32>
    %div3A = vector.broadcast %sqrt3A : vector<1x128xf32> to vector<1000x128xf32>
    %div3A_21 = arith.divf %sub3A_20, %div3A : vector<1000x128xf32>
    %get3A_22 = arith.constant 0 : index
    %get3A_23 = arith.constant 0 : index
    %get3A_24 = vector.load %arg4[%get3A_22, %get3A_23] : memref<1x128xf32, #tpu.memory_space<vmem>>, vector<1x128xf32>
    %mul3A_25 = vector.broadcast %get3A_24 : vector<1x128xf32> to vector<1000x128xf32>
    %mul3A_26 = arith.mulf %div3A_21, %mul3A_25 : vector<1000x128xf32>
    %get3A_27 = arith.constant 0 : index
    %get3A_28 = arith.constant 0 : index
    %get3A_29 = vector.load %arg5[%get3A_27, %get3A_28] : memref<1x128xf32, #tpu.memory_space<vmem>>, vector<1x128xf32>
    %add3A_30 = vector.broadcast %get3A_29 : vector<1x128xf32> to vector<1000x128xf32>
    %add3A_31 = arith.addf %mul3A_26, %add3A_30 : vector<1000x128xf32>
    %max3A = arith.constant 0.000000e+00 : f32
    %max3A_32 = vector.broadcast %max3A : f32 to vector<1000x128xf32>
    %max3A_33 = arith.maximumf %add3A_31, %max3A_32 : vector<1000x128xf32>
    %swap3A = arith.constant 0 : index
    %swap3A_34 = arith.constant 0 : index
    %swap3A_35 = vector.load %arg6[%swap3A, %swap3A_34] : memref<1000x128xf32, #tpu.memory_space<vmem>>, vector<1000x128xf32>
    tpu.vector_store %arg6[%swap3A, %swap3A_34], %max3A_33 {strides = array<i32>} : memref<1000x128xf32, #tpu.memory_space<vmem>>, vector<1000x128xf32>,
    return
  }
  func.func @transform_0(%arg0: i32) -> (i32, i32) {
    %c0_i32 = arith.constant 0 : i32
    %c0_i32_0 = arith.constant 0 : i32
    return %arg0, %c0_i32 : i32, i32
  }
  func.func @transform_1(%arg0: i32) -> (i32, i32, i32) {
    %c0_i32 = arith.constant 0 : i32
    %c0_i32_0 = arith.constant 0 : i32
    %c0_i32_1 = arith.constant 0 : i32
    %c0_i32_2 = arith.constant 0 : i32
    return %c0_i32, %c0_i32_0, %c0_i32_1 : i32, i32, i32
  }
  func.func @transform_2(%arg0: i32) -> (i32, i32, i32) {
    %c0_i32 = arith.constant 0 : i32
    %c0_i32_0 = arith.constant 0 : i32
    %c0_i32_1 = arith.constant 0 : i32
    %c0_i32_2 = arith.constant 0 : i32
    return %c0_i32, %c0_i32_0, %c0_i32_1 : i32, i32, i32
  }
  func.func @transform_3(%arg0: i32) -> (i32, i32) {
    %c0_i32 = arith.constant 0 : i32
    %c0_i32_0 = arith.constant 0 : i32
    %c0_i32_1 = arith.constant 0 : i32
    return %c0_i32, %c0_i32_0 : i32, i32
  }
  func.func @transform_4(%arg0: i32) -> (i32, i32) {
    %c0_i32 = arith.constant 0 : i32
    %c0_i32_0 = arith.constant 0 : i32
    %c0_i32_1 = arith.constant 0 : i32
    return %c0_i32, %c0_i32_0 : i32, i32
  }
  func.func @transform_5(%arg0: i32) -> (i32, i32) {
    %c0_i32 = arith.constant 0 : i32
    %c0_i32_0 = arith.constant 0 : i32
    return %arg0, %c0_i32 : i32, i32
  }
}

module attributes {stable_mosaic.version = 14 : i64} {
  func.func @_bn_stats_body(%arg0: i32, %arg1: memref<1000x128xf32, #tpu.memory_space<vmem>>, %arg2: memref<10x1x128xf32, #tpu.memory_space<vmem>>, %arg3: memref<1x1x128xf32, #tpu.memory_space<vmem>>) attributes {dimension_semantics = [#tpu.dimension_semantics<arbitrary>], iteration_bounds = array<i64: 10>, scalar_prefetch = 0 : i64, scratch_operands = 0 : i64, tpu.core_type = #tpu.core_type<tc>, window_params = [{transform_indices = @transform_0, window_bounds = array<i64: 1000, 128>}, {pipeline_mode = #tpu.pipeline_mode<synchronous>, transform_indices = @transform_1, window_bounds = array<i64: 10, 1, 128>}, {transform_indices = @transform_2, window_bounds = array<i64: 1, 1, 128>}]} {
    %get3A = arith.constant 0 : index
    %get3A_0 = arith.constant 0 : index
    %get3A_1 = arith.constant 0 : index
    %get3A_2 = vector.load %arg2[%get3A, %get3A_0, %get3A_1] : memref<10x1x128xf32, #tpu.memory_space<vmem>>, vector<10x1x128xf32>
    %reduce_sum3A = arith.constant dense<0.000000e+00> : vector<1x128xf32>
    %reduce_sum3A_3 = vector.multi_reduction <add>, %get3A_2, %reduce_sum3A [0] : vector<10x1x128xf32> to vector<1x128xf32>
    %mul3A = arith.constant 9.99999974E-5 : f32
    %mul3A_4 = vector.broadcast %mul3A : f32 to vector<1x128xf32>
    %mul3A_5 = arith.mulf %reduce_sum3A_3, %mul3A_4 : vector<1x128xf32>
    %get3A_6 = arith.constant 0 : index
    %get3A_7 = arith.constant 0 : index
    %get3A_8 = vector.load %arg1[%get3A_6, %get3A_7] : memref<1000x128xf32, #tpu.memory_space<vmem>>, vector<1000x128xf32>
    %sub3A = vector.broadcast %mul3A_5 : vector<1x128xf32> to vector<1000x128xf32>
    %sub3A_9 = arith.subf %get3A_8, %sub3A : vector<1000x128xf32>
    %mul3A_10 = arith.mulf %sub3A_9, %sub3A_9 : vector<1000x128xf32>
    %reduce_sum3A_11 = arith.constant dense<0.000000e+00> : vector<128xf32>
    %reduce_sum3A_12 = vector.multi_reduction <add>, %mul3A_10, %reduce_sum3A_11 [0] : vector<1000x128xf32> to vector<128xf32>
    %reshape3A = vector.shape_cast %reduce_sum3A_12 : vector<128xf32> to vector<1x1x128xf32>
    %swap3A = arith.constant 0 : index
    %swap3A_13 = arith.constant 0 : index
    %swap3A_14 = arith.constant 0 : index
    %swap3A_15 = vector.load %arg3[%swap3A, %swap3A_13, %swap3A_14] : memref<1x1x128xf32, #tpu.memory_space<vmem>>, vector<1x1x128xf32>
    tpu.vector_store %arg3[%swap3A, %swap3A_13, %swap3A_14], %reshape3A {strides = array<i32>} : memref<1x1x128xf32, #tpu.memory_space<vmem>>, vector<1x1x128xf32>,
    return
  }
  func.func @transform_0(%arg0: i32) -> (i32, i32) {
    %c0_i32 = arith.constant 0 : i32
    %c0_i32_0 = arith.constant 0 : i32
    return %arg0, %c0_i32 : i32, i32
  }
  func.func @transform_1(%arg0: i32) -> (i32, i32, i32) {
    %c0_i32 = arith.constant 0 : i32
    %c0_i32_0 = arith.constant 0 : i32
    %c0_i32_1 = arith.constant 0 : i32
    %c0_i32_2 = arith.constant 0 : i32
    return %c0_i32, %c0_i32_0, %c0_i32_1 : i32, i32, i32
  }
  func.func @transform_2(%arg0: i32) -> (i32, i32, i32) {
    %c0_i32 = arith.constant 0 : i32
    %c0_i32_0 = arith.constant 0 : i32
    %c0_i32_1 = arith.constant 0 : i32
    return %arg0, %c0_i32, %c0_i32_0 : i32, i32, i32
  }
}

module attributes {stable_mosaic.version = 14 : i64} {
  func.func @_bn_body(%arg0: i32, %arg1: memref<1000x128xf32, #tpu.memory_space<vmem>>, %arg2: memref<10x1x128xf32, #tpu.memory_space<vmem>>, %arg3: memref<10x1x128xf32, #tpu.memory_space<vmem>>, %arg4: memref<1x128xf32, #tpu.memory_space<vmem>>, %arg5: memref<1x128xf32, #tpu.memory_space<vmem>>, %arg6: memref<1000x128xf32, #tpu.memory_space<vmem>>) attributes {dimension_semantics = [#tpu.dimension_semantics<arbitrary>], iteration_bounds = array<i64: 10>, scalar_prefetch = 0 : i64, scratch_operands = 0 : i64, tpu.core_type = #tpu.core_type<tc>, window_params = [{transform_indices = @transform_0, window_bounds = array<i64: 1000, 128>}, {pipeline_mode = #tpu.pipeline_mode<synchronous>, transform_indices = @transform_1, window_bounds = array<i64: 10, 1, 128>}, {pipeline_mode = #tpu.pipeline_mode<synchronous>, transform_indices = @transform_2, window_bounds = array<i64: 10, 1, 128>}, {pipeline_mode = #tpu.pipeline_mode<synchronous>, transform_indices = @transform_3, window_bounds = array<i64: 1, 128>}, {pipeline_mode = #tpu.pipeline_mode<synchronous>, transform_indices = @transform_4, window_bounds = array<i64: 1, 128>}, {transform_indices = @transform_5, window_bounds = array<i64: 1000, 128>}]} {
    %get3A = arith.constant 0 : index
    %get3A_0 = arith.constant 0 : index
    %get3A_1 = arith.constant 0 : index
    %get3A_2 = vector.load %arg2[%get3A, %get3A_0, %get3A_1] : memref<10x1x128xf32, #tpu.memory_space<vmem>>, vector<10x1x128xf32>
    %reduce_sum3A = arith.constant dense<0.000000e+00> : vector<1x128xf32>
    %reduce_sum3A_3 = vector.multi_reduction <add>, %get3A_2, %reduce_sum3A [0] : vector<10x1x128xf32> to vector<1x128xf32>
    %mul3A = arith.constant 9.99999974E-5 : f32
    %mul3A_4 = vector.broadcast %mul3A : f32 to vector<1x128xf32>
    %mul3A_5 = arith.mulf %reduce_sum3A_3, %mul3A_4 : vector<1x128xf32>
    %get3A_6 = arith.constant 0 : index
    %get3A_7 = arith.constant 0 : index
    %get3A_8 = arith.constant 0 : index
    %get3A_9 = vector.load %arg3[%get3A_6, %get3A_7, %get3A_8] : memref<10x1x128xf32, #tpu.memory_space<vmem>>, vector<10x1x128xf32>
    %reduce_sum3A_10 = arith.constant dense<0.000000e+00> : vector<1x128xf32>
    %reduce_sum3A_11 = vector.multi_reduction <add>, %get3A_9, %reduce_sum3A_10 [0] : vector<10x1x128xf32> to vector<1x128xf32>
    %mul3A_12 = arith.constant 9.99999974E-5 : f32
    %mul3A_13 = vector.broadcast %mul3A_12 : f32 to vector<1x128xf32>
    %mul3A_14 = arith.mulf %reduce_sum3A_11, %mul3A_13 : vector<1x128xf32>
    %add3A = arith.constant 9.99999974E-6 : f32
    %add3A_15 = vector.broadcast %add3A : f32 to vector<1x128xf32>
    %add3A_16 = arith.addf %mul3A_14, %add3A_15 : vector<1x128xf32>
    %sqrt3A = math.sqrt %add3A_16 : vector<1x128xf32>
    %get3A_17 = arith.constant 0 : index
    %get3A_18 = arith.constant 0 : index
    %get3A_19 = vector.load %arg1[%get3A_17, %get3A_18] : memref<1000x128xf32, #tpu.memory_space<vmem>>, vector<1000x128xf32>
    %sub3A = vector.broadcast %mul3A_5 : vector<1x128xf32> to vector<1000x128xf32>
    %sub3A_20 = arith.subf %get3A_19, %sub3A : vector<1000x128xf32>
    %div3A = vector.broadcast %sqrt3A : vector<1x128xf32> to vector<1000x128xf32>
    %div3A_21 = arith.divf %sub3A_20, %div3A : vector<1000x128xf32>
    %get3A_22 = arith.constant 0 : index
    %get3A_23 = arith.constant 0 : index
    %get3A_24 = vector.load %arg4[%get3A_22, %get3A_23] : memref<1x128xf32, #tpu.memory_space<vmem>>, vector<1x128xf32>
    %mul3A_25 = vector.broadcast %get3A_24 : vector<1x128xf32> to vector<1000x128xf32>
    %mul3A_26 = arith.mulf %div3A_21, %mul3A_25 : vector<1000x128xf32>
    %get3A_27 = arith.constant 0 : index
    %get3A_28 = arith.constant 0 : index
    %get3A_29 = vector.load %arg5[%get3A_27, %get3A_28] : memref<1x128xf32, #tpu.memory_space<vmem>>, vector<1x128xf32>
    %add3A_30 = vector.broadcast %get3A_29 : vector<1x128xf32> to vector<1000x128xf32>
    %add3A_31 = arith.addf %mul3A_26, %add3A_30 : vector<1000x128xf32>
    %max3A = arith.constant 0.000000e+00 : f32
    %max3A_32 = vector.broadcast %max3A : f32 to vector<1000x128xf32>
    %max3A_33 = arith.maximumf %add3A_31, %max3A_32 : vector<1000x128xf32>
    %swap3A = arith.constant 0 : index
    %swap3A_34 = arith.constant 0 : index
    %swap3A_35 = vector.load %arg6[%swap3A, %swap3A_34] : memref<1000x128xf32, #tpu.memory_space<vmem>>, vector<1000x128xf32>
    tpu.vector_store %arg6[%swap3A, %swap3A_34], %max3A_33 {strides = array<i32>} : memref<1000x128xf32, #tpu.memory_space<vmem>>, vector<1000x128xf32>,
    return
  }
  func.func @transform_0(%arg0: i32) -> (i32, i32) {
    %c0_i32 = arith.constant 0 : i32
    %c0_i32_0 = arith.constant 0 : i32
    return %arg0, %c0_i32 : i32, i32
  }
  func.func @transform_1(%arg0: i32) -> (i32, i32, i32) {
    %c0_i32 = arith.constant 0 : i32
    %c0_i32_0 = arith.constant 0 : i32
    %c0_i32_1 = arith.constant 0 : i32
    %c0_i32_2 = arith.constant 0 : i32
    return %c0_i32, %c0_i32_0, %c0_i32_1 : i32, i32, i32
  }
  func.func @transform_2(%arg0: i32) -> (i32, i32, i32) {
    %c0_i32 = arith.constant 0 : i32
    %c0_i32_0 = arith.constant 0 : i32
    %c0_i32_1 = arith.constant 0 : i32
    %c0_i32_2 = arith.constant 0 : i32
    return %c0_i32, %c0_i32_0, %c0_i32_1 : i32, i32, i32
  }
  func.func @transform_3(%arg0: i32) -> (i32, i32) {
    %c0_i32 = arith.constant 0 : i32
    %c0_i32_0 = arith.constant 0 : i32
    %c0_i32_1 = arith.constant 0 : i32
    return %c0_i32, %c0_i32_0 : i32, i32
  }
  func.func @transform_4(%arg0: i32) -> (i32, i32) {
    %c0_i32 = arith.constant 0 : i32
    %c0_i32_0 = arith.constant 0 : i32
    %c0_i32_1 = arith.constant 0 : i32
    return %c0_i32, %c0_i32_0 : i32, i32
  }
  func.func @transform_5(%arg0: i32) -> (i32, i32) {
    %c0_i32 = arith.constant 0 : i32
    %c0_i32_0 = arith.constant 0 : i32
    return %arg0, %c0_i32 : i32, i32
  }
}

</mosaic_0001>

<sc_bundles>
// kernel: kernel.18.cloned.1.call-start
scs
__scs_entry_jumppad:
0x0: {  	(pc) =	sbr.rel $0x88, $3  }
0x1: {  	(tag) =	ssettag $0x0;
	lr =	simm.s32 $0x1  }
0x2: {  	[smem:$0x3F93] =	sst lr;
	_ =	strace $0xD0000000  }
0x3: {  	_ = 	snop  }
0x4: {  	_ = 	snop  }
0x5: {  	_ = 	snop  }
0x6: {  	_ = 	snop  }
0x7: {  	_ = 	snop  }
__scs_overlays_trampoline_lowered:
0x8: {  	[smem:$0x3FA2] =	sst s0  }
0x9: {  	[smem:$0x3FA3] =	sst s1  }
0xa: {  	[smem:$0x3FA4] =	sst s2  }
0xb: {  	[smem:$0x3FA5] =	sst s3  }
0xc: {  	[smem:$0x3FA6] =	sst s4  }
0xd: {  	[smem:$0x3FA7] =	sst s5  }
0xe: {  	[smem:$0x3FA8] =	sst s6  }
0xf: {  	[smem:$0x3FA9] =	sst s7  }
0x10: {  	[smem:$0x3FAA] =	sst s8  }
0x11: {  	[smem:$0x3FAB] =	sst s9;
	s0 =	simm.s32 @!p0 $0x0  }
0x12: {  	s1 =	sld [smem:$0x3F91];
	s0 =	simm.s32 @p0 $0x1  }
0x13: {  	[smem:$0x3FAC] =	sst s0;
	s0 =	simm.s32 @!p1 $0x0  }
0x14: {  	s2 =	sld [smem:$0x3F90];
	s0 =	simm.s32 @p1 $0x1  }
0x15: {  	[smem:$0x3FAD] =	sst s0;
	s0 =	simm.s32 @!p2 $0x0  }
0x16: {  	s3 =	sld [smem:$0x3FDB];
	s0 =	simm.s32 @p2 $0x1  }
0x17: {  	s4 =	simm.s32 $0x1BF5;
	[smem:$0x3FAF] =	sst s0  }
0x18: {  	s0 =	sld [smem:$0x3F92];
	_ =	swait.ge [sflag:s4], $0x0  }
0x19: {  	s7 =	sld [smem:$0x3F93]  }
0x1a: {  	s8 =	sadd.s32 $0xFFFFE003, lr  }
0x1b: {  	s9 =	sadd.s32 $0xFFFFFEF7, lr;
	s5 =	simm.s32 $0xFFFFFFFF;
	p2 =	slt.u32 s8, $0xFFFFF086  }
0x1c: {  	p1 =	slt.u32 s9, $0xF7A;
	s5 =	simm.s32 @!p2 $0x0  }
0x1d: {  	s5 =	simm.s32 @p1 $0x1;
	p0 =	seq.s32 s7, s2  }
0x1e: {  	s7 =	smul.u32 @!p0 $0xF7A, s2;
	p2 =	seq.s32 @!p0 s5, $0x0  }
0x1f: {  	s9 =	smul.u32 $0xF7A, s1;
	s8 =	simm.s32 @!p0 $0x1BF5;
	p2 =	por !p2, p0  }
0x20: {  	[sflag:s8] =	ssyncset.s32 @!p0 $0xFFFFF086;
	s6 =	sadd.s32 @!p0 s3, s7;
	s7 =	simm.s32 @!p0 $0x108  }
0x21: {  	s3 =	sadd.s32 s3, s9;
	s6 =	sadd.s32 @!p0 $0x88, s6;
	s7 =	simm.s32 @p2 $0x1082  }
0x22: {  	[simem:s7], [sflag:s8] =	dma.local @!p0 [hbm:s6], $0xF7A  }
0x23: {  	s9 =	sor.u32 $0xD0000000, s2;
	s6 =	simm.s32 $0x108;
	_ =	swait.ge @!p0 [sflag:s8], $0x0  }
0x24: {  	s3 =	sadd.s32 $0x88, s3;
	s6 =	simm.s32 @!p1 $0x1082;
	[sflag:s4] =	ssyncset.s32 $0xFFFFF086  }
0x25: {  	[simem:s6], [sflag:s4] =	dma.local [hbm:s3], $0xF7A  }
0x26: {  	[smem:$0x3F93] =	sst s1;
	(tag) =	ssettag s2;
	_ =	strace s9  }
0x27: {  	s1 =	sld [smem:$0x3FA3]  }
0x28: {  	s2 =	sld [smem:$0x3FA4]  }
0x29: {  	s4 =	sld [smem:$0x3FA6]  }
0x2a: {  	p0 =	seq.s32 s5, $0x0;
	s5 =	sld [smem:$0x3FA7]  }
0x2b: {  	s6 =	sld [smem:$0x3FA8]  }
0x2c: {  	s7 =	sld [smem:$0x3FA9]  }
0x2d: {  	s3 =	simm.s32 $0x108;
	s8 =	sld [smem:$0x3FAA]  }
0x2e: {  	s3 =	simm.s32 @!p0 $0x1082;
	s9 =	sld [smem:$0x3FAB]  }
0x2f: {  	lr =	sadd.s32 s0, s3;
	s0 =	sld [smem:$0x3FA2]  }
0x30: {  	s3 =	sld [smem:$0x3FA5]  }
0x31: {  	[smem:$0x3FAE] =	sst s10  }
0x32: {  	s10 =	sld [smem:$0x3FAC];
	_ =	sdelay $0x3  }
0x33: {  	p0 =	seq.s32 s10, $0x1;
	s10 =	sld [smem:$0x3FAE];
	_ =	sdelay $0x3  }
0x34: {  	[smem:$0x3FAE] =	sst s10  }
0x35: {  	s10 =	sld [smem:$0x3FAD];
	_ =	sdelay $0x3  }
0x36: {  	p1 =	seq.s32 s10, $0x1;
	s10 =	sld [smem:$0x3FAE];
	_ =	sdelay $0x3  }
0x37: {  	[smem:$0x3FAE] =	sst s10  }
0x38: {  	s10 =	sld [smem:$0x3FAF]  }
0x39: {  	_ = 	snop;
	(pc) =	sbr.ind lr, $3  }
0x3a: {  	_ = 	snop  }
0x3b: {  	_ = 	snop  }
0x3c: {  	p2 =	seq.s32 s10, $0x1;
	s10 =	sld [smem:$0x3FAE]  }
0x3d: {  	_ =	shalt  }
0x3e: {  	_ =	shalt  }
0x3f: {  	_ =	shalt  }
0x40: {  	_ =	shalt  }
0x41: {  	_ =	shalt  }
0x42: {  	_ =	shalt  }
0x43: {  	_ =	shalt  }
0x44: {  	_ =	shalt  }
0x45: {  	_ =	shalt  }
0x46: {  	_ =	shalt  }
0x47: {  	_ =	shalt  }
0x48: {  	_ =	shalt  }
0x49: {  	_ =	shalt  }
0x4a: {  	_ =	shalt  }
0x4b: {  	_ =	shalt  }
0x4c: {  	_ =	shalt  }
0x4d: {  	_ =	shalt  }
0x4e: {  	_ =	shalt  }
0x4f: {  	_ =	shalt  }
0x50: {  	_ =	shalt  }
0x51: {  	_ =	shalt  }
0x52: {  	_ =	shalt  }
0x53: {  	_ =	shalt  }
0x54: {  	_ =	shalt  }
0x55: {  	_ =	shalt  }
0x56: {  	_ =	shalt  }
0x57: {  	_ =	shalt  }
0x58: {  	_ =	shalt  }
0x59: {  	_ =	shalt  }
0x5a: {  	_ =	shalt  }
0x5b: {  	_ =	shalt  }
0x5c: {  	_ =	shalt  }
0x5d: {  	_ =	shalt  }
0x5e: {  	_ =	shalt  }
0x5f: {  	_ =	shalt  }
0x60: {  	_ =	shalt  }
0x61: {  	_ =	shalt  }
0x62: {  	_ =	shalt  }
0x63: {  	_ =	shalt  }
0x64: {  	_ =	shalt  }
0x65: {  	_ =	shalt  }
0x66: {  	_ =	shalt  }
0x67: {  	_ =	shalt  }
0x68: {  	_ =	shalt  }
0x69: {  	_ =	shalt  }
0x6a: {  	_ =	shalt  }
0x6b: {  	_ =	shalt  }
0x6c: {  	_ =	shalt  }
0x6d: {  	_ =	shalt  }
0x6e: {  	_ =	shalt  }
0x6f: {  	_ =	shalt  }
0x70: {  	_ =	shalt  }
0x71: {  	_ =	shalt  }
0x72: {  	_ =	shalt  }
0x73: {  	_ =	shalt  }
0x74: {  	_ =	shalt  }
0x75: {  	_ =	shalt  }
0x76: {  	_ =	shalt  }
0x77: {  	_ =	shalt  }
0x78: {  	_ =	shalt  }
0x79: {  	_ =	shalt  }
0x7a: {  	_ =	shalt  }
0x7b: {  	_ =	shalt  }
0x7c: {  	_ =	shalt  }
0x7d: {  	_ =	shalt  }
0x7e: {  	_ =	shalt  }
0x7f: {  	_ =	shalt  }
0x80: {  	_ =	shalt  }
0x81: {  	_ =	shalt  }
0x82: {  	_ =	shalt  }
0x83: {  	_ =	shalt  }
0x84: {  	_ =	shalt  }
0x85: {  	_ =	shalt  }
0x86: {  	_ =	shalt  }
0x87: {  	_ =	shalt  }
.Lfunc_end0:
.L_simem_size_0:
called_computation_lowered:
.L_overlay_start_0:
0x88: {  	s2 =	sld [smem:$0x3FD9]  }
0x89: {  	s3 =	sld [smem:$0x3FFE];
	_ =	sdelay $0x1  }
0x8a: {  	s1 =	srdreg.scid  }
0x8b: {  	s0 =	sand.u32 $0x1, s1  }
0x8c: {  	s17 =	sshll.u32 s0, $0xA;
	s2 =	sadd.s32 s3, s2  }
0x8d: {  	s2 =	sadd.s32 s2, s17  }
0x8e: {  	[smem:$0x3FBA] =	sst s2  }
0x8f: {  	_ = 	snop  }
0x90: {  	s2 =	sld [smem:$0x3FD0];
	(tm) =	ssettm $0x1  }
0x91: {  	s18 =	sld [smem:$0x3FFB];
	_ =	sdelay $0x3  }
0x92: {  	_ =	strace s18  }
0x93: {  	s3 =	sld [smem:$0x3FFC];
	_ =	sdelay $0x3  }
0x94: {  	_ =	strace s3  }
0x95: {  	s3 =	sld [smem:$0x3FFD];
	_ =	sdelay $0x3  }
0x96: {  	_ =	strace s3  }
0x97: {  	_ =	strace $0x8FFFFFFF  }
0x98: {  	s19 =	sld [smem:$0x3FDB];
	_ =	sdelay $0x1  }
0x99: {  	s4 =	simm.s32 $_scs_section_size  }
0x9a: {  	s5 =	simm.s32 $_size__tile_overlayer_lowered;
	s6 =	simm.s32 $_tile_overlayer_lowered  }
0x9b: {  	s22 =	simm.s32 $0x1BFF;
	s21 =	sshll.u32 s6, $0x1;
	s3 =	sadd.s32 s4, s19  }
0x9c: {  	s7 =	simm.s32 $0x0;
	s20 =	sshll.u32 s5, $0x1;
	s5 =	sadd.s32 s21, s3  }
0x9d: {  	[timem:s7], [sflag:s22] =	dma.local [hbm:s5], s20  }
0x9e: {  	_ =	swait.ge [sflag:s22], s20  }
0x9f: {  	s4 =	ssub.s32 $0x0, s20;
	[sflag:s22] =	ssyncset.done $0x0  }
0xa0: {  	[sflag:s22] =	ssyncadd.s32 s4;
	_ =	sdelay $0x1  }
0xa1: {  	s23 =	simm.s32 $0x1B8B  }
0xa2: {  	_ =	swait.ge [sflag:s23], $0x1  }
0xa3: {  	[sflag:s23] =	ssyncset.done $0x0  }
0xa4: {  	s25 =	simm.s32 $0x1B8E;
	s24 =	sld [smem:$0x3FFE];
	[sflag:s23] =	ssyncadd.s32 $0xFFFFFFFF  }
0xa5: {  	s26 =	simm.s32 $execute0_lowered;
	[smem:$0x3FD2] =	sst s25  }
0xa6: {  	s5 =	sshll.u32 s26, $0x1;
	_ =	strace $0x80000046;
	[dreg:$0x1] =	wrdreg $0xFFFFFFFF  }
0xa7: {  	s28 =	simm.s32 $_size_execute0_lowered;
	s3 =	sadd.s32 s3, s5;
	[dreg:$0x0] =	wrdreg $0x0  }
0xa8: {  	s5 =	sshll.u32 s28, $0x1;
	[dreg:$0x2] =	wrdreg s3  }
0xa9: {  	[dreg:$0x3] =	wrdreg s5  }
0xaa: {  	[dreg:$0x4] =	wrdreg $0xC0  }
0xab: {  	_ =	task [dreg:s7], $0x5FFFF  }
0xac: {  	[dreg:$0x1] =	wrdreg $0xFFFFFFFF  }
0xad: {  	[dreg:$0x0] =	wrdreg $0x60  }
0xae: {  	[dreg:$0x2] =	wrdreg s2  }
0xaf: {  	[dreg:$0x3] =	wrdreg s24  }
0xb0: {  	[dreg:$0x4] =	wrdreg $0xA8000  }
0xb1: {  	[dreg:$0x5] =	wrdreg $0x9  }
0xb2: {  	_ =	task.clear_ibuf [dreg:s7], $0x6FFFF;
	_ =	strace $0x90000046  }
0xb3: {  	s29 =	simm.s32 $0x9;
	_ =	strace $0x80000048  }
0xb4: {  	_ =	swait.ge [sflag:s29], $0x1  }
0xb5: {  	[sflag:s29] =	ssyncadd.s32 $0xFFFFFFFF  }
0xb6: {  	_ =	strace $0x90000048  }
0xb7: {  	_ =	sfence  }
0xb8: {  	s30 =	sld [smem:$0x0];
	_ =	sdelay $0x2  }
0xb9: {  	s31 =	sshll.u32 s1, $0xD;
	s1 =	sshrl.u32 s1, $0x2  }
0xba: {  	s3 =	sand.u32 $0x4000, s31;
	s1 =	sadd.s32 s1, s30  }
0xbb: {  	s0 =	sor.u32 s3, s0;
	s1 =	sshll.u32 s1, $0x11  }
0xbc: {  	s0 =	sor.u32 s1, s0  }
0xbd: {  	s0 =	sadd.s32 $0x8F2B, s0  }
0xbe: {  	[sflag:s0] =	ssyncadd.remote.s32 $0x1  }
0xbf: {  	_ =	sfence.sel $0xFFFF  }
0xc0: {  	[dreg:$0x0] =	wrdreg $0xFFFFFFFF;
	(pc) =	sbr.abs _section_cstart, $3  }
0xc1: {  	[dreg:$0x1] =	wrdreg $0xFFFFFFFF  }
0xc2: {  	_ =	task.clear_ibuf [dreg:s7], $0x2FFFF;
	_ =	strace $0x9FFFFFFF  }
0xc3: {  	(tm) =	ssettm $0x7FFFFFFF  }
tec
execute0_lowered:
.L_overlay_start_1:
0x0: {  	(tag) =	ssettag $0x1  }
0x1: {  	s1 =	rddreg [dreg:$0x0]  }
0x2: {  	s0 =	rddreg [dreg:$0x1]  }
0x3: {  	s2 =	rddreg [dreg:$0x2];
	s4 =	simm.s32 $0x0  }
0x4: {  	s3 =	srdreg.scid;
	s14 =	stileid.u32;
	s17 =	simm.s32 $0x44400  }
0x5: {  	s18 =	simm.s32 $0x2800;
	s19 =	simm.s32 $0x3;
	s20 =	simm.s32 $0x1400  }
0x6: {  	s21 =	simm.s32 $0x80;
	s22 =	simm.s32 $0x6800;
	s23 =	simm.s32 $0x1  }
0x7: {  	s24 =	simm.s32 $0x2;
	s25 =	simm.s32 $0x0;
	s26 =	simm.s32 $0x0  }
0x8: {  	[smem:$0x7FF] =	sst s4;
	s3 =	sand.u32 $0x1, s3;
	s8 =	smul.u32 $0x50000, s14  }
0x9: {  	s5 =	sadd.s32 $0x8400, s0;
	s6 =	sadd.s32 $0x12400, s0;
	s29 =	smul.u32 $0x2800, s14  }
0xa: {  	_ =	strace $0x80000047;
	s7 =	sshll.u32 s3, $0x4;
	s9 =	ssub.s32 $0x2, s3  }
0xb: {  	p0 =	seq.s32 s3, $0x1;
	s11 =	sor.u32 s14, s7;
	s10 =	sshrl.u32 s9, $0x1  }
0xc: {  	s12 =	sshrl.u32 s8, $0x2;
	s8 =	sadd.s32 $0x9EAC00, s0;
	s7 =	smul.u32 $0x2800, s11  }
.Ltmp0:
0xd: {  	s17 =	simm.s32 @!p0 $0x1C400;
	s13 =	ssub.s32 s9, s10;
	(pc) =	sbr.rel .LBB2_1-.Ltmp0, $4  }
0xe: {  	s9 =	sadd.s32 s12, s2;
	s11 =	smul.u32 $0x140000, s11;
	s0 =	sadd.s32 s17, s0  }
0xf: {  	s30 =	smax.u32 s13, $0x1;
	s31 =	sadd.s32 $0x4000, s9;
	s14 =	sadd.s32 $0x8000, s9  }
0x10: {  	s15 =	sadd.s32 $0xC000, s9;
	s16 =	sadd.s32 $0x10000, s9;
	[dreg:$0x4] =	wrdreg s30  }
0x11: {  	v0 =	vimm.f32 $0.0e+00;
	s17 =	sadd.s32 s0, s29;
	s10 =	sor.u32 $0x80, s7;
	[dreg:$0x5] =	wrdreg s31  }
.LBB2_12:
0x12: {  	s0 =	stileid.u32  }
0x13: {  	s0 =	sshll.u32 s0, $0x6  }
0x14: {  	[bflag:$0x0] =	sbarrier.arrive $0xFFFF;
	s3 =	sshrl.u32 s9, $0x3;
	s0 =	sor.u32 $0x1C03, s0  }
0x15: {  	[hbm:s17], [sflag:s0] =	dma.local [spmem:s3], $0x2800  }
0x16: {  	_ =	swait.ge [sflag:s19], $0x2800  }
0x17: {  	s25 =	sadd.s32 $0x1, s25;
	s31 =	rddreg [dreg:$0x4]  }
0x18: {  	p0 =	sne.s32 s25, s31  }
.Ltmp1:
0x19: {  	_ = 	snop;
	(pc) =	sbr.rel @!p0 .LBB2_13-.Ltmp1, $3  }
0x1a: {  	_ =	sdelay $0x1  }
0x1b: {  	[sflag:s19] =	ssyncset.done $0x0  }
0x1c: {  	[sflag:s19] =	ssyncadd.s32 $0xFFFFD800  }
.LBB2_1:
0x1d: {  	s0 =	simm.s32 $0x0;
	s3 =	simm.s32 $0x200  }
.LBB2_2:
0x1e: {  	p0 =	sne.s32 s3, $0xFE00;
	[tilespmem:s0+$0x2870] =	vst v0  }
0x1f: {  	[tilespmem:s0+$0x2800] =	vst v0  }
0x20: {  	[tilespmem:s0+$0x2810] =	vst v0  }
.Ltmp2:
0x21: {  	[tilespmem:s0+$0x2820] =	vst v0;
	(pc) =	sbr.rel @p0 .LBB2_2-.Ltmp2, $4  }
0x22: {  	[tilespmem:s0+$0x2830] =	vst v0  }
0x23: {  	[tilespmem:s0+$0x2840] =	vst v0  }
0x24: {  	[tilespmem:s0+$0x2850] =	vst v0  }
0x25: {  	[tilespmem:s0+$0x2860] =	vst v0;
	s0 =	sshra.s32 s3, $0x2;
	s3 =	sadd.s32 $0x200, s3  }
0x26: {  	[tilespmem:s0+$0x2870] =	vst v0  }
0x27: {  	[tilespmem:s0+$0x2800] =	vst v0  }
0x28: {  	[tilespmem:s0+$0x2810] =	vst v0  }
0x29: {  	[tilespmem:s0+$0x2820] =	vst v0  }
0x2a: {  	[tilespmem:s0+$0x2830] =	vst v0  }
0x2b: {  	[tilespmem:s0+$0x2840] =	vst v0  }
0x2c: {  	[tilespmem:s0+$0x2850] =	vst v0  }
0x2d: {  	[tilespmem:s0+$0x2860] =	vst v0  }
0x2e: {  	[spmem:s9] =	stream.linear.scatter [tilespmem:s18], [sflag:$0x3], $0x4000, $0x38;
	[tilespmem:$0x1E800] =	vst v63  }
0x2f: {  	_ =	swait.ge [sflag:s19], $0x4000  }
0x30: {  	[sflag:s19] =	ssyncset.done $0x0  }
0x31: {  	s31 =	rddreg [dreg:$0x5];
	[sflag:s19] =	ssyncadd.s32 $0xFFFFC000  }
0x32: {  	[spmem:s31] =	stream.linear.scatter [tilespmem:s18], [sflag:$0x3], $0x4000, $0x38;
	[tilespmem:$0x1E800] =	vst v63  }
0x33: {  	_ =	swait.ge [sflag:s19], $0x4000  }
0x34: {  	[sflag:s19] =	ssyncset.done $0x0  }
0x35: {  	[sflag:s19] =	ssyncadd.s32 $0xFFFFC000  }
0x36: {  	[spmem:s14] =	stream.linear.scatter [tilespmem:s18], [sflag:$0x3], $0x4000, $0x38;
	[tilespmem:$0x1E800] =	vst v63  }
0x37: {  	_ =	swait.ge [sflag:s19], $0x4000  }
0x38: {  	[sflag:s19] =	ssyncset.done $0x0  }
0x39: {  	[sflag:s19] =	ssyncadd.s32 $0xFFFFC000  }
0x3a: {  	[spmem:s15] =	stream.linear.scatter [tilespmem:s18], [sflag:$0x3], $0x4000, $0x38;
	[tilespmem:$0x1E800] =	vst v63  }
0x3b: {  	_ =	swait.ge [sflag:s19], $0x4000  }
0x3c: {  	[sflag:s19] =	ssyncset.done $0x0  }
0x3d: {  	[sflag:s19] =	ssyncadd.s32 $0xFFFFC000  }
0x3e: {  	[spmem:s16] =	stream.linear.scatter [tilespmem:s18], [sflag:$0x3], $0x4000, $0x38;
	[tilespmem:$0x1E800] =	vst v63  }
.Ltmp3:
0x3f: {  	_ =	swait.ge [sflag:s19], $0x4000;
	(pc) =	sbr.rel .LBB2_4-.Ltmp3, $4  }
0x40: {  	[sflag:s19] =	ssyncset.done $0x0  }
0x41: {  	[sflag:s19] =	ssyncadd.s32 $0xFFFFC000  }
0x42: {  	[bflag:$0x0] =	sbarrier.arrive $0xFFFF  }
0x43: {  	p1 =	por $0x1, $0x1;
	s0 =	simm.s32 $0x0  }
.LBB2_11:
.Ltmp4:
0x44: {  	(pc) =	sbr.rel @!p0 .LBB2_12-.Ltmp4, $2  }
0x45: {  	_ =	sdelay $0x2  }
0x46: {  	s0 =	simm.s32 $0x1;
	p1 =	por $0x0, $0x0  }
.LBB2_4:
0x47: {  	s3 =	smul.u32 $0x1400, s0;
	_ =	sdelay $0x1  }
0x48: {  	s28 =	sadd.s32 s7, s3  }
0x49: {  	s29 =	sshrl.u32 s28, $0x3  }
0x4a: {  	s30 =	sadd.s32 s5, s29  }
0x4b: {  	[tilespmem:s26], [sflag:$0x3] =	stream.linear.gather [hbm4b:s30+s26], $0x1400, $0x38;
	[tilespmem:$0x1E800] =	vst v63  }
0x4c: {  	_ =	swait.ge [sflag:s19], $0x1400  }
0x4d: {  	[sflag:s19] =	ssyncset.done $0x0  }
0x4e: {  	s29 =	sadd.s32 s6, s29;
	[sflag:s19] =	ssyncadd.s32 $0xFFFFEC00  }
0x4f: {  	[tilespmem:s20], [sflag:$0x3] =	stream.linear.gather [hbm4b:s29+s26], $0x1400, $0x38;
	[tilespmem:$0x1E800] =	vst v63  }
0x50: {  	_ =	swait.ge [sflag:s19], $0x1400  }
0x51: {  	s28 =	sshll.u32 s28, $0x4;
	[sflag:s19] =	ssyncset.done $0x0  }
0x52: {  	s28 =	sadd.s32 s8, s28;
	[sflag:s19] =	ssyncadd.s32 $0xFFFFEC00  }
0x53: {  	[tilespmem:s18], [sflag:$0x3] =	stream.linear.gather [hbm4b:s28+s26], $0x4000, $0x38;
	[tilespmem:$0x1E800] =	vst v63  }
0x54: {  	_ =	swait.ge [sflag:s19], $0x4000  }
0x55: {  	s3 =	sadd.s32 s3, s10;
	[sflag:s19] =	ssyncset.done $0x0  }
0x56: {  	s3 =	sshll.u32 s3, $0x4;
	[sflag:s19] =	ssyncadd.s32 $0xFFFFC000  }
0x57: {  	[tilespmem:s18], [sflag:$0x1] =	stream.indirect.gather.add.f32 [hbm:s1], $0x80, s26, s21, $0xb8;
	[tilespmem:$0x1E800] =	vst v63  }
0x58: {  	s3 =	sadd.s32 s8, s3  }
0x59: {  	[tilespmem:s22], [sflag:$0x3] =	stream.linear.gather [hbm4b:s3+s26], $0x4000, $0x38;
	[tilespmem:$0x1E800] =	vst v63  }
0x5a: {  	_ =	swait.ge [sflag:s19], $0x4000  }
0x5b: {  	p0 =	por p1, p1;
	[sflag:s19] =	ssyncset.done $0x0  }
0x5c: {  	s29 =	simm.s32 $0x0;
	s28 =	smul.u32 $0x28, s0;
	[sflag:s19] =	ssyncadd.s32 $0xFFFFC000  }
0x5d: {  	[tilespmem:s22], [sflag:$0x2] =	stream.indirect.gather.add.f32 [hbm:s1], $0x80, s21, s21, $0xb8;
	[tilespmem:$0x1E800] =	vst v63  }
.LBB2_5:
0x5e: {  	_ =	swait.ge [sflag:s23], $0x4000  }
0x5f: {  	[sflag:s23] =	ssyncset.done $0x0  }
0x60: {  	s30 =	simm.s32 $0x0;
	[sflag:s23] =	ssyncadd.s32 $0xFFFFC000  }
0x61: {  	v3 =	vld [tilespmem:s30+$0x2800]  }
0x62: {  	v5 =	vld [tilespmem:s30+$0x2810]  }
0x63: {  	v4 =	vld [tilespmem:s30+$0x2820]  }
0x64: {  	v2 =	vld [tilespmem:s30+$0x2830]  }
0x65: {  	v1 =	vld [tilespmem:s30+$0x2840]  }
0x66: {  	v6 =	vmax.f32 v3, $0.0e+00;
	v3 =	vld [tilespmem:s30+$0x2850]  }
0x67: {  	s0 =	simm.s32 $0x200;
	[tilespmem:s30+$0x2800] =	vst v6;
	v6 =	vmax.f32 v5, $0.0e+00;
	v5 =	vld [tilespmem:s30+$0x2860]  }
.LBB2_6:
0x68: {  	s3 =	sshra.s32 s0, $0x2;
	p1 =	sne.s32 s0, $0xFE00;
	[tilespmem:s30+$0x2810] =	vst v6;
	v4 =	vmax.f32 v4, $0.0e+00;
	v6 =	vld [tilespmem:s30+$0x2870]  }
0x69: {  	v7 =	vld [tilespmem:s3+$0x2800];
	[tilespmem:s30+$0x2820] =	vst v4;
	v2 =	vmax.f32 v2, $0.0e+00  }
0x6a: {  	v8 =	vld [tilespmem:s3+$0x2810];
	[tilespmem:s30+$0x2830] =	vst v2;
	v1 =	vmax.f32 v1, $0.0e+00  }
.Ltmp5:
0x6b: {  	v4 =	vld [tilespmem:s3+$0x2820];
	[tilespmem:s30+$0x2840] =	vst v1;
	v1 =	vmax.f32 v3, $0.0e+00;
	(pc) =	sbr.rel @p1 .LBB2_6-.Ltmp5, $4  }
0x6c: {  	v2 =	vld [tilespmem:s3+$0x2830];
	[tilespmem:s30+$0x2850] =	vst v1;
	v3 =	vmax.f32 v5, $0.0e+00  }
0x6d: {  	v1 =	vld [tilespmem:s3+$0x2840];
	[tilespmem:s30+$0x2860] =	vst v3;
	v5 =	vmax.f32 v6, $0.0e+00  }
0x6e: {  	v6 =	vmax.f32 v7, $0.0e+00;
	v3 =	vld [tilespmem:s3+$0x2850];
	[tilespmem:s30+$0x2870] =	vst v5;
	s30 =	smov.u32 s3  }
0x6f: {  	s0 =	sadd.s32 $0x200, s0;
	[tilespmem:s30+$0x2800] =	vst v6;
	v6 =	vmax.f32 v8, $0.0e+00;
	v5 =	vld [tilespmem:s30+$0x2860]  }
0x70: {  	[tilespmem:s30+$0x2810] =	vst v6;
	v4 =	vmax.f32 v4, $0.0e+00;
	v6 =	vld [tilespmem:s30+$0x2870]  }
0x71: {  	[tilespmem:s30+$0x2820] =	vst v4;
	v2 =	vmax.f32 v2, $0.0e+00  }
0x72: {  	[tilespmem:s30+$0x2830] =	vst v2;
	v1 =	vmax.f32 v1, $0.0e+00  }
0x73: {  	[tilespmem:s30+$0x2840] =	vst v1;
	v1 =	vmax.f32 v3, $0.0e+00  }
0x74: {  	s0 =	sshll.u32 s29, $0x8;
	[tilespmem:s30+$0x2850] =	vst v1;
	v1 =	vmax.f32 v5, $0.0e+00  }
0x75: {  	s31 =	sand.u32 $0x3FFFFF00, s0;
	[tilespmem:s30+$0x2860] =	vst v1;
	v1 =	vmax.f32 v6, $0.0e+00  }
0x76: {  	p1 =	seq.s32 s29, $0x13;
	s0 =	sadd.s32 $0x1400, s31;
	[tilespmem:s30+$0x2870] =	vst v1;
	s30 =	sshll.u32 s29, $0x1  }
0x77: {  	[spmem:s2] =	stream.indirect.scatter.add.f32 [tilespmem:s18], [sflag:$0x3], $0x80, s0, s21, $0xb8;
	[tilespmem:$0x1E800] =	vst v63  }
0x78: {  	s0 =	sadd.s32 @!p1 $0x2, s30  }
0x79: {  	s3 =	sadd.s32 @!p1 s28, s0  }
0x7a: {  	s3 =	sshll.u32 @!p1 s3, $0xE  }
0x7b: {  	_ =	swait.ge [sflag:s19], $0x4000;
	s3 =	sadd.s32 @!p1 s11, s3  }
0x7c: {  	s12 =	simm.s32 @!p1 $0x0;
	[sflag:s19] =	ssyncset.done $0x0;
	s3 =	sshrl.u32 @!p1 s3, $0x3  }
0x7d: {  	s13 =	simm.s32 @!p1 $0x2800;
	[sflag:s19] =	ssyncadd.s32 $0xFFFFC000;
	s3 =	sadd.s32 @!p1 s8, s3  }
0x7e: {  	[tilespmem:s13], [sflag:$0x3] =	stream.linear.gather @!p1 [hbm4b:s3+s12], $0x4000, $0x38;
	[tilespmem:$0x1E800] =	vst v63  }
0x7f: {  	s3 =	simm.s32 @!p1 $0x3  }
0x80: {  	_ =	swait.ge @!p1 [sflag:s3], $0x4000  }
0x81: {  	s0 =	sshll.u32 @!p1 s0, $0x7;
	[sflag:s3] =	ssyncset.done @!p1 $0x0  }
0x82: {  	s0 =	sand.u32 @!p1 $0x3FFFFF80, s0;
	[sflag:s3] =	ssyncadd.s32 @!p1 $0xFFFFC000;
	s3 =	simm.s32 @!p1 $0x80  }
0x83: {  	[tilespmem:s13], [sflag:$0x1] =	stream.indirect.gather.add.f32 @!p1 [hbm:s1], $0x80, s0, s3, $0xb8;
	[tilespmem:$0x1E800] =	vst v63  }
0x84: {  	_ =	swait.ge [sflag:s24], $0x4000  }
0x85: {  	[sflag:s24] =	ssyncset.done $0x0  }
0x86: {  	s0 =	simm.s32 $0x0;
	[sflag:s24] =	ssyncadd.s32 $0xFFFFC000  }
0x87: {  	v3 =	vld [tilespmem:s0+$0x6800]  }
0x88: {  	v5 =	vld [tilespmem:s0+$0x6810]  }
0x89: {  	v4 =	vld [tilespmem:s0+$0x6820]  }
0x8a: {  	v2 =	vld [tilespmem:s0+$0x6830]  }
0x8b: {  	v1 =	vld [tilespmem:s0+$0x6840]  }
0x8c: {  	v6 =	vmax.f32 v3, $0.0e+00;
	v3 =	vld [tilespmem:s0+$0x6850]  }
0x8d: {  	s3 =	simm.s32 $0x200;
	[tilespmem:s0+$0x6800] =	vst v6;
	v6 =	vmax.f32 v5, $0.0e+00;
	v5 =	vld [tilespmem:s0+$0x6860]  }
.LBB2_8:
0x8e: {  	s12 =	sshra.s32 s3, $0x2;
	p2 =	sne.s32 s3, $0xFE00;
	[tilespmem:s0+$0x6810] =	vst v6;
	v4 =	vmax.f32 v4, $0.0e+00;
	v6 =	vld [tilespmem:s0+$0x6870]  }
0x8f: {  	v7 =	vld [tilespmem:s12+$0x6800];
	[tilespmem:s0+$0x6820] =	vst v4;
	v2 =	vmax.f32 v2, $0.0e+00  }
0x90: {  	v8 =	vld [tilespmem:s12+$0x6810];
	[tilespmem:s0+$0x6830] =	vst v2;
	v1 =	vmax.f32 v1, $0.0e+00  }
.Ltmp6:
0x91: {  	v4 =	vld [tilespmem:s12+$0x6820];
	[tilespmem:s0+$0x6840] =	vst v1;
	v1 =	vmax.f32 v3, $0.0e+00;
	(pc) =	sbr.rel @p2 .LBB2_8-.Ltmp6, $4  }
0x92: {  	v2 =	vld [tilespmem:s12+$0x6830];
	[tilespmem:s0+$0x6850] =	vst v1;
	v3 =	vmax.f32 v5, $0.0e+00  }
0x93: {  	v1 =	vld [tilespmem:s12+$0x6840];
	[tilespmem:s0+$0x6860] =	vst v3;
	v5 =	vmax.f32 v6, $0.0e+00  }
0x94: {  	v6 =	vmax.f32 v7, $0.0e+00;
	v3 =	vld [tilespmem:s12+$0x6850];
	[tilespmem:s0+$0x6870] =	vst v5;
	s0 =	smov.u32 s12  }
0x95: {  	s3 =	sadd.s32 $0x200, s3;
	[tilespmem:s0+$0x6800] =	vst v6;
	v6 =	vmax.f32 v8, $0.0e+00;
	v5 =	vld [tilespmem:s0+$0x6860]  }
0x96: {  	[tilespmem:s0+$0x6810] =	vst v6;
	v4 =	vmax.f32 v4, $0.0e+00;
	v63 =	vld [tilespmem:s0+$0x6870]  }
0x97: {  	[tilespmem:s0+$0x6820] =	vst v4;
	v2 =	vmax.f32 v2, $0.0e+00  }
0x98: {  	[tilespmem:s0+$0x6830] =	vst v2;
	v1 =	vmax.f32 v1, $0.0e+00  }
0x99: {  	[tilespmem:s0+$0x6840] =	vst v1;
	v1 =	vmax.f32 v3, $0.0e+00  }
0x9a: {  	[tilespmem:s0+$0x6850] =	vst v1;
	v1 =	vmax.f32 v5, $0.0e+00  }
0x9b: {  	[tilespmem:s0+$0x6860] =	vst v1;
	v1 =	vmax.f32 v63, $0.0e+00  }
.Ltmp7:
0x9c: {  	s31 =	sadd.s32 $0x1480, s31;
	[tilespmem:s0+$0x6870] =	vst v1;
	(pc) =	sbr.rel @p1 .LBB2_11-.Ltmp7, $4  }
0x9d: {  	[spmem:s2] =	stream.indirect.scatter.add.f32 [tilespmem:s22], [sflag:$0x3], $0x80, s31, s21, $0xb8;
	[tilespmem:$0x1E800] =	vst v63  }
0x9e: {  	_ =	swait.ge [sflag:s19], $0x4000  }
0x9f: {  	[sflag:s19] =	ssyncset.done $0x0  }
0xa0: {  	[sflag:s19] =	ssyncadd.s32 $0xFFFFC000  }
0xa1: {  	s0 =	sadd.s32 $0x3, s30  }
0xa2: {  	s3 =	sadd.s32 s28, s0  }
0xa3: {  	s3 =	sshll.u32 s3, $0xE  }
0xa4: {  	s3 =	sadd.s32 s11, s3  }
0xa5: {  	s3 =	sshrl.u32 s3, $0x3  }
0xa6: {  	s3 =	sadd.s32 s8, s3  }
0xa7: {  	[tilespmem:s22], [sflag:$0x3] =	stream.linear.gather [hbm4b:s3+s4], $0x4000, $0x38;
	[tilespmem:$0x1E800] =	vst v63  }
.Ltmp8:
0xa8: {  	_ = 	snop;
	(pc) =	sbr.rel .LBB2_5-.Ltmp8, $4  }
0xa9: {  	_ =	swait.ge [sflag:s19], $0x4000  }
0xaa: {  	s0 =	sshll.u32 s0, $0x7;
	[sflag:s19] =	ssyncset.done $0x0  }
0xab: {  	s29 =	sadd.s32 $0x1, s29;
	s0 =	sand.u32 $0x3FFFFF80, s0;
	[sflag:s19] =	ssyncadd.s32 $0xFFFFC000  }
0xac: {  	[tilespmem:s22], [sflag:$0x2] =	stream.indirect.gather.add.f32 [hbm:s1], $0x80, s0, s21, $0xb8;
	[tilespmem:$0x1E800] =	vst v63  }
.LBB2_13:
0xad: {  	_ =	sfence.sel $0x180000  }
0xae: {  	[bflag:$0x0] =	sbarrier.arrive $0xFFFF  }
0xaf: {  	_ =	strace $0x90000047  }
0xb0: {  	s0 =	stileid.u32;
	[bflag:$0x2] =	sbarrier.arrive $0xFFFF  }
0xb1: {  	p0 =	sne.s32 s0, $0x0;
	s0 =	rddreg [dreg:$0x3]  }
0xb2: {  	s0 =	sadd.s32 @!p0 $0x100000, s0  }
0xb3: {  	[sflag:s0] =	ssyncadd.tile.s32 @!p0 $0x1;
	_ =	shalt  }
.Lfunc_end2:
_tile_overlayer_lowered:
.L_overlay_start_2:
0xb4: {  	(tag) =	ssettag $0x2  }
0xb5: {  	s0 =	rddreg [dreg:$0x0];
	s2 =	stileid.u32  }
0xb6: {  	s1 =	rddreg [dreg:$0x1];
	p0 =	sne.s32 s2, $0x0  }
0xb7: {  	s3 =	rddreg [dreg:$0x2];
	[bflag:$0x3] =	sbarrier.arrive $0xFFFF;
	s2 =	simm.s32 @!p0 $0x1C03  }
0xb8: {  	[timem:s3], [sflag:s2] =	dma.local @!p0 [hbm:s0], s1  }
0xb9: {  	s0 =	simm.s32 @!p0 $0x3  }
0xba: {  	_ =	swait.ge @!p0 [sflag:s0], s1  }
0xbb: {  	s1 =	ssub.s32 @!p0 $0x0, s1;
	[sflag:s0] =	ssyncset.done @!p0 $0x0  }
0xbc: {  	[sflag:s0] =	ssyncadd.s32 @!p0 s1  }
0xbd: {  	[bflag:$0x3] =	sbarrier.arrive $0xFFFF  }
0xbe: {  	_ =	shalt  }

// kernel: kernel.21.cloned.1.call-start
scs
__scs_entry_jumppad:
0x0: {  	(pc) =	sbr.rel $0x88, $3  }
0x1: {  	(tag) =	ssettag $0x0;
	lr =	simm.s32 $0x1  }
0x2: {  	[smem:$0x3F93] =	sst lr;
	_ =	strace $0xD0000000  }
0x3: {  	_ = 	snop  }
0x4: {  	_ = 	snop  }
0x5: {  	_ = 	snop  }
0x6: {  	_ = 	snop  }
0x7: {  	_ = 	snop  }
__scs_overlays_trampoline_lowered:
0x8: {  	[smem:$0x3FA2] =	sst s0  }
0x9: {  	[smem:$0x3FA3] =	sst s1  }
0xa: {  	[smem:$0x3FA4] =	sst s2  }
0xb: {  	[smem:$0x3FA5] =	sst s3  }
0xc: {  	[smem:$0x3FA6] =	sst s4  }
0xd: {  	[smem:$0x3FA7] =	sst s5  }
0xe: {  	[smem:$0x3FA8] =	sst s6  }
0xf: {  	[smem:$0x3FA9] =	sst s7  }
0x10: {  	[smem:$0x3FAA] =	sst s8  }
0x11: {  	[smem:$0x3FAB] =	sst s9;
	s0 =	simm.s32 @!p0 $0x0  }
0x12: {  	s1 =	sld [smem:$0x3F91];
	s0 =	simm.s32 @p0 $0x1  }
0x13: {  	[smem:$0x3FAC] =	sst s0;
	s0 =	simm.s32 @!p1 $0x0  }
0x14: {  	s2 =	sld [smem:$0x3F90];
	s0 =	simm.s32 @p1 $0x1  }
0x15: {  	[smem:$0x3FAD] =	sst s0;
	s0 =	simm.s32 @!p2 $0x0  }
0x16: {  	s3 =	sld [smem:$0x3FDB];
	s0 =	simm.s32 @p2 $0x1  }
0x17: {  	s4 =	simm.s32 $0x1BF5;
	[smem:$0x3FAF] =	sst s0  }
0x18: {  	s0 =	sld [smem:$0x3F92];
	_ =	swait.ge [sflag:s4], $0x0  }
0x19: {  	s7 =	sld [smem:$0x3F93]  }
0x1a: {  	s8 =	sadd.s32 $0xFFFFE003, lr  }
0x1b: {  	s9 =	sadd.s32 $0xFFFFFEF7, lr;
	s5 =	simm.s32 $0xFFFFFFFF;
	p2 =	slt.u32 s8, $0xFFFFF086  }
0x1c: {  	p1 =	slt.u32 s9, $0xF7A;
	s5 =	simm.s32 @!p2 $0x0  }
0x1d: {  	s5 =	simm.s32 @p1 $0x1;
	p0 =	seq.s32 s7, s2  }
0x1e: {  	s7 =	smul.u32 @!p0 $0xF7A, s2;
	p2 =	seq.s32 @!p0 s5, $0x0  }
0x1f: {  	s9 =	smul.u32 $0xF7A, s1;
	s8 =	simm.s32 @!p0 $0x1BF5;
	p2 =	por !p2, p0  }
0x20: {  	[sflag:s8] =	ssyncset.s32 @!p0 $0xFFFFF086;
	s6 =	sadd.s32 @!p0 s3, s7;
	s7 =	simm.s32 @!p0 $0x108  }
0x21: {  	s3 =	sadd.s32 s3, s9;
	s6 =	sadd.s32 @!p0 $0x88, s6;
	s7 =	simm.s32 @p2 $0x1082  }
0x22: {  	[simem:s7], [sflag:s8] =	dma.local @!p0 [hbm:s6], $0xF7A  }
0x23: {  	s9 =	sor.u32 $0xD0000000, s2;
	s6 =	simm.s32 $0x108;
	_ =	swait.ge @!p0 [sflag:s8], $0x0  }
0x24: {  	s3 =	sadd.s32 $0x88, s3;
	s6 =	simm.s32 @!p1 $0x1082;
	[sflag:s4] =	ssyncset.s32 $0xFFFFF086  }
0x25: {  	[simem:s6], [sflag:s4] =	dma.local [hbm:s3], $0xF7A  }
0x26: {  	[smem:$0x3F93] =	sst s1;
	(tag) =	ssettag s2;
	_ =	strace s9  }
0x27: {  	s1 =	sld [smem:$0x3FA3]  }
0x28: {  	s2 =	sld [smem:$0x3FA4]  }
0x29: {  	s4 =	sld [smem:$0x3FA6]  }
0x2a: {  	p0 =	seq.s32 s5, $0x0;
	s5 =	sld [smem:$0x3FA7]  }
0x2b: {  	s6 =	sld [smem:$0x3FA8]  }
0x2c: {  	s7 =	sld [smem:$0x3FA9]  }
0x2d: {  	s3 =	simm.s32 $0x108;
	s8 =	sld [smem:$0x3FAA]  }
0x2e: {  	s3 =	simm.s32 @!p0 $0x1082;
	s9 =	sld [smem:$0x3FAB]  }
0x2f: {  	lr =	sadd.s32 s0, s3;
	s0 =	sld [smem:$0x3FA2]  }
0x30: {  	s3 =	sld [smem:$0x3FA5]  }
0x31: {  	[smem:$0x3FAE] =	sst s10  }
0x32: {  	s10 =	sld [smem:$0x3FAC];
	_ =	sdelay $0x3  }
0x33: {  	p0 =	seq.s32 s10, $0x1;
	s10 =	sld [smem:$0x3FAE];
	_ =	sdelay $0x3  }
0x34: {  	[smem:$0x3FAE] =	sst s10  }
0x35: {  	s10 =	sld [smem:$0x3FAD];
	_ =	sdelay $0x3  }
0x36: {  	p1 =	seq.s32 s10, $0x1;
	s10 =	sld [smem:$0x3FAE];
	_ =	sdelay $0x3  }
0x37: {  	[smem:$0x3FAE] =	sst s10  }
0x38: {  	s10 =	sld [smem:$0x3FAF]  }
0x39: {  	_ = 	snop;
	(pc) =	sbr.ind lr, $3  }
0x3a: {  	_ = 	snop  }
0x3b: {  	_ = 	snop  }
0x3c: {  	p2 =	seq.s32 s10, $0x1;
	s10 =	sld [smem:$0x3FAE]  }
0x3d: {  	_ =	shalt  }
0x3e: {  	_ =	shalt  }
0x3f: {  	_ =	shalt  }
0x40: {  	_ =	shalt  }
0x41: {  	_ =	shalt  }
0x42: {  	_ =	shalt  }
0x43: {  	_ =	shalt  }
0x44: {  	_ =	shalt  }
0x45: {  	_ =	shalt  }
0x46: {  	_ =	shalt  }
0x47: {  	_ =	shalt  }
0x48: {  	_ =	shalt  }
0x49: {  	_ =	shalt  }
0x4a: {  	_ =	shalt  }
0x4b: {  	_ =	shalt  }
0x4c: {  	_ =	shalt  }
0x4d: {  	_ =	shalt  }
0x4e: {  	_ =	shalt  }
0x4f: {  	_ =	shalt  }
0x50: {  	_ =	shalt  }
0x51: {  	_ =	shalt  }
0x52: {  	_ =	shalt  }
0x53: {  	_ =	shalt  }
0x54: {  	_ =	shalt  }
0x55: {  	_ =	shalt  }
0x56: {  	_ =	shalt  }
0x57: {  	_ =	shalt  }
0x58: {  	_ =	shalt  }
0x59: {  	_ =	shalt  }
0x5a: {  	_ =	shalt  }
0x5b: {  	_ =	shalt  }
0x5c: {  	_ =	shalt  }
0x5d: {  	_ =	shalt  }
0x5e: {  	_ =	shalt  }
0x5f: {  	_ =	shalt  }
0x60: {  	_ =	shalt  }
0x61: {  	_ =	shalt  }
0x62: {  	_ =	shalt  }
0x63: {  	_ =	shalt  }
0x64: {  	_ =	shalt  }
0x65: {  	_ =	shalt  }
0x66: {  	_ =	shalt  }
0x67: {  	_ =	shalt  }
0x68: {  	_ =	shalt  }
0x69: {  	_ =	shalt  }
0x6a: {  	_ =	shalt  }
0x6b: {  	_ =	shalt  }
0x6c: {  	_ =	shalt  }
0x6d: {  	_ =	shalt  }
0x6e: {  	_ =	shalt  }
0x6f: {  	_ =	shalt  }
0x70: {  	_ =	shalt  }
0x71: {  	_ =	shalt  }
0x72: {  	_ =	shalt  }
0x73: {  	_ =	shalt  }
0x74: {  	_ =	shalt  }
0x75: {  	_ =	shalt  }
0x76: {  	_ =	shalt  }
0x77: {  	_ =	shalt  }
0x78: {  	_ =	shalt  }
0x79: {  	_ =	shalt  }
0x7a: {  	_ =	shalt  }
0x7b: {  	_ =	shalt  }
0x7c: {  	_ =	shalt  }
0x7d: {  	_ =	shalt  }
0x7e: {  	_ =	shalt  }
0x7f: {  	_ =	shalt  }
0x80: {  	_ =	shalt  }
0x81: {  	_ =	shalt  }
0x82: {  	_ =	shalt  }
0x83: {  	_ =	shalt  }
0x84: {  	_ =	shalt  }
0x85: {  	_ =	shalt  }
0x86: {  	_ =	shalt  }
0x87: {  	_ =	shalt  }
.Lfunc_end0:
.L_simem_size_0:
called_computation.1_lowered:
.L_overlay_start_0:
0x88: {  	s2 =	sld [smem:$0x3FD9]  }
0x89: {  	s3 =	sld [smem:$0x3FFE];
	_ =	sdelay $0x1  }
0x8a: {  	s1 =	srdreg.scid  }
0x8b: {  	s0 =	sand.u32 $0x1, s1  }
0x8c: {  	s17 =	sshll.u32 s0, $0xA;
	s2 =	sadd.s32 s3, s2  }
0x8d: {  	s2 =	sadd.s32 s2, s17  }
0x8e: {  	[smem:$0x3FBA] =	sst s2  }
0x8f: {  	_ = 	snop  }
0x90: {  	s2 =	sld [smem:$0x3FD0];
	(tm) =	ssettm $0x1  }
0x91: {  	s18 =	sld [smem:$0x3FFB];
	_ =	sdelay $0x3  }
0x92: {  	_ =	strace s18  }
0x93: {  	s3 =	sld [smem:$0x3FFC];
	_ =	sdelay $0x3  }
0x94: {  	_ =	strace s3  }
0x95: {  	s3 =	sld [smem:$0x3FFD];
	_ =	sdelay $0x3  }
0x96: {  	_ =	strace s3  }
0x97: {  	_ =	strace $0x8FFFFFFF  }
0x98: {  	s19 =	sld [smem:$0x3FDB];
	_ =	sdelay $0x1  }
0x99: {  	s4 =	simm.s32 $_scs_section_size  }
0x9a: {  	s5 =	simm.s32 $_size__tile_overlayer_lowered;
	s6 =	simm.s32 $_tile_overlayer_lowered  }
0x9b: {  	s22 =	simm.s32 $0x1BFF;
	s21 =	sshll.u32 s6, $0x1;
	s3 =	sadd.s32 s4, s19  }
0x9c: {  	s7 =	simm.s32 $0x0;
	s20 =	sshll.u32 s5, $0x1;
	s5 =	sadd.s32 s21, s3  }
0x9d: {  	[timem:s7], [sflag:s22] =	dma.local [hbm:s5], s20  }
0x9e: {  	_ =	swait.ge [sflag:s22], s20  }
0x9f: {  	s4 =	ssub.s32 $0x0, s20;
	[sflag:s22] =	ssyncset.done $0x0  }
0xa0: {  	[sflag:s22] =	ssyncadd.s32 s4;
	_ =	sdelay $0x1  }
0xa1: {  	s23 =	simm.s32 $0x1B8B  }
0xa2: {  	_ =	swait.ge [sflag:s23], $0x1  }
0xa3: {  	[sflag:s23] =	ssyncset.done $0x0  }
0xa4: {  	s25 =	simm.s32 $0x1B8E;
	s24 =	sld [smem:$0x3FFE];
	[sflag:s23] =	ssyncadd.s32 $0xFFFFFFFF  }
0xa5: {  	s26 =	simm.s32 $execute0_lowered;
	[smem:$0x3FD2] =	sst s25  }
0xa6: {  	s5 =	sshll.u32 s26, $0x1;
	_ =	strace $0x80000049;
	[dreg:$0x1] =	wrdreg $0xFFFFFFFF  }
0xa7: {  	s28 =	simm.s32 $_size_execute0_lowered;
	s3 =	sadd.s32 s3, s5;
	[dreg:$0x0] =	wrdreg $0x0  }
0xa8: {  	s5 =	sshll.u32 s28, $0x1;
	[dreg:$0x2] =	wrdreg s3  }
0xa9: {  	[dreg:$0x3] =	wrdreg s5  }
0xaa: {  	[dreg:$0x4] =	wrdreg $0xC0  }
0xab: {  	_ =	task [dreg:s7], $0x5FFFF  }
0xac: {  	[dreg:$0x1] =	wrdreg $0xFFFFFFFF  }
0xad: {  	[dreg:$0x0] =	wrdreg $0x60  }
0xae: {  	[dreg:$0x2] =	wrdreg s2  }
0xaf: {  	[dreg:$0x3] =	wrdreg s24  }
0xb0: {  	[dreg:$0x4] =	wrdreg $0xA8000  }
0xb1: {  	[dreg:$0x5] =	wrdreg $0x9  }
0xb2: {  	_ =	task.clear_ibuf [dreg:s7], $0x6FFFF;
	_ =	strace $0x90000049  }
0xb3: {  	s29 =	simm.s32 $0x9;
	_ =	strace $0x8000004B  }
0xb4: {  	_ =	swait.ge [sflag:s29], $0x1  }
0xb5: {  	[sflag:s29] =	ssyncadd.s32 $0xFFFFFFFF  }
0xb6: {  	_ =	strace $0x9000004B  }
0xb7: {  	_ =	sfence  }
0xb8: {  	s30 =	sld [smem:$0x0];
	_ =	sdelay $0x2  }
0xb9: {  	s31 =	sshll.u32 s1, $0xD;
	s1 =	sshrl.u32 s1, $0x2  }
0xba: {  	s3 =	sand.u32 $0x4000, s31;
	s1 =	sadd.s32 s1, s30  }
0xbb: {  	s0 =	sor.u32 s3, s0;
	s1 =	sshll.u32 s1, $0x11  }
0xbc: {  	s0 =	sor.u32 s1, s0  }
0xbd: {  	s0 =	sadd.s32 $0x8F2B, s0  }
0xbe: {  	[sflag:s0] =	ssyncadd.remote.s32 $0x1  }
0xbf: {  	_ =	sfence.sel $0xFFFF  }
0xc0: {  	[dreg:$0x0] =	wrdreg $0xFFFFFFFF;
	(pc) =	sbr.abs _section_cstart, $3  }
0xc1: {  	[dreg:$0x1] =	wrdreg $0xFFFFFFFF  }
0xc2: {  	_ =	task.clear_ibuf [dreg:s7], $0x2FFFF;
	_ =	strace $0x9FFFFFFF  }
0xc3: {  	(tm) =	ssettm $0x7FFFFFFF  }
tec
execute0_lowered:
.L_overlay_start_1:
0x0: {  	(tag) =	ssettag $0x1  }
0x1: {  	s1 =	rddreg [dreg:$0x0]  }
0x2: {  	s0 =	rddreg [dreg:$0x1]  }
0x3: {  	s2 =	rddreg [dreg:$0x2];
	s4 =	simm.s32 $0x0  }
0x4: {  	s3 =	srdreg.scid;
	s14 =	stileid.u32;
	s17 =	simm.s32 $0x44400  }
0x5: {  	s18 =	simm.s32 $0x2800;
	s19 =	simm.s32 $0x3;
	s20 =	simm.s32 $0x1400  }
0x6: {  	s21 =	simm.s32 $0x80;
	s22 =	simm.s32 $0x6800;
	s23 =	simm.s32 $0x1  }
0x7: {  	s24 =	simm.s32 $0x2;
	s25 =	simm.s32 $0x0;
	s26 =	simm.s32 $0x0  }
0x8: {  	[smem:$0x7FF] =	sst s4;
	s3 =	sand.u32 $0x1, s3;
	s8 =	smul.u32 $0x50000, s14  }
0x9: {  	s5 =	sadd.s32 $0x8400, s0;
	s6 =	sadd.s32 $0x12400, s0;
	s29 =	smul.u32 $0x2800, s14  }
0xa: {  	_ =	strace $0x8000004A;
	s7 =	sshll.u32 s3, $0x4;
	s9 =	ssub.s32 $0x2, s3  }
0xb: {  	p0 =	seq.s32 s3, $0x1;
	s11 =	sor.u32 s14, s7;
	s10 =	sshrl.u32 s9, $0x1  }
0xc: {  	s12 =	sshrl.u32 s8, $0x2;
	s8 =	sadd.s32 $0xEEAC00, s0;
	s7 =	smul.u32 $0x2800, s11  }
.Ltmp0:
0xd: {  	s17 =	simm.s32 @!p0 $0x1C400;
	s13 =	ssub.s32 s9, s10;
	(pc) =	sbr.rel .LBB2_1-.Ltmp0, $4  }
0xe: {  	s9 =	sadd.s32 s12, s2;
	s11 =	smul.u32 $0x140000, s11;
	s0 =	sadd.s32 s17, s0  }
0xf: {  	s30 =	smax.u32 s13, $0x1;
	s31 =	sadd.s32 $0x4000, s9;
	s14 =	sadd.s32 $0x8000, s9  }
0x10: {  	s15 =	sadd.s32 $0xC000, s9;
	s16 =	sadd.s32 $0x10000, s9;
	[dreg:$0x4] =	wrdreg s30  }
0x11: {  	v0 =	vimm.f32 $0.0e+00;
	s17 =	sadd.s32 s0, s29;
	s10 =	sor.u32 $0x80, s7;
	[dreg:$0x5] =	wrdreg s31  }
.LBB2_12:
0x12: {  	s0 =	stileid.u32  }
0x13: {  	s0 =	sshll.u32 s0, $0x6  }
0x14: {  	[bflag:$0x0] =	sbarrier.arrive $0xFFFF;
	s3 =	sshrl.u32 s9, $0x3;
	s0 =	sor.u32 $0x1C03, s0  }
0x15: {  	[hbm:s17], [sflag:s0] =	dma.local [spmem:s3], $0x2800  }
0x16: {  	_ =	swait.ge [sflag:s19], $0x2800  }
0x17: {  	s25 =	sadd.s32 $0x1, s25;
	s31 =	rddreg [dreg:$0x4]  }
0x18: {  	p0 =	sne.s32 s25, s31  }
.Ltmp1:
0x19: {  	_ = 	snop;
	(pc) =	sbr.rel @!p0 .LBB2_13-.Ltmp1, $3  }
0x1a: {  	_ =	sdelay $0x1  }
0x1b: {  	[sflag:s19] =	ssyncset.done $0x0  }
0x1c: {  	[sflag:s19] =	ssyncadd.s32 $0xFFFFD800  }
.LBB2_1:
0x1d: {  	s0 =	simm.s32 $0x0;
	s3 =	simm.s32 $0x200  }
.LBB2_2:
0x1e: {  	p0 =	sne.s32 s3, $0xFE00;
	[tilespmem:s0+$0x2870] =	vst v0  }
0x1f: {  	[tilespmem:s0+$0x2800] =	vst v0  }
0x20: {  	[tilespmem:s0+$0x2810] =	vst v0  }
.Ltmp2:
0x21: {  	[tilespmem:s0+$0x2820] =	vst v0;
	(pc) =	sbr.rel @p0 .LBB2_2-.Ltmp2, $4  }
0x22: {  	[tilespmem:s0+$0x2830] =	vst v0  }
0x23: {  	[tilespmem:s0+$0x2840] =	vst v0  }
0x24: {  	[tilespmem:s0+$0x2850] =	vst v0  }
0x25: {  	[tilespmem:s0+$0x2860] =	vst v0;
	s0 =	sshra.s32 s3, $0x2;
	s3 =	sadd.s32 $0x200, s3  }
0x26: {  	[tilespmem:s0+$0x2870] =	vst v0  }
0x27: {  	[tilespmem:s0+$0x2800] =	vst v0  }
0x28: {  	[tilespmem:s0+$0x2810] =	vst v0  }
0x29: {  	[tilespmem:s0+$0x2820] =	vst v0  }
0x2a: {  	[tilespmem:s0+$0x2830] =	vst v0  }
0x2b: {  	[tilespmem:s0+$0x2840] =	vst v0  }
0x2c: {  	[tilespmem:s0+$0x2850] =	vst v0  }
0x2d: {  	[tilespmem:s0+$0x2860] =	vst v0  }
0x2e: {  	[spmem:s9] =	stream.linear.scatter [tilespmem:s18], [sflag:$0x3], $0x4000, $0x38;
	[tilespmem:$0x1E800] =	vst v63  }
0x2f: {  	_ =	swait.ge [sflag:s19], $0x4000  }
0x30: {  	[sflag:s19] =	ssyncset.done $0x0  }
0x31: {  	s31 =	rddreg [dreg:$0x5];
	[sflag:s19] =	ssyncadd.s32 $0xFFFFC000  }
0x32: {  	[spmem:s31] =	stream.linear.scatter [tilespmem:s18], [sflag:$0x3], $0x4000, $0x38;
	[tilespmem:$0x1E800] =	vst v63  }
0x33: {  	_ =	swait.ge [sflag:s19], $0x4000  }
0x34: {  	[sflag:s19] =	ssyncset.done $0x0  }
0x35: {  	[sflag:s19] =	ssyncadd.s32 $0xFFFFC000  }
0x36: {  	[spmem:s14] =	stream.linear.scatter [tilespmem:s18], [sflag:$0x3], $0x4000, $0x38;
	[tilespmem:$0x1E800] =	vst v63  }
0x37: {  	_ =	swait.ge [sflag:s19], $0x4000  }
0x38: {  	[sflag:s19] =	ssyncset.done $0x0  }
0x39: {  	[sflag:s19] =	ssyncadd.s32 $0xFFFFC000  }
0x3a: {  	[spmem:s15] =	stream.linear.scatter [tilespmem:s18], [sflag:$0x3], $0x4000, $0x38;
	[tilespmem:$0x1E800] =	vst v63  }
0x3b: {  	_ =	swait.ge [sflag:s19], $0x4000  }
0x3c: {  	[sflag:s19] =	ssyncset.done $0x0  }
0x3d: {  	[sflag:s19] =	ssyncadd.s32 $0xFFFFC000  }
0x3e: {  	[spmem:s16] =	stream.linear.scatter [tilespmem:s18], [sflag:$0x3], $0x4000, $0x38;
	[tilespmem:$0x1E800] =	vst v63  }
.Ltmp3:
0x3f: {  	_ =	swait.ge [sflag:s19], $0x4000;
	(pc) =	sbr.rel .LBB2_4-.Ltmp3, $4  }
0x40: {  	[sflag:s19] =	ssyncset.done $0x0  }
0x41: {  	[sflag:s19] =	ssyncadd.s32 $0xFFFFC000  }
0x42: {  	[bflag:$0x0] =	sbarrier.arrive $0xFFFF  }
0x43: {  	p1 =	por $0x1, $0x1;
	s0 =	simm.s32 $0x0  }
.LBB2_11:
.Ltmp4:
0x44: {  	(pc) =	sbr.rel @!p0 .LBB2_12-.Ltmp4, $2  }
0x45: {  	_ =	sdelay $0x2  }
0x46: {  	s0 =	simm.s32 $0x1;
	p1 =	por $0x0, $0x0  }
.LBB2_4:
0x47: {  	s3 =	smul.u32 $0x1400, s0;
	_ =	sdelay $0x1  }
0x48: {  	s28 =	sadd.s32 s7, s3  }
0x49: {  	s29 =	sshrl.u32 s28, $0x3  }
0x4a: {  	s30 =	sadd.s32 s5, s29  }
0x4b: {  	[tilespmem:s26], [sflag:$0x3] =	stream.linear.gather [hbm4b:s30+s26], $0x1400, $0x38;
	[tilespmem:$0x1E800] =	vst v63  }
0x4c: {  	_ =	swait.ge [sflag:s19], $0x1400  }
0x4d: {  	[sflag:s19] =	ssyncset.done $0x0  }
0x4e: {  	s29 =	sadd.s32 s6, s29;
	[sflag:s19] =	ssyncadd.s32 $0xFFFFEC00  }
0x4f: {  	[tilespmem:s20], [sflag:$0x3] =	stream.linear.gather [hbm4b:s29+s26], $0x1400, $0x38;
	[tilespmem:$0x1E800] =	vst v63  }
0x50: {  	_ =	swait.ge [sflag:s19], $0x1400  }
0x51: {  	s28 =	sshll.u32 s28, $0x4;
	[sflag:s19] =	ssyncset.done $0x0  }
0x52: {  	s28 =	sadd.s32 s8, s28;
	[sflag:s19] =	ssyncadd.s32 $0xFFFFEC00  }
0x53: {  	[tilespmem:s18], [sflag:$0x3] =	stream.linear.gather [hbm4b:s28+s26], $0x4000, $0x38;
	[tilespmem:$0x1E800] =	vst v63  }
0x54: {  	_ =	swait.ge [sflag:s19], $0x4000  }
0x55: {  	s3 =	sadd.s32 s3, s10;
	[sflag:s19] =	ssyncset.done $0x0  }
0x56: {  	s3 =	sshll.u32 s3, $0x4;
	[sflag:s19] =	ssyncadd.s32 $0xFFFFC000  }
0x57: {  	[tilespmem:s18], [sflag:$0x1] =	stream.indirect.gather.add.f32 [hbm:s1], $0x80, s26, s21, $0xb8;
	[tilespmem:$0x1E800] =	vst v63  }
0x58: {  	s3 =	sadd.s32 s8, s3  }
0x59: {  	[tilespmem:s22], [sflag:$0x3] =	stream.linear.gather [hbm4b:s3+s26], $0x4000, $0x38;
	[tilespmem:$0x1E800] =	vst v63  }
0x5a: {  	_ =	swait.ge [sflag:s19], $0x4000  }
0x5b: {  	p0 =	por p1, p1;
	[sflag:s19] =	ssyncset.done $0x0  }
0x5c: {  	s29 =	simm.s32 $0x0;
	s28 =	smul.u32 $0x28, s0;
	[sflag:s19] =	ssyncadd.s32 $0xFFFFC000  }
0x5d: {  	[tilespmem:s22], [sflag:$0x2] =	stream.indirect.gather.add.f32 [hbm:s1], $0x80, s21, s21, $0xb8;
	[tilespmem:$0x1E800] =	vst v63  }
.LBB2_5:
0x5e: {  	_ =	swait.ge [sflag:s23], $0x4000  }
0x5f: {  	[sflag:s23] =	ssyncset.done $0x0  }
0x60: {  	s30 =	simm.s32 $0x0;
	[sflag:s23] =	ssyncadd.s32 $0xFFFFC000  }
0x61: {  	v3 =	vld [tilespmem:s30+$0x2800]  }
0x62: {  	v5 =	vld [tilespmem:s30+$0x2810]  }
0x63: {  	v4 =	vld [tilespmem:s30+$0x2820]  }
0x64: {  	v2 =	vld [tilespmem:s30+$0x2830]  }
0x65: {  	v1 =	vld [tilespmem:s30+$0x2840]  }
0x66: {  	v6 =	vmax.f32 v3, $0.0e+00;
	v3 =	vld [tilespmem:s30+$0x2850]  }
0x67: {  	s0 =	simm.s32 $0x200;
	[tilespmem:s30+$0x2800] =	vst v6;
	v6 =	vmax.f32 v5, $0.0e+00;
	v5 =	vld [tilespmem:s30+$0x2860]  }
.LBB2_6:
0x68: {  	s3 =	sshra.s32 s0, $0x2;
	p1 =	sne.s32 s0, $0xFE00;
	[tilespmem:s30+$0x2810] =	vst v6;
	v4 =	vmax.f32 v4, $0.0e+00;
	v6 =	vld [tilespmem:s30+$0x2870]  }
0x69: {  	v7 =	vld [tilespmem:s3+$0x2800];
	[tilespmem:s30+$0x2820] =	vst v4;
	v2 =	vmax.f32 v2, $0.0e+00  }
0x6a: {  	v8 =	vld [tilespmem:s3+$0x2810];
	[tilespmem:s30+$0x2830] =	vst v2;
	v1 =	vmax.f32 v1, $0.0e+00  }
.Ltmp5:
0x6b: {  	v4 =	vld [tilespmem:s3+$0x2820];
	[tilespmem:s30+$0x2840] =	vst v1;
	v1 =	vmax.f32 v3, $0.0e+00;
	(pc) =	sbr.rel @p1 .LBB2_6-.Ltmp5, $4  }
0x6c: {  	v2 =	vld [tilespmem:s3+$0x2830];
	[tilespmem:s30+$0x2850] =	vst v1;
	v3 =	vmax.f32 v5, $0.0e+00  }
0x6d: {  	v1 =	vld [tilespmem:s3+$0x2840];
	[tilespmem:s30+$0x2860] =	vst v3;
	v5 =	vmax.f32 v6, $0.0e+00  }
0x6e: {  	v6 =	vmax.f32 v7, $0.0e+00;
	v3 =	vld [tilespmem:s3+$0x2850];
	[tilespmem:s30+$0x2870] =	vst v5;
	s30 =	smov.u32 s3  }
0x6f: {  	s0 =	sadd.s32 $0x200, s0;
	[tilespmem:s30+$0x2800] =	vst v6;
	v6 =	vmax.f32 v8, $0.0e+00;
	v5 =	vld [tilespmem:s30+$0x2860]  }
0x70: {  	[tilespmem:s30+$0x2810] =	vst v6;
	v4 =	vmax.f32 v4, $0.0e+00;
	v6 =	vld [tilespmem:s30+$0x2870]  }
0x71: {  	[tilespmem:s30+$0x2820] =	vst v4;
	v2 =	vmax.f32 v2, $0.0e+00  }
0x72: {  	[tilespmem:s30+$0x2830] =	vst v2;
	v1 =	vmax.f32 v1, $0.0e+00  }
0x73: {  	[tilespmem:s30+$0x2840] =	vst v1;
	v1 =	vmax.f32 v3, $0.0e+00  }
0x74: {  	s0 =	sshll.u32 s29, $0x8;
	[tilespmem:s30+$0x2850] =	vst v1;
	v1 =	vmax.f32 v5, $0.0e+00  }
0x75: {  	s31 =	sand.u32 $0x3FFFFF00, s0;
	[tilespmem:s30+$0x2860] =	vst v1;
	v1 =	vmax.f32 v6, $0.0e+00  }
0x76: {  	p1 =	seq.s32 s29, $0x13;
	s0 =	sadd.s32 $0x1400, s31;
	[tilespmem:s30+$0x2870] =	vst v1;
	s30 =	sshll.u32 s29, $0x1  }
0x77: {  	[spmem:s2] =	stream.indirect.scatter.add.f32 [tilespmem:s18], [sflag:$0x3], $0x80, s0, s21, $0xb8;
	[tilespmem:$0x1E800] =	vst v63  }
0x78: {  	s0 =	sadd.s32 @!p1 $0x2, s30  }
0x79: {  	s3 =	sadd.s32 @!p1 s28, s0  }
0x7a: {  	s3 =	sshll.u32 @!p1 s3, $0xE  }
0x7b: {  	_ =	swait.ge [sflag:s19], $0x4000;
	s3 =	sadd.s32 @!p1 s11, s3  }
0x7c: {  	s12 =	simm.s32 @!p1 $0x0;
	[sflag:s19] =	ssyncset.done $0x0;
	s3 =	sshrl.u32 @!p1 s3, $0x3  }
0x7d: {  	s13 =	simm.s32 @!p1 $0x2800;
	[sflag:s19] =	ssyncadd.s32 $0xFFFFC000;
	s3 =	sadd.s32 @!p1 s8, s3  }
0x7e: {  	[tilespmem:s13], [sflag:$0x3] =	stream.linear.gather @!p1 [hbm4b:s3+s12], $0x4000, $0x38;
	[tilespmem:$0x1E800] =	vst v63  }
0x7f: {  	s3 =	simm.s32 @!p1 $0x3  }
0x80: {  	_ =	swait.ge @!p1 [sflag:s3], $0x4000  }
0x81: {  	s0 =	sshll.u32 @!p1 s0, $0x7;
	[sflag:s3] =	ssyncset.done @!p1 $0x0  }
0x82: {  	s0 =	sand.u32 @!p1 $0x3FFFFF80, s0;
	[sflag:s3] =	ssyncadd.s32 @!p1 $0xFFFFC000;
	s3 =	simm.s32 @!p1 $0x80  }
0x83: {  	[tilespmem:s13], [sflag:$0x1] =	stream.indirect.gather.add.f32 @!p1 [hbm:s1], $0x80, s0, s3, $0xb8;
	[tilespmem:$0x1E800] =	vst v63  }
0x84: {  	_ =	swait.ge [sflag:s24], $0x4000  }
0x85: {  	[sflag:s24] =	ssyncset.done $0x0  }
0x86: {  	s0 =	simm.s32 $0x0;
	[sflag:s24] =	ssyncadd.s32 $0xFFFFC000  }
0x87: {  	v3 =	vld [tilespmem:s0+$0x6800]  }
0x88: {  	v5 =	vld [tilespmem:s0+$0x6810]  }
0x89: {  	v4 =	vld [tilespmem:s0+$0x6820]  }
0x8a: {  	v2 =	vld [tilespmem:s0+$0x6830]  }
0x8b: {  	v1 =	vld [tilespmem:s0+$0x6840]  }
0x8c: {  	v6 =	vmax.f32 v3, $0.0e+00;
	v3 =	vld [tilespmem:s0+$0x6850]  }
0x8d: {  	s3 =	simm.s32 $0x200;
	[tilespmem:s0+$0x6800] =	vst v6;
	v6 =	vmax.f32 v5, $0.0e+00;
	v5 =	vld [tilespmem:s0+$0x6860]  }
.LBB2_8:
0x8e: {  	s12 =	sshra.s32 s3, $0x2;
	p2 =	sne.s32 s3, $0xFE00;
	[tilespmem:s0+$0x6810] =	vst v6;
	v4 =	vmax.f32 v4, $0.0e+00;
	v6 =	vld [tilespmem:s0+$0x6870]  }
0x8f: {  	v7 =	vld [tilespmem:s12+$0x6800];
	[tilespmem:s0+$0x6820] =	vst v4;
	v2 =	vmax.f32 v2, $0.0e+00  }
0x90: {  	v8 =	vld [tilespmem:s12+$0x6810];
	[tilespmem:s0+$0x6830] =	vst v2;
	v1 =	vmax.f32 v1, $0.0e+00  }
.Ltmp6:
0x91: {  	v4 =	vld [tilespmem:s12+$0x6820];
	[tilespmem:s0+$0x6840] =	vst v1;
	v1 =	vmax.f32 v3, $0.0e+00;
	(pc) =	sbr.rel @p2 .LBB2_8-.Ltmp6, $4  }
0x92: {  	v2 =	vld [tilespmem:s12+$0x6830];
	[tilespmem:s0+$0x6850] =	vst v1;
	v3 =	vmax.f32 v5, $0.0e+00  }
0x93: {  	v1 =	vld [tilespmem:s12+$0x6840];
	[tilespmem:s0+$0x6860] =	vst v3;
	v5 =	vmax.f32 v6, $0.0e+00  }
0x94: {  	v6 =	vmax.f32 v7, $0.0e+00;
	v3 =	vld [tilespmem:s12+$0x6850];
	[tilespmem:s0+$0x6870] =	vst v5;
	s0 =	smov.u32 s12  }
0x95: {  	s3 =	sadd.s32 $0x200, s3;
	[tilespmem:s0+$0x6800] =	vst v6;
	v6 =	vmax.f32 v8, $0.0e+00;
	v5 =	vld [tilespmem:s0+$0x6860]  }
0x96: {  	[tilespmem:s0+$0x6810] =	vst v6;
	v4 =	vmax.f32 v4, $0.0e+00;
	v63 =	vld [tilespmem:s0+$0x6870]  }
0x97: {  	[tilespmem:s0+$0x6820] =	vst v4;
	v2 =	vmax.f32 v2, $0.0e+00  }
0x98: {  	[tilespmem:s0+$0x6830] =	vst v2;
	v1 =	vmax.f32 v1, $0.0e+00  }
0x99: {  	[tilespmem:s0+$0x6840] =	vst v1;
	v1 =	vmax.f32 v3, $0.0e+00  }
0x9a: {  	[tilespmem:s0+$0x6850] =	vst v1;
	v1 =	vmax.f32 v5, $0.0e+00  }
0x9b: {  	[tilespmem:s0+$0x6860] =	vst v1;
	v1 =	vmax.f32 v63, $0.0e+00  }
.Ltmp7:
0x9c: {  	s31 =	sadd.s32 $0x1480, s31;
	[tilespmem:s0+$0x6870] =	vst v1;
	(pc) =	sbr.rel @p1 .LBB2_11-.Ltmp7, $4  }
0x9d: {  	[spmem:s2] =	stream.indirect.scatter.add.f32 [tilespmem:s22], [sflag:$0x3], $0x80, s31, s21, $0xb8;
	[tilespmem:$0x1E800] =	vst v63  }
0x9e: {  	_ =	swait.ge [sflag:s19], $0x4000  }
0x9f: {  	[sflag:s19] =	ssyncset.done $0x0  }
0xa0: {  	[sflag:s19] =	ssyncadd.s32 $0xFFFFC000  }
0xa1: {  	s0 =	sadd.s32 $0x3, s30  }
0xa2: {  	s3 =	sadd.s32 s28, s0  }
0xa3: {  	s3 =	sshll.u32 s3, $0xE  }
0xa4: {  	s3 =	sadd.s32 s11, s3  }
0xa5: {  	s3 =	sshrl.u32 s3, $0x3  }
0xa6: {  	s3 =	sadd.s32 s8, s3  }
0xa7: {  	[tilespmem:s22], [sflag:$0x3] =	stream.linear.gather [hbm4b:s3+s4], $0x4000, $0x38;
	[tilespmem:$0x1E800] =	vst v63  }
.Ltmp8:
0xa8: {  	_ = 	snop;
	(pc) =	sbr.rel .LBB2_5-.Ltmp8, $4  }
0xa9: {  	_ =	swait.ge [sflag:s19], $0x4000  }
0xaa: {  	s0 =	sshll.u32 s0, $0x7;
	[sflag:s19] =	ssyncset.done $0x0  }
0xab: {  	s29 =	sadd.s32 $0x1, s29;
	s0 =	sand.u32 $0x3FFFFF80, s0;
	[sflag:s19] =	ssyncadd.s32 $0xFFFFC000  }
0xac: {  	[tilespmem:s22], [sflag:$0x2] =	stream.indirect.gather.add.f32 [hbm:s1], $0x80, s0, s21, $0xb8;
	[tilespmem:$0x1E800] =	vst v63  }
.LBB2_13:
0xad: {  	_ =	sfence.sel $0x180000  }
0xae: {  	[bflag:$0x0] =	sbarrier.arrive $0xFFFF  }
0xaf: {  	_ =	strace $0x9000004A  }
0xb0: {  	s0 =	stileid.u32;
	[bflag:$0x2] =	sbarrier.arrive $0xFFFF  }
0xb1: {  	p0 =	sne.s32 s0, $0x0;
	s0 =	rddreg [dreg:$0x3]  }
0xb2: {  	s0 =	sadd.s32 @!p0 $0x100000, s0  }
0xb3: {  	[sflag:s0] =	ssyncadd.tile.s32 @!p0 $0x1;
	_ =	shalt  }
.Lfunc_end2:
_tile_overlayer_lowered:
.L_overlay_start_2:
0xb4: {  	(tag) =	ssettag $0x2  }
0xb5: {  	s0 =	rddreg [dreg:$0x0];
	s2 =	stileid.u32  }
0xb6: {  	s1 =	rddreg [dreg:$0x1];
	p0 =	sne.s32 s2, $0x0  }
0xb7: {  	s3 =	rddreg [dreg:$0x2];
	[bflag:$0x3] =	sbarrier.arrive $0xFFFF;
	s2 =	simm.s32 @!p0 $0x1C03  }
0xb8: {  	[timem:s3], [sflag:s2] =	dma.local @!p0 [hbm:s0], s1  }
0xb9: {  	s0 =	simm.s32 @!p0 $0x3  }
0xba: {  	_ =	swait.ge @!p0 [sflag:s0], s1  }
0xbb: {  	s1 =	ssub.s32 @!p0 $0x0, s1;
	[sflag:s0] =	ssyncset.done @!p0 $0x0  }
0xbc: {  	[sflag:s0] =	ssyncadd.s32 @!p0 s1  }
0xbd: {  	[bflag:$0x3] =	sbarrier.arrive $0xFFFF  }
0xbe: {  	_ =	shalt  }

// kernel: kernel.24.cloned.1.call-start
scs
__scs_entry_jumppad:
0x0: {  	(pc) =	sbr.rel $0x88, $3  }
0x1: {  	(tag) =	ssettag $0x0;
	lr =	simm.s32 $0x1  }
0x2: {  	[smem:$0x3F93] =	sst lr;
	_ =	strace $0xD0000000  }
0x3: {  	_ = 	snop  }
0x4: {  	_ = 	snop  }
0x5: {  	_ = 	snop  }
0x6: {  	_ = 	snop  }
0x7: {  	_ = 	snop  }
__scs_overlays_trampoline_lowered:
0x8: {  	[smem:$0x3FA2] =	sst s0  }
0x9: {  	[smem:$0x3FA3] =	sst s1  }
0xa: {  	[smem:$0x3FA4] =	sst s2  }
0xb: {  	[smem:$0x3FA5] =	sst s3  }
0xc: {  	[smem:$0x3FA6] =	sst s4  }
0xd: {  	[smem:$0x3FA7] =	sst s5  }
0xe: {  	[smem:$0x3FA8] =	sst s6  }
0xf: {  	[smem:$0x3FA9] =	sst s7  }
0x10: {  	[smem:$0x3FAA] =	sst s8  }
0x11: {  	[smem:$0x3FAB] =	sst s9;
	s0 =	simm.s32 @!p0 $0x0  }
0x12: {  	s1 =	sld [smem:$0x3F91];
	s0 =	simm.s32 @p0 $0x1  }
0x13: {  	[smem:$0x3FAC] =	sst s0;
	s0 =	simm.s32 @!p1 $0x0  }
0x14: {  	s2 =	sld [smem:$0x3F90];
	s0 =	simm.s32 @p1 $0x1  }
0x15: {  	[smem:$0x3FAD] =	sst s0;
	s0 =	simm.s32 @!p2 $0x0  }
0x16: {  	s3 =	sld [smem:$0x3FDB];
	s0 =	simm.s32 @p2 $0x1  }
0x17: {  	s4 =	simm.s32 $0x1BF5;
	[smem:$0x3FAF] =	sst s0  }
0x18: {  	s0 =	sld [smem:$0x3F92];
	_ =	swait.ge [sflag:s4], $0x0  }
0x19: {  	s7 =	sld [smem:$0x3F93]  }
0x1a: {  	s8 =	sadd.s32 $0xFFFFE003, lr  }
0x1b: {  	s9 =	sadd.s32 $0xFFFFFEF7, lr;
	s5 =	simm.s32 $0xFFFFFFFF;
	p2 =	slt.u32 s8, $0xFFFFF086  }
0x1c: {  	p1 =	slt.u32 s9, $0xF7A;
	s5 =	simm.s32 @!p2 $0x0  }
0x1d: {  	s5 =	simm.s32 @p1 $0x1;
	p0 =	seq.s32 s7, s2  }
0x1e: {  	s7 =	smul.u32 @!p0 $0xF7A, s2;
	p2 =	seq.s32 @!p0 s5, $0x0  }
0x1f: {  	s9 =	smul.u32 $0xF7A, s1;
	s8 =	simm.s32 @!p0 $0x1BF5;
	p2 =	por !p2, p0  }
0x20: {  	[sflag:s8] =	ssyncset.s32 @!p0 $0xFFFFF086;
	s6 =	sadd.s32 @!p0 s3, s7;
	s7 =	simm.s32 @!p0 $0x108  }
0x21: {  	s3 =	sadd.s32 s3, s9;
	s6 =	sadd.s32 @!p0 $0x88, s6;
	s7 =	simm.s32 @p2 $0x1082  }
0x22: {  	[simem:s7], [sflag:s8] =	dma.local @!p0 [hbm:s6], $0xF7A  }
0x23: {  	s9 =	sor.u32 $0xD0000000, s2;
	s6 =	simm.s32 $0x108;
	_ =	swait.ge @!p0 [sflag:s8], $0x0  }
0x24: {  	s3 =	sadd.s32 $0x88, s3;
	s6 =	simm.s32 @!p1 $0x1082;
	[sflag:s4] =	ssyncset.s32 $0xFFFFF086  }
0x25: {  	[simem:s6], [sflag:s4] =	dma.local [hbm:s3], $0xF7A  }
0x26: {  	[smem:$0x3F93] =	sst s1;
	(tag) =	ssettag s2;
	_ =	strace s9  }
0x27: {  	s1 =	sld [smem:$0x3FA3]  }
0x28: {  	s2 =	sld [smem:$0x3FA4]  }
0x29: {  	s4 =	sld [smem:$0x3FA6]  }
0x2a: {  	p0 =	seq.s32 s5, $0x0;
	s5 =	sld [smem:$0x3FA7]  }
0x2b: {  	s6 =	sld [smem:$0x3FA8]  }
0x2c: {  	s7 =	sld [smem:$0x3FA9]  }
0x2d: {  	s3 =	simm.s32 $0x108;
	s8 =	sld [smem:$0x3FAA]  }
0x2e: {  	s3 =	simm.s32 @!p0 $0x1082;
	s9 =	sld [smem:$0x3FAB]  }
0x2f: {  	lr =	sadd.s32 s0, s3;
	s0 =	sld [smem:$0x3FA2]  }
0x30: {  	s3 =	sld [smem:$0x3FA5]  }
0x31: {  	[smem:$0x3FAE] =	sst s10  }
0x32: {  	s10 =	sld [smem:$0x3FAC];
	_ =	sdelay $0x3  }
0x33: {  	p0 =	seq.s32 s10, $0x1;
	s10 =	sld [smem:$0x3FAE];
	_ =	sdelay $0x3  }
0x34: {  	[smem:$0x3FAE] =	sst s10  }
0x35: {  	s10 =	sld [smem:$0x3FAD];
	_ =	sdelay $0x3  }
0x36: {  	p1 =	seq.s32 s10, $0x1;
	s10 =	sld [smem:$0x3FAE];
	_ =	sdelay $0x3  }
0x37: {  	[smem:$0x3FAE] =	sst s10  }
0x38: {  	s10 =	sld [smem:$0x3FAF]  }
0x39: {  	_ = 	snop;
	(pc) =	sbr.ind lr, $3  }
0x3a: {  	_ = 	snop  }
0x3b: {  	_ = 	snop  }
0x3c: {  	p2 =	seq.s32 s10, $0x1;
	s10 =	sld [smem:$0x3FAE]  }
0x3d: {  	_ =	shalt  }
0x3e: {  	_ =	shalt  }
0x3f: {  	_ =	shalt  }
0x40: {  	_ =	shalt  }
0x41: {  	_ =	shalt  }
0x42: {  	_ =	shalt  }
0x43: {  	_ =	shalt  }
0x44: {  	_ =	shalt  }
0x45: {  	_ =	shalt  }
0x46: {  	_ =	shalt  }
0x47: {  	_ =	shalt  }
0x48: {  	_ =	shalt  }
0x49: {  	_ =	shalt  }
0x4a: {  	_ =	shalt  }
0x4b: {  	_ =	shalt  }
0x4c: {  	_ =	shalt  }
0x4d: {  	_ =	shalt  }
0x4e: {  	_ =	shalt  }
0x4f: {  	_ =	shalt  }
0x50: {  	_ =	shalt  }
0x51: {  	_ =	shalt  }
0x52: {  	_ =	shalt  }
0x53: {  	_ =	shalt  }
0x54: {  	_ =	shalt  }
0x55: {  	_ =	shalt  }
0x56: {  	_ =	shalt  }
0x57: {  	_ =	shalt  }
0x58: {  	_ =	shalt  }
0x59: {  	_ =	shalt  }
0x5a: {  	_ =	shalt  }
0x5b: {  	_ =	shalt  }
0x5c: {  	_ =	shalt  }
0x5d: {  	_ =	shalt  }
0x5e: {  	_ =	shalt  }
0x5f: {  	_ =	shalt  }
0x60: {  	_ =	shalt  }
0x61: {  	_ =	shalt  }
0x62: {  	_ =	shalt  }
0x63: {  	_ =	shalt  }
0x64: {  	_ =	shalt  }
0x65: {  	_ =	shalt  }
0x66: {  	_ =	shalt  }
0x67: {  	_ =	shalt  }
0x68: {  	_ =	shalt  }
0x69: {  	_ =	shalt  }
0x6a: {  	_ =	shalt  }
0x6b: {  	_ =	shalt  }
0x6c: {  	_ =	shalt  }
0x6d: {  	_ =	shalt  }
0x6e: {  	_ =	shalt  }
0x6f: {  	_ =	shalt  }
0x70: {  	_ =	shalt  }
0x71: {  	_ =	shalt  }
0x72: {  	_ =	shalt  }
0x73: {  	_ =	shalt  }
0x74: {  	_ =	shalt  }
0x75: {  	_ =	shalt  }
0x76: {  	_ =	shalt  }
0x77: {  	_ =	shalt  }
0x78: {  	_ =	shalt  }
0x79: {  	_ =	shalt  }
0x7a: {  	_ =	shalt  }
0x7b: {  	_ =	shalt  }
0x7c: {  	_ =	shalt  }
0x7d: {  	_ =	shalt  }
0x7e: {  	_ =	shalt  }
0x7f: {  	_ =	shalt  }
0x80: {  	_ =	shalt  }
0x81: {  	_ =	shalt  }
0x82: {  	_ =	shalt  }
0x83: {  	_ =	shalt  }
0x84: {  	_ =	shalt  }
0x85: {  	_ =	shalt  }
0x86: {  	_ =	shalt  }
0x87: {  	_ =	shalt  }
.Lfunc_end0:
.L_simem_size_0:
called_computation.2_lowered:
.L_overlay_start_0:
0x88: {  	s2 =	sld [smem:$0x3FD9]  }
0x89: {  	s3 =	sld [smem:$0x3FFE];
	_ =	sdelay $0x1  }
0x8a: {  	s1 =	srdreg.scid  }
0x8b: {  	s0 =	sand.u32 $0x1, s1  }
0x8c: {  	s17 =	sshll.u32 s0, $0xA;
	s2 =	sadd.s32 s3, s2  }
0x8d: {  	s2 =	sadd.s32 s2, s17  }
0x8e: {  	[smem:$0x3FBA] =	sst s2  }
0x8f: {  	_ = 	snop  }
0x90: {  	s2 =	sld [smem:$0x3FD0];
	(tm) =	ssettm $0x1  }
0x91: {  	s18 =	sld [smem:$0x3FFB];
	_ =	sdelay $0x3  }
0x92: {  	_ =	strace s18  }
0x93: {  	s3 =	sld [smem:$0x3FFC];
	_ =	sdelay $0x3  }
0x94: {  	_ =	strace s3  }
0x95: {  	s3 =	sld [smem:$0x3FFD];
	_ =	sdelay $0x3  }
0x96: {  	_ =	strace s3  }
0x97: {  	_ =	strace $0x8FFFFFFF  }
0x98: {  	s19 =	sld [smem:$0x3FDB];
	_ =	sdelay $0x1  }
0x99: {  	s4 =	simm.s32 $_scs_section_size  }
0x9a: {  	s5 =	simm.s32 $_size__tile_overlayer_lowered;
	s6 =	simm.s32 $_tile_overlayer_lowered  }
0x9b: {  	s22 =	simm.s32 $0x1BFF;
	s21 =	sshll.u32 s6, $0x1;
	s3 =	sadd.s32 s4, s19  }
0x9c: {  	s7 =	simm.s32 $0x0;
	s20 =	sshll.u32 s5, $0x1;
	s5 =	sadd.s32 s21, s3  }
0x9d: {  	[timem:s7], [sflag:s22] =	dma.local [hbm:s5], s20  }
0x9e: {  	_ =	swait.ge [sflag:s22], s20  }
0x9f: {  	s4 =	ssub.s32 $0x0, s20;
	[sflag:s22] =	ssyncset.done $0x0  }
0xa0: {  	[sflag:s22] =	ssyncadd.s32 s4;
	_ =	sdelay $0x1  }
0xa1: {  	s23 =	simm.s32 $0x1B8B  }
0xa2: {  	_ =	swait.ge [sflag:s23], $0x1  }
0xa3: {  	[sflag:s23] =	ssyncset.done $0x0  }
0xa4: {  	s25 =	simm.s32 $0x1B8E;
	s24 =	sld [smem:$0x3FFE];
	[sflag:s23] =	ssyncadd.s32 $0xFFFFFFFF  }
0xa5: {  	s26 =	simm.s32 $execute0_lowered;
	[smem:$0x3FD2] =	sst s25  }
0xa6: {  	s5 =	sshll.u32 s26, $0x1;
	_ =	strace $0x8000004C;
	[dreg:$0x1] =	wrdreg $0xFFFFFFFF  }
0xa7: {  	s28 =	simm.s32 $_size_execute0_lowered;
	s3 =	sadd.s32 s3, s5;
	[dreg:$0x0] =	wrdreg $0x0  }
0xa8: {  	s5 =	sshll.u32 s28, $0x1;
	[dreg:$0x2] =	wrdreg s3  }
0xa9: {  	[dreg:$0x3] =	wrdreg s5  }
0xaa: {  	[dreg:$0x4] =	wrdreg $0xC0  }
0xab: {  	_ =	task [dreg:s7], $0x5FFFF  }
0xac: {  	[dreg:$0x1] =	wrdreg $0xFFFFFFFF  }
0xad: {  	[dreg:$0x0] =	wrdreg $0x60  }
0xae: {  	[dreg:$0x2] =	wrdreg s2  }
0xaf: {  	[dreg:$0x3] =	wrdreg s24  }
0xb0: {  	[dreg:$0x4] =	wrdreg $0xA8000  }
0xb1: {  	[dreg:$0x5] =	wrdreg $0x9  }
0xb2: {  	_ =	task.clear_ibuf [dreg:s7], $0x6FFFF;
	_ =	strace $0x9000004C  }
0xb3: {  	s29 =	simm.s32 $0x9;
	_ =	strace $0x8000004E  }
0xb4: {  	_ =	swait.ge [sflag:s29], $0x1  }
0xb5: {  	[sflag:s29] =	ssyncadd.s32 $0xFFFFFFFF  }
0xb6: {  	_ =	strace $0x9000004E  }
0xb7: {  	_ =	sfence  }
0xb8: {  	s30 =	sld [smem:$0x0];
	_ =	sdelay $0x2  }
0xb9: {  	s31 =	sshll.u32 s1, $0xD;
	s1 =	sshrl.u32 s1, $0x2  }
0xba: {  	s3 =	sand.u32 $0x4000, s31;
	s1 =	sadd.s32 s1, s30  }
0xbb: {  	s0 =	sor.u32 s3, s0;
	s1 =	sshll.u32 s1, $0x11  }
0xbc: {  	s0 =	sor.u32 s1, s0  }
0xbd: {  	s0 =	sadd.s32 $0x8F2B, s0  }
0xbe: {  	[sflag:s0] =	ssyncadd.remote.s32 $0x1  }
0xbf: {  	_ =	sfence.sel $0xFFFF  }
0xc0: {  	[dreg:$0x0] =	wrdreg $0xFFFFFFFF;
	(pc) =	sbr.abs _section_cstart, $3  }
0xc1: {  	[dreg:$0x1] =	wrdreg $0xFFFFFFFF  }
0xc2: {  	_ =	task.clear_ibuf [dreg:s7], $0x2FFFF;
	_ =	strace $0x9FFFFFFF  }
0xc3: {  	(tm) =	ssettm $0x7FFFFFFF  }
tec
execute0_lowered:
.L_overlay_start_1:
0x0: {  	(tag) =	ssettag $0x1  }
0x1: {  	s1 =	rddreg [dreg:$0x0]  }
0x2: {  	s0 =	rddreg [dreg:$0x1]  }
0x3: {  	s2 =	rddreg [dreg:$0x2];
	s4 =	simm.s32 $0x0  }
0x4: {  	s3 =	srdreg.scid;
	s14 =	stileid.u32;
	s17 =	simm.s32 $0x44400  }
0x5: {  	s18 =	simm.s32 $0x2800;
	s19 =	simm.s32 $0x3;
	s20 =	simm.s32 $0x1400  }
0x6: {  	s21 =	simm.s32 $0x80;
	s22 =	simm.s32 $0x6800;
	s23 =	simm.s32 $0x1  }
0x7: {  	s24 =	simm.s32 $0x2;
	s25 =	simm.s32 $0x0;
	s26 =	simm.s32 $0x0  }
0x8: {  	[smem:$0x7FF] =	sst s4;
	s3 =	sand.u32 $0x1, s3;
	s8 =	smul.u32 $0x50000, s14  }
0x9: {  	s5 =	sadd.s32 $0x8400, s0;
	s6 =	sadd.s32 $0x12400, s0;
	s29 =	smul.u32 $0x2800, s14  }
0xa: {  	_ =	strace $0x8000004D;
	s7 =	sshll.u32 s3, $0x4;
	s9 =	ssub.s32 $0x2, s3  }
0xb: {  	p0 =	seq.s32 s3, $0x1;
	s11 =	sor.u32 s14, s7;
	s10 =	sshrl.u32 s9, $0x1  }
0xc: {  	s12 =	sshrl.u32 s8, $0x2;
	s8 =	sadd.s32 $0x9EAC00, s0;
	s7 =	smul.u32 $0x2800, s11  }
.Ltmp0:
0xd: {  	s17 =	simm.s32 @!p0 $0x1C400;
	s13 =	ssub.s32 s9, s10;
	(pc) =	sbr.rel .LBB2_1-.Ltmp0, $4  }
0xe: {  	s9 =	sadd.s32 s12, s2;
	s11 =	smul.u32 $0x140000, s11;
	s0 =	sadd.s32 s17, s0  }
0xf: {  	s30 =	smax.u32 s13, $0x1;
	s31 =	sadd.s32 $0x4000, s9;
	s14 =	sadd.s32 $0x8000, s9  }
0x10: {  	s15 =	sadd.s32 $0xC000, s9;
	s16 =	sadd.s32 $0x10000, s9;
	[dreg:$0x4] =	wrdreg s30  }
0x11: {  	v0 =	vimm.f32 $0.0e+00;
	s17 =	sadd.s32 s0, s29;
	s10 =	sor.u32 $0x80, s7;
	[dreg:$0x5] =	wrdreg s31  }
.LBB2_12:
0x12: {  	s0 =	stileid.u32  }
0x13: {  	s0 =	sshll.u32 s0, $0x6  }
0x14: {  	[bflag:$0x0] =	sbarrier.arrive $0xFFFF;
	s3 =	sshrl.u32 s9, $0x3;
	s0 =	sor.u32 $0x1C03, s0  }
0x15: {  	[hbm:s17], [sflag:s0] =	dma.local [spmem:s3], $0x2800  }
0x16: {  	_ =	swait.ge [sflag:s19], $0x2800  }
0x17: {  	s25 =	sadd.s32 $0x1, s25;
	s31 =	rddreg [dreg:$0x4]  }
0x18: {  	p0 =	sne.s32 s25, s31  }
.Ltmp1:
0x19: {  	_ = 	snop;
	(pc) =	sbr.rel @!p0 .LBB2_13-.Ltmp1, $3  }
0x1a: {  	_ =	sdelay $0x1  }
0x1b: {  	[sflag:s19] =	ssyncset.done $0x0  }
0x1c: {  	[sflag:s19] =	ssyncadd.s32 $0xFFFFD800  }
.LBB2_1:
0x1d: {  	s0 =	simm.s32 $0x0;
	s3 =	simm.s32 $0x200  }
.LBB2_2:
0x1e: {  	p0 =	sne.s32 s3, $0xFE00;
	[tilespmem:s0+$0x2870] =	vst v0  }
0x1f: {  	[tilespmem:s0+$0x2800] =	vst v0  }
0x20: {  	[tilespmem:s0+$0x2810] =	vst v0  }
.Ltmp2:
0x21: {  	[tilespmem:s0+$0x2820] =	vst v0;
	(pc) =	sbr.rel @p0 .LBB2_2-.Ltmp2, $4  }
0x22: {  	[tilespmem:s0+$0x2830] =	vst v0  }
0x23: {  	[tilespmem:s0+$0x2840] =	vst v0  }
0x24: {  	[tilespmem:s0+$0x2850] =	vst v0  }
0x25: {  	[tilespmem:s0+$0x2860] =	vst v0;
	s0 =	sshra.s32 s3, $0x2;
	s3 =	sadd.s32 $0x200, s3  }
0x26: {  	[tilespmem:s0+$0x2870] =	vst v0  }
0x27: {  	[tilespmem:s0+$0x2800] =	vst v0  }
0x28: {  	[tilespmem:s0+$0x2810] =	vst v0  }
0x29: {  	[tilespmem:s0+$0x2820] =	vst v0  }
0x2a: {  	[tilespmem:s0+$0x2830] =	vst v0  }
0x2b: {  	[tilespmem:s0+$0x2840] =	vst v0  }
0x2c: {  	[tilespmem:s0+$0x2850] =	vst v0  }
0x2d: {  	[tilespmem:s0+$0x2860] =	vst v0  }
0x2e: {  	[spmem:s9] =	stream.linear.scatter [tilespmem:s18], [sflag:$0x3], $0x4000, $0x38;
	[tilespmem:$0x1E800] =	vst v63  }
0x2f: {  	_ =	swait.ge [sflag:s19], $0x4000  }
0x30: {  	[sflag:s19] =	ssyncset.done $0x0  }
0x31: {  	s31 =	rddreg [dreg:$0x5];
	[sflag:s19] =	ssyncadd.s32 $0xFFFFC000  }
0x32: {  	[spmem:s31] =	stream.linear.scatter [tilespmem:s18], [sflag:$0x3], $0x4000, $0x38;
	[tilespmem:$0x1E800] =	vst v63  }
0x33: {  	_ =	swait.ge [sflag:s19], $0x4000  }
0x34: {  	[sflag:s19] =	ssyncset.done $0x0  }
0x35: {  	[sflag:s19] =	ssyncadd.s32 $0xFFFFC000  }
0x36: {  	[spmem:s14] =	stream.linear.scatter [tilespmem:s18], [sflag:$0x3], $0x4000, $0x38;
	[tilespmem:$0x1E800] =	vst v63  }
0x37: {  	_ =	swait.ge [sflag:s19], $0x4000  }
0x38: {  	[sflag:s19] =	ssyncset.done $0x0  }
0x39: {  	[sflag:s19] =	ssyncadd.s32 $0xFFFFC000  }
0x3a: {  	[spmem:s15] =	stream.linear.scatter [tilespmem:s18], [sflag:$0x3], $0x4000, $0x38;
	[tilespmem:$0x1E800] =	vst v63  }
0x3b: {  	_ =	swait.ge [sflag:s19], $0x4000  }
0x3c: {  	[sflag:s19] =	ssyncset.done $0x0  }
0x3d: {  	[sflag:s19] =	ssyncadd.s32 $0xFFFFC000  }
0x3e: {  	[spmem:s16] =	stream.linear.scatter [tilespmem:s18], [sflag:$0x3], $0x4000, $0x38;
	[tilespmem:$0x1E800] =	vst v63  }
.Ltmp3:
0x3f: {  	_ =	swait.ge [sflag:s19], $0x4000;
	(pc) =	sbr.rel .LBB2_4-.Ltmp3, $4  }
0x40: {  	[sflag:s19] =	ssyncset.done $0x0  }
0x41: {  	[sflag:s19] =	ssyncadd.s32 $0xFFFFC000  }
0x42: {  	[bflag:$0x0] =	sbarrier.arrive $0xFFFF  }
0x43: {  	p1 =	por $0x1, $0x1;
	s0 =	simm.s32 $0x0  }
.LBB2_11:
.Ltmp4:
0x44: {  	(pc) =	sbr.rel @!p0 .LBB2_12-.Ltmp4, $2  }
0x45: {  	_ =	sdelay $0x2  }
0x46: {  	s0 =	simm.s32 $0x1;
	p1 =	por $0x0, $0x0  }
.LBB2_4:
0x47: {  	s3 =	smul.u32 $0x1400, s0;
	_ =	sdelay $0x1  }
0x48: {  	s28 =	sadd.s32 s7, s3  }
0x49: {  	s29 =	sshrl.u32 s28, $0x3  }
0x4a: {  	s30 =	sadd.s32 s5, s29  }
0x4b: {  	[tilespmem:s26], [sflag:$0x3] =	stream.linear.gather [hbm4b:s30+s26], $0x1400, $0x38;
	[tilespmem:$0x1E800] =	vst v63  }
0x4c: {  	_ =	swait.ge [sflag:s19], $0x1400  }
0x4d: {  	[sflag:s19] =	ssyncset.done $0x0  }
0x4e: {  	s29 =	sadd.s32 s6, s29;
	[sflag:s19] =	ssyncadd.s32 $0xFFFFEC00  }
0x4f: {  	[tilespmem:s20], [sflag:$0x3] =	stream.linear.gather [hbm4b:s29+s26], $0x1400, $0x38;
	[tilespmem:$0x1E800] =	vst v63  }
0x50: {  	_ =	swait.ge [sflag:s19], $0x1400  }
0x51: {  	s28 =	sshll.u32 s28, $0x4;
	[sflag:s19] =	ssyncset.done $0x0  }
0x52: {  	s28 =	sadd.s32 s8, s28;
	[sflag:s19] =	ssyncadd.s32 $0xFFFFEC00  }
0x53: {  	[tilespmem:s18], [sflag:$0x3] =	stream.linear.gather [hbm4b:s28+s26], $0x4000, $0x38;
	[tilespmem:$0x1E800] =	vst v63  }
0x54: {  	_ =	swait.ge [sflag:s19], $0x4000  }
0x55: {  	s3 =	sadd.s32 s3, s10;
	[sflag:s19] =	ssyncset.done $0x0  }
0x56: {  	s3 =	sshll.u32 s3, $0x4;
	[sflag:s19] =	ssyncadd.s32 $0xFFFFC000  }
0x57: {  	[tilespmem:s18], [sflag:$0x1] =	stream.indirect.gather.add.f32 [hbm:s1], $0x80, s26, s21, $0xb8;
	[tilespmem:$0x1E800] =	vst v63  }
0x58: {  	s3 =	sadd.s32 s8, s3  }
0x59: {  	[tilespmem:s22], [sflag:$0x3] =	stream.linear.gather [hbm4b:s3+s26], $0x4000, $0x38;
	[tilespmem:$0x1E800] =	vst v63  }
0x5a: {  	_ =	swait.ge [sflag:s19], $0x4000  }
0x5b: {  	p0 =	por p1, p1;
	[sflag:s19] =	ssyncset.done $0x0  }
0x5c: {  	s29 =	simm.s32 $0x0;
	s28 =	smul.u32 $0x28, s0;
	[sflag:s19] =	ssyncadd.s32 $0xFFFFC000  }
0x5d: {  	[tilespmem:s22], [sflag:$0x2] =	stream.indirect.gather.add.f32 [hbm:s1], $0x80, s21, s21, $0xb8;
	[tilespmem:$0x1E800] =	vst v63  }
.LBB2_5:
0x5e: {  	_ =	swait.ge [sflag:s23], $0x4000  }
0x5f: {  	[sflag:s23] =	ssyncset.done $0x0  }
0x60: {  	s30 =	simm.s32 $0x0;
	[sflag:s23] =	ssyncadd.s32 $0xFFFFC000  }
0x61: {  	v3 =	vld [tilespmem:s30+$0x2800]  }
0x62: {  	v5 =	vld [tilespmem:s30+$0x2810]  }
0x63: {  	v4 =	vld [tilespmem:s30+$0x2820]  }
0x64: {  	v2 =	vld [tilespmem:s30+$0x2830]  }
0x65: {  	v1 =	vld [tilespmem:s30+$0x2840]  }
0x66: {  	v6 =	vmax.f32 v3, $0.0e+00;
	v3 =	vld [tilespmem:s30+$0x2850]  }
0x67: {  	s0 =	simm.s32 $0x200;
	[tilespmem:s30+$0x2800] =	vst v6;
	v6 =	vmax.f32 v5, $0.0e+00;
	v5 =	vld [tilespmem:s30+$0x2860]  }
.LBB2_6:
0x68: {  	s3 =	sshra.s32 s0, $0x2;
	p1 =	sne.s32 s0, $0xFE00;
	[tilespmem:s30+$0x2810] =	vst v6;
	v4 =	vmax.f32 v4, $0.0e+00;
	v6 =	vld [tilespmem:s30+$0x2870]  }
0x69: {  	v7 =	vld [tilespmem:s3+$0x2800];
	[tilespmem:s30+$0x2820] =	vst v4;
	v2 =	vmax.f32 v2, $0.0e+00  }
0x6a: {  	v8 =	vld [tilespmem:s3+$0x2810];
	[tilespmem:s30+$0x2830] =	vst v2;
	v1 =	vmax.f32 v1, $0.0e+00  }
.Ltmp5:
0x6b: {  	v4 =	vld [tilespmem:s3+$0x2820];
	[tilespmem:s30+$0x2840] =	vst v1;
	v1 =	vmax.f32 v3, $0.0e+00;
	(pc) =	sbr.rel @p1 .LBB2_6-.Ltmp5, $4  }
0x6c: {  	v2 =	vld [tilespmem:s3+$0x2830];
	[tilespmem:s30+$0x2850] =	vst v1;
	v3 =	vmax.f32 v5, $0.0e+00  }
0x6d: {  	v1 =	vld [tilespmem:s3+$0x2840];
	[tilespmem:s30+$0x2860] =	vst v3;
	v5 =	vmax.f32 v6, $0.0e+00  }
0x6e: {  	v6 =	vmax.f32 v7, $0.0e+00;
	v3 =	vld [tilespmem:s3+$0x2850];
	[tilespmem:s30+$0x2870] =	vst v5;
	s30 =	smov.u32 s3  }
0x6f: {  	s0 =	sadd.s32 $0x200, s0;
	[tilespmem:s30+$0x2800] =	vst v6;
	v6 =	vmax.f32 v8, $0.0e+00;
	v5 =	vld [tilespmem:s30+$0x2860]  }
0x70: {  	[tilespmem:s30+$0x2810] =	vst v6;
	v4 =	vmax.f32 v4, $0.0e+00;
	v6 =	vld [tilespmem:s30+$0x2870]  }
0x71: {  	[tilespmem:s30+$0x2820] =	vst v4;
	v2 =	vmax.f32 v2, $0.0e+00  }
0x72: {  	[tilespmem:s30+$0x2830] =	vst v2;
	v1 =	vmax.f32 v1, $0.0e+00  }
0x73: {  	[tilespmem:s30+$0x2840] =	vst v1;
	v1 =	vmax.f32 v3, $0.0e+00  }
0x74: {  	s0 =	sshll.u32 s29, $0x8;
	[tilespmem:s30+$0x2850] =	vst v1;
	v1 =	vmax.f32 v5, $0.0e+00  }
0x75: {  	s31 =	sand.u32 $0x3FFFFF00, s0;
	[tilespmem:s30+$0x2860] =	vst v1;
	v1 =	vmax.f32 v6, $0.0e+00  }
0x76: {  	p1 =	seq.s32 s29, $0x13;
	s0 =	sadd.s32 $0x1400, s31;
	[tilespmem:s30+$0x2870] =	vst v1;
	s30 =	sshll.u32 s29, $0x1  }
0x77: {  	[spmem:s2] =	stream.indirect.scatter.add.f32 [tilespmem:s18], [sflag:$0x3], $0x80, s0, s21, $0xb8;
	[tilespmem:$0x1E800] =	vst v63  }
0x78: {  	s0 =	sadd.s32 @!p1 $0x2, s30  }
0x79: {  	s3 =	sadd.s32 @!p1 s28, s0  }
0x7a: {  	s3 =	sshll.u32 @!p1 s3, $0xE  }
0x7b: {  	_ =	swait.ge [sflag:s19], $0x4000;
	s3 =	sadd.s32 @!p1 s11, s3  }
0x7c: {  	s12 =	simm.s32 @!p1 $0x0;
	[sflag:s19] =	ssyncset.done $0x0;
	s3 =	sshrl.u32 @!p1 s3, $0x3  }
0x7d: {  	s13 =	simm.s32 @!p1 $0x2800;
	[sflag:s19] =	ssyncadd.s32 $0xFFFFC000;
	s3 =	sadd.s32 @!p1 s8, s3  }
0x7e: {  	[tilespmem:s13], [sflag:$0x3] =	stream.linear.gather @!p1 [hbm4b:s3+s12], $0x4000, $0x38;
	[tilespmem:$0x1E800] =	vst v63  }
0x7f: {  	s3 =	simm.s32 @!p1 $0x3  }
0x80: {  	_ =	swait.ge @!p1 [sflag:s3], $0x4000  }
0x81: {  	s0 =	sshll.u32 @!p1 s0, $0x7;
	[sflag:s3] =	ssyncset.done @!p1 $0x0  }
0x82: {  	s0 =	sand.u32 @!p1 $0x3FFFFF80, s0;
	[sflag:s3] =	ssyncadd.s32 @!p1 $0xFFFFC000;
	s3 =	simm.s32 @!p1 $0x80  }
0x83: {  	[tilespmem:s13], [sflag:$0x1] =	stream.indirect.gather.add.f32 @!p1 [hbm:s1], $0x80, s0, s3, $0xb8;
	[tilespmem:$0x1E800] =	vst v63  }
0x84: {  	_ =	swait.ge [sflag:s24], $0x4000  }
0x85: {  	[sflag:s24] =	ssyncset.done $0x0  }
0x86: {  	s0 =	simm.s32 $0x0;
	[sflag:s24] =	ssyncadd.s32 $0xFFFFC000  }
0x87: {  	v3 =	vld [tilespmem:s0+$0x6800]  }
0x88: {  	v5 =	vld [tilespmem:s0+$0x6810]  }
0x89: {  	v4 =	vld [tilespmem:s0+$0x6820]  }
0x8a: {  	v2 =	vld [tilespmem:s0+$0x6830]  }
0x8b: {  	v1 =	vld [tilespmem:s0+$0x6840]  }
0x8c: {  	v6 =	vmax.f32 v3, $0.0e+00;
	v3 =	vld [tilespmem:s0+$0x6850]  }
0x8d: {  	s3 =	simm.s32 $0x200;
	[tilespmem:s0+$0x6800] =	vst v6;
	v6 =	vmax.f32 v5, $0.0e+00;
	v5 =	vld [tilespmem:s0+$0x6860]  }
.LBB2_8:
0x8e: {  	s12 =	sshra.s32 s3, $0x2;
	p2 =	sne.s32 s3, $0xFE00;
	[tilespmem:s0+$0x6810] =	vst v6;
	v4 =	vmax.f32 v4, $0.0e+00;
	v6 =	vld [tilespmem:s0+$0x6870]  }
0x8f: {  	v7 =	vld [tilespmem:s12+$0x6800];
	[tilespmem:s0+$0x6820] =	vst v4;
	v2 =	vmax.f32 v2, $0.0e+00  }
0x90: {  	v8 =	vld [tilespmem:s12+$0x6810];
	[tilespmem:s0+$0x6830] =	vst v2;
	v1 =	vmax.f32 v1, $0.0e+00  }
.Ltmp6:
0x91: {  	v4 =	vld [tilespmem:s12+$0x6820];
	[tilespmem:s0+$0x6840] =	vst v1;
	v1 =	vmax.f32 v3, $0.0e+00;
	(pc) =	sbr.rel @p2 .LBB2_8-.Ltmp6, $4  }
0x92: {  	v2 =	vld [tilespmem:s12+$0x6830];
	[tilespmem:s0+$0x6850] =	vst v1;
	v3 =	vmax.f32 v5, $0.0e+00  }
0x93: {  	v1 =	vld [tilespmem:s12+$0x6840];
	[tilespmem:s0+$0x6860] =	vst v3;
	v5 =	vmax.f32 v6, $0.0e+00  }
0x94: {  	v6 =	vmax.f32 v7, $0.0e+00;
	v3 =	vld [tilespmem:s12+$0x6850];
	[tilespmem:s0+$0x6870] =	vst v5;
	s0 =	smov.u32 s12  }
0x95: {  	s3 =	sadd.s32 $0x200, s3;
	[tilespmem:s0+$0x6800] =	vst v6;
	v6 =	vmax.f32 v8, $0.0e+00;
	v5 =	vld [tilespmem:s0+$0x6860]  }
0x96: {  	[tilespmem:s0+$0x6810] =	vst v6;
	v4 =	vmax.f32 v4, $0.0e+00;
	v63 =	vld [tilespmem:s0+$0x6870]  }
0x97: {  	[tilespmem:s0+$0x6820] =	vst v4;
	v2 =	vmax.f32 v2, $0.0e+00  }
0x98: {  	[tilespmem:s0+$0x6830] =	vst v2;
	v1 =	vmax.f32 v1, $0.0e+00  }
0x99: {  	[tilespmem:s0+$0x6840] =	vst v1;
	v1 =	vmax.f32 v3, $0.0e+00  }
0x9a: {  	[tilespmem:s0+$0x6850] =	vst v1;
	v1 =	vmax.f32 v5, $0.0e+00  }
0x9b: {  	[tilespmem:s0+$0x6860] =	vst v1;
	v1 =	vmax.f32 v63, $0.0e+00  }
.Ltmp7:
0x9c: {  	s31 =	sadd.s32 $0x1480, s31;
	[tilespmem:s0+$0x6870] =	vst v1;
	(pc) =	sbr.rel @p1 .LBB2_11-.Ltmp7, $4  }
0x9d: {  	[spmem:s2] =	stream.indirect.scatter.add.f32 [tilespmem:s22], [sflag:$0x3], $0x80, s31, s21, $0xb8;
	[tilespmem:$0x1E800] =	vst v63  }
0x9e: {  	_ =	swait.ge [sflag:s19], $0x4000  }
0x9f: {  	[sflag:s19] =	ssyncset.done $0x0  }
0xa0: {  	[sflag:s19] =	ssyncadd.s32 $0xFFFFC000  }
0xa1: {  	s0 =	sadd.s32 $0x3, s30  }
0xa2: {  	s3 =	sadd.s32 s28, s0  }
0xa3: {  	s3 =	sshll.u32 s3, $0xE  }
0xa4: {  	s3 =	sadd.s32 s11, s3  }
0xa5: {  	s3 =	sshrl.u32 s3, $0x3  }
0xa6: {  	s3 =	sadd.s32 s8, s3  }
0xa7: {  	[tilespmem:s22], [sflag:$0x3] =	stream.linear.gather [hbm4b:s3+s4], $0x4000, $0x38;
	[tilespmem:$0x1E800] =	vst v63  }
.Ltmp8:
0xa8: {  	_ = 	snop;
	(pc) =	sbr.rel .LBB2_5-.Ltmp8, $4  }
0xa9: {  	_ =	swait.ge [sflag:s19], $0x4000  }
0xaa: {  	s0 =	sshll.u32 s0, $0x7;
	[sflag:s19] =	ssyncset.done $0x0  }
0xab: {  	s29 =	sadd.s32 $0x1, s29;
	s0 =	sand.u32 $0x3FFFFF80, s0;
	[sflag:s19] =	ssyncadd.s32 $0xFFFFC000  }
0xac: {  	[tilespmem:s22], [sflag:$0x2] =	stream.indirect.gather.add.f32 [hbm:s1], $0x80, s0, s21, $0xb8;
	[tilespmem:$0x1E800] =	vst v63  }
.LBB2_13:
0xad: {  	_ =	sfence.sel $0x180000  }
0xae: {  	[bflag:$0x0] =	sbarrier.arrive $0xFFFF  }
0xaf: {  	_ =	strace $0x9000004D  }
0xb0: {  	s0 =	stileid.u32;
	[bflag:$0x2] =	sbarrier.arrive $0xFFFF  }
0xb1: {  	p0 =	sne.s32 s0, $0x0;
	s0 =	rddreg [dreg:$0x3]  }
0xb2: {  	s0 =	sadd.s32 @!p0 $0x100000, s0  }
0xb3: {  	[sflag:s0] =	ssyncadd.tile.s32 @!p0 $0x1;
	_ =	shalt  }
.Lfunc_end2:
_tile_overlayer_lowered:
.L_overlay_start_2:
0xb4: {  	(tag) =	ssettag $0x2  }
0xb5: {  	s0 =	rddreg [dreg:$0x0];
	s2 =	stileid.u32  }
0xb6: {  	s1 =	rddreg [dreg:$0x1];
	p0 =	sne.s32 s2, $0x0  }
0xb7: {  	s3 =	rddreg [dreg:$0x2];
	[bflag:$0x3] =	sbarrier.arrive $0xFFFF;
	s2 =	simm.s32 @!p0 $0x1C03  }
0xb8: {  	[timem:s3], [sflag:s2] =	dma.local @!p0 [hbm:s0], s1  }
0xb9: {  	s0 =	simm.s32 @!p0 $0x3  }
0xba: {  	_ =	swait.ge @!p0 [sflag:s0], s1  }
0xbb: {  	s1 =	ssub.s32 @!p0 $0x0, s1;
	[sflag:s0] =	ssyncset.done @!p0 $0x0  }
0xbc: {  	[sflag:s0] =	ssyncadd.s32 @!p0 s1  }
0xbd: {  	[bflag:$0x3] =	sbarrier.arrive $0xFFFF  }
0xbe: {  	_ =	shalt  }

</sc_bundles>
